<compile_context>
chip_gen: v7x
topology: tpu7x:2x2x1
jax: 0.10.2.dev20260603
libtpu: 0.0.44.dev20260713+nightly
codegen_flags: <defaults>
</compile_context>

<pallas_src>
import functools

import jax
import jax.numpy as jnp
from jax import lax
from jax.experimental import pallas as pl
from jax.experimental.pallas import tpu as pltpu
from jax.experimental.pallas import tpu_sc as plsc

N = 10000
E = 320000
F = 128
NQ = 4
FQ = F // NQ
EF = 16
NEG_SLOPE = 0.2

NC = 2
NS = 16
CH = 128
E_PAD = ((E + NS * CH - 1) // (NS * CH)) * (NS * CH)
EPW = E_PAD // NS
NCH = EPW // CH
if NCH % 2:
    E_PAD += NS * CH
    EPW = E_PAD // NS
    NCH = EPW // CH
NPAD = 10240
RPT = NPAD // NS

BN = 1000
GRID = N // BN
BE = E // GRID


def _dense_body(x_ref, w_ref, al_ref, ar_ref, eft_ref, we_ref, ae_ref,
                f0_ref, f1_ref, f2_ref, f3_ref, el_ref, er_ref, ee_ref):
    f = jnp.dot(x_ref[...], w_ref[...], preferred_element_type=jnp.float32)
    for q, fq_ref in enumerate((f0_ref, f1_ref, f2_ref, f3_ref)):
        fq_ref[...] = f[:, q * FQ:(q + 1) * FQ]
    el_ref[0, 0, :] = jnp.sum(f * al_ref[0, :][None, :], axis=1)
    er_ref[0, 0, :] = jnp.sum(f * ar_ref[0, :][None, :], axis=1)
    v = jnp.sum(we_ref[...] * ae_ref[0, :][None, :], axis=1)
    ee_ref[0, 0, :] = jnp.sum(eft_ref[...] * v[:, None], axis=0)


_dense = pl.pallas_call(
    _dense_body,
    grid=(GRID,),
    in_specs=[
        pl.BlockSpec((BN, F), lambda i: (i, 0)),
        pl.BlockSpec((F, F), lambda i: (0, 0)),
        pl.BlockSpec((1, F), lambda i: (0, 0)),
        pl.BlockSpec((1, F), lambda i: (0, 0)),
        pl.BlockSpec((EF, BE), lambda i: (0, i)),
        pl.BlockSpec((EF, F), lambda i: (0, 0)),
        pl.BlockSpec((1, F), lambda i: (0, 0)),
    ],
    out_specs=[pl.BlockSpec((BN, FQ), lambda i: (i, 0))] * NQ + [
        pl.BlockSpec((1, 1, BN), lambda i: (i, 0, 0)),
        pl.BlockSpec((1, 1, BN), lambda i: (i, 0, 0)),
        pl.BlockSpec((1, 1, BE), lambda i: (i, 0, 0)),
    ],
    out_shape=[jax.ShapeDtypeStruct((N, FQ), jnp.float32)] * NQ + [
        jax.ShapeDtypeStruct((GRID, 1, BN), jnp.float32),
        jax.ShapeDtypeStruct((GRID, 1, BN), jnp.float32),
        jax.ShapeDtypeStruct((GRID, 1, BE), jnp.float32),
    ],
)


_sc_mesh = plsc.VectorSubcoreMesh(core_axis_name="c", subcore_axis_name="s")


@functools.partial(
    pl.kernel,
    out_type=[
        jax.ShapeDtypeStruct((NQ, NPAD, FQ), jnp.float32),
        jax.ShapeDtypeStruct((NPAD,), jnp.float32),
    ],
    mesh=_sc_mesh,
    compiler_params=pltpu.CompilerParams(needs_layout_passes=False,
                                         use_tc_tiling_on_sc=False),
    scratch_types=[
        pltpu.VMEM((NPAD,), jnp.float32),
        pltpu.VMEM((NPAD,), jnp.float32),
        pltpu.VMEM((EPW,), jnp.int32),
        pltpu.VMEM((NCH, CH), jnp.int32),
        pltpu.VMEM((EPW,), jnp.float32),
        pltpu.VMEM((CH, FQ), jnp.float32),
        pltpu.VMEM((CH, FQ), jnp.float32),
        pltpu.VMEM((RPT // 4, FQ), jnp.float32),
        pltpu.VMEM_SHARED((NPAD, FQ), jnp.float32),
        pltpu.VMEM_SHARED((NPAD,), jnp.float32),
        pltpu.SemaphoreType.DMA,
        pltpu.SemaphoreType.DMA,
    ],
)
def _sc_aggregate(f0_hbm, f1_hbm, f2_hbm, f3_hbm, src_hbm, dst2_hbm,
                  el_hbm, er_hbm, ee_hbm,
                  u_out, esum_out,
                  el_v, er_v, src_v, dst2_v, ee_v, rows0, rows1,
                  zbuf, u_sh, esum_sh, gsem0, gsem1):
    cid = lax.axis_index("c")
    sid = lax.axis_index("s")
    ebase = pl.multiple_of(sid * EPW, CH)
    rbase = pl.multiple_of(sid * RPT, CH)

    zeros16 = jnp.zeros((16,), jnp.float32)
    ZR = RPT // 4

    def _zero_row(r, carry):
        for q in range(FQ // 16):
            zbuf[r, pl.ds(q * 16, 16)] = zeros16
        return carry

    lax.fori_loop(0, ZR, _zero_row, 0)

    def _zero_e(i, carry):
        ee_v[pl.ds(i * 16, 16)] = zeros16
        return carry

    lax.fori_loop(0, RPT // 16, _zero_e, 0)

    for k in range(4):
        pltpu.sync_copy(zbuf, u_sh.at[pl.ds(rbase + k * ZR, ZR)])
    pltpu.sync_copy(ee_v.at[pl.ds(0, RPT)], esum_sh.at[pl.ds(rbase, RPT)])

    pltpu.sync_copy(el_hbm, el_v.at[pl.ds(0, N)])
    pltpu.sync_copy(er_hbm, er_v.at[pl.ds(0, N)])
    pltpu.sync_copy(src_hbm.at[pl.ds(ebase, EPW)], src_v)
    pltpu.sync_copy(dst2_hbm.at[sid], dst2_v)
    pltpu.sync_copy(ee_hbm.at[pl.ds(ebase, EPW)], ee_v)

    def _ex_body(i, carry):
        sl = pl.ds(i * 16, 16)
        lg = (plsc.load_gather(el_v, [src_v[sl]])
              + plsc.load_gather(er_v, [dst2_v[i // 8, pl.ds((i % 8) * 16, 16)]])
              + ee_v[sl])
        lg = jnp.where(lg >= 0, lg, NEG_SLOPE * lg)
        ee_v[sl] = jnp.exp(lg)
        return carry

    lax.fori_loop(0, EPW // 16, _ex_body, 0, unroll=2)
    plsc.subcore_barrier()

    def _gather(feat_hbm, c, rows, sem):
        pltpu.async_copy(feat_hbm.at[src_v.at[pl.ds(c * CH, CH)]], rows, sem)

    def _wait_gather(feat_hbm, c, rows, sem):
        pltpu.make_async_copy(feat_hbm.at[src_v.at[pl.ds(c * CH, CH)]],
                              rows, sem).wait()

    def _process(c, rows, do_esum):
        base = c * CH

        def _scale(j, carry):
            av = plsc.load_gather(ee_v, [jnp.full((16,), base + j, jnp.int32)])
            for q in range(FQ // 16):
                sl = pl.ds(q * 16, 16)
                rows[j, sl] = rows[j, sl] * av
            return carry

        lax.fori_loop(0, CH, _scale, 0, unroll=2)
        pltpu.sync_copy(rows, u_sh.at[dst2_v.at[c]], add=True)
        if do_esum:
            pltpu.sync_copy(ee_v.at[pl.ds(base, CH)], esum_sh.at[dst2_v.at[c]],
                            add=True)

    def _pass(feat_hbm, qid, do_esum, zero_next):
        _gather(feat_hbm, 0, rows0, gsem0)

        def _outer(g, carry):
            c0 = g * 2
            c1 = c0 + 1
            _wait_gather(feat_hbm, c0, rows0, gsem0)
            _gather(feat_hbm, c1, rows1, gsem1)
            _process(c0, rows0, do_esum)
            _wait_gather(feat_hbm, c1, rows1, gsem1)

            @pl.when(c1 + 1 < NCH)
            def _():
                _gather(feat_hbm, c1 + 1, rows0, gsem0)

            _process(c1, rows1, do_esum)
            return carry

        lax.fori_loop(0, NCH // 2, _outer, 0)
        plsc.subcore_barrier()
        pltpu.sync_copy(u_sh.at[pl.ds(rbase, RPT)],
                        u_out.at[qid, pl.ds(rbase, RPT)])
        if do_esum:
            pltpu.sync_copy(esum_sh.at[pl.ds(rbase, RPT)],
                            esum_out.at[pl.ds(rbase, RPT)])
        if zero_next:
            for k in range(4):
                pltpu.sync_copy(zbuf, u_sh.at[pl.ds(rbase + k * ZR, ZR)])
            plsc.subcore_barrier()

    @pl.when(cid == 0)
    def _():
        _pass(f0_hbm, 0, True, True)
        _pass(f1_hbm, 1, False, False)

    @pl.when(cid == 1)
    def _():
        _pass(f2_hbm, 2, False, True)
        _pass(f3_hbm, 3, False, False)


def _final_body(u_ref, es_ref, x_ref, b_ref, out_ref):
    u = jnp.concatenate([u_ref[q] for q in range(NQ)], axis=1)
    inv = 1.0 / (es_ref[:, 0] + 1e-9)
    out_ref[...] = u * inv[:, None] + x_ref[...] + b_ref[0, :][None, :]


_final = pl.pallas_call(
    _final_body,
    grid=(GRID,),
    in_specs=[
        pl.BlockSpec((NQ, BN, FQ), lambda i: (0, i, 0)),
        pl.BlockSpec((BN, 1), lambda i: (i, 0)),
        pl.BlockSpec((BN, F), lambda i: (i, 0)),
        pl.BlockSpec((1, F), lambda i: (0, 0)),
    ],
    out_specs=pl.BlockSpec((BN, F), lambda i: (i, 0)),
    out_shape=jax.ShapeDtypeStruct((N, F), jnp.float32),
)


def kernel(node_features, edge_index, edge_features, W, W_edge,
           attn_l, attn_r, attn_e, bias):
    src = edge_index[0]
    dst = edge_index[1]

    f0, f1, f2, f3, el2, er2, ee2 = _dense(
        node_features, W, attn_l.reshape(1, F), attn_r.reshape(1, F),
        edge_features.T, W_edge, attn_e.reshape(1, F))
    el = el2.reshape(N)
    er = er2.reshape(N)
    ee = ee2.reshape(E)

    pad = E_PAD - E
    spread = (jnp.arange(pad, dtype=jnp.int32) * 97) % N
    src_p = jnp.concatenate([src, spread])
    dst_p = jnp.concatenate([dst, spread])
    ee_p = jnp.concatenate([ee, jnp.full((pad,), -1e30, jnp.float32)])
    dst2 = dst_p.reshape(NS, NCH, CH)

    u, esum = _sc_aggregate(f0, f1, f2, f3, src_p, dst2, el, er, ee_p)
    return _final(u, esum.reshape(NPAD, 1), node_features,
                  bias.reshape(1, F))

# --- scband reference (transcript-rebuilt; emitter-appended) ---
"""Pipeline reference for scband-edge-gatmodel-72619307041228 (READ-ONLY COPY).

The authoritative reference and input builder live on the scoring server;
editing this copy changes nothing except your own understanding.
"""

import jax, jax.numpy as jnp
import numpy as np

N = 10000
E = 320000
IN_FEATS = 128
EDGE_FEATS = 16
OUT_FEATS = 128
NEG_SLOPE = 0.2


def setup_inputs(seed: int = 0) -> dict:
    key = jax.random.key(seed)
    ks = jax.random.split(key, 9)
    node_features = jax.random.normal(ks[0], (N, IN_FEATS), dtype=jnp.float32)
    edge_index = jax.random.randint(ks[1], (2, E), 0, N)
    edge_features = jax.random.normal(ks[2], (E, EDGE_FEATS), dtype=jnp.float32)
    # learned params of dgl.nn.EdgeGATConv(in_feats, edge_feats, out_feats, num_heads=1)
    W = jax.random.normal(ks[3], (IN_FEATS, OUT_FEATS), dtype=jnp.float32) / np.sqrt(IN_FEATS)
    W_edge = jax.random.normal(ks[4], (EDGE_FEATS, OUT_FEATS), dtype=jnp.float32) / np.sqrt(EDGE_FEATS)
    attn_l = jax.random.normal(ks[5], (OUT_FEATS,), dtype=jnp.float32) * 0.1
    attn_r = jax.random.normal(ks[6], (OUT_FEATS,), dtype=jnp.float32) * 0.1
    attn_e = jax.random.normal(ks[7], (OUT_FEATS,), dtype=jnp.float32) * 0.1
    bias = jax.random.normal(ks[8], (OUT_FEATS,), dtype=jnp.float32) * 0.01
    return {"node_features": node_features, "edge_index": edge_index,
            "edge_features": edge_features, "W": W, "W_edge": W_edge,
            "attn_l": attn_l, "attn_r": attn_r, "attn_e": attn_e, "bias": bias}


def _leaky_relu(x, slope):
    return jnp.where(x >= 0, x, slope * x)


def reference(node_features, edge_index, edge_features, W, W_edge, attn_l, attn_r, attn_e, bias):
    src = edge_index[0]
    dst = edge_index[1]
    # node / edge projections
    feat = node_features @ W                     # [N, F], num_heads=1
    fe = edge_features @ W_edge                  # [E, F]
    # per-node / per-edge attention logits
    el = (feat * attn_l).sum(-1)                 # [N]
    er = (feat * attn_r).sum(-1)                 # [N]
    ee = (fe * attn_e).sum(-1)                   # [E]
    e = _leaky_relu(el[src] + er[dst] + ee, NEG_SLOPE)  # [E]
    # edge softmax normalized over incoming edges of each dst node
    emax = jax.ops.segment_max(e, dst, num_segments=N)
    emax = jnp.where(jnp.isneginf(emax), 0.0, emax)
    ex = jnp.exp(e - emax[dst])
    esum = jax.ops.segment_sum(ex, dst, num_segments=N)
    a = ex / (esum[dst] + 1e-9)                  # [E]
    # message passing: m = ft[src] * a, aggregated by sum over dst
    m = feat[src] * a[:, None]                   # [E, F]
    rst = jax.ops.segment_sum(m, dst, num_segments=N)  # [N, F]
    # residual (Identity since in_feats == num_heads*out_feats) + bias, then squeeze(1) is a no-op here
    rst = rst + node_features
    rst = rst + bias
    return rst

if __name__ == "__main__":
    import jax
    _d = setup_inputs()
    print(jax.jit(kernel)(*tuple(_d.values())))

</pallas_src>

<mosaic_0001>
#map = affine_map<(d0, d1) -> (0, 0)>
#map1 = affine_map<(d0, d1) -> (0)>
#map2 = affine_map<(d0, d1) -> (0, 0, 0)>
module attributes {stable_mosaic.version = 14 : i64} {
  func.func @_sc_aggregate(%arg0: i32, %arg1: i32, %arg2: memref<10000x32xf32, #tpu.memory_space<hbm>>, %arg3: memref<10000x32xf32, #tpu.memory_space<hbm>>, %arg4: memref<10000x32xf32, #tpu.memory_space<hbm>>, %arg5: memref<10000x32xf32, #tpu.memory_space<hbm>>, %arg6: memref<323584xi32, #tpu.memory_space<hbm>>, %arg7: memref<16x158x128xi32, #tpu.memory_space<hbm>>, %arg8: memref<10000xf32, #tpu.memory_space<hbm>>, %arg9: memref<10000xf32, #tpu.memory_space<hbm>>, %arg10: memref<323584xf32, #tpu.memory_space<hbm>>, %arg11: memref<4x10240x32xf32, #tpu.memory_space<hbm>>, %arg12: memref<10240xf32, #tpu.memory_space<hbm>>, %arg13: memref<10240xf32, #tpu.memory_space<vmem>>, %arg14: memref<10240xf32, #tpu.memory_space<vmem>>, %arg15: memref<20224xi32, #tpu.memory_space<vmem>>, %arg16: memref<158x128xi32, #tpu.memory_space<vmem>>, %arg17: memref<20224xf32, #tpu.memory_space<vmem>>, %arg18: memref<128x32xf32, #tpu.memory_space<vmem>>, %arg19: memref<128x32xf32, #tpu.memory_space<vmem>>, %arg20: memref<160x32xf32, #tpu.memory_space<vmem>>, %arg21: memref<10240x32xf32, #tpu.memory_space<vmem_shared>>, %arg22: memref<10240xf32, #tpu.memory_space<vmem_shared>>, %arg23: memref<!tpu.dma_semaphore, #tpu.memory_space<semaphore_mem>>, %arg24: memref<!tpu.dma_semaphore, #tpu.memory_space<semaphore_mem>>) attributes {dimension_semantics = [#tpu.dimension_semantics<core_parallel>, #tpu.dimension_semantics<subcore_parallel>], iteration_bounds = array<i64: 2, 16>, scalar_prefetch = 0 : i64, scratch_operands = 12 : i64, tpu.core_type = #tpu.core_type<sc_vector_subcore>, window_params = [{transform_indices = #map}, {transform_indices = #map}, {transform_indices = #map}, {transform_indices = #map}, {transform_indices = #map1}, {transform_indices = #map2}, {transform_indices = #map1}, {transform_indices = #map1}, {transform_indices = #map1}, {transform_indices = #map2}, {transform_indices = #map1}]} {
    %mul3A = arith.constant 20224 : i32
    %mul3A_0 = arith.muli %arg1, %mul3A : i32
    %multiple_of3A = tpu.assume_multiple %mul3A_0, 128 : i32
    %mul3A_1 = arith.constant 640 : i32
    %mul3A_2 = arith.muli %arg1, %mul3A_1 : i32
    %multiple_of3A_3 = tpu.assume_multiple %mul3A_2, 128 : i32
    %broadcast_in_dim3A = arith.constant 0.000000e+00 : f32
    %broadcast_in_dim3A_4 = vector.broadcast %broadcast_in_dim3A : f32 to vector<16xf32>
    %scan3A = arith.constant 0 : i32
    %scan3A_5 = arith.constant 0 : i32
    %scan3A_6 = arith.constant 160 : i32
    %scan3A_7 = arith.addi %scan3A_5, %scan3A_6 : i32
    %scan3A_8 = arith.constant 1 : i32
    scf.for %scan3A_36 = %scan3A_5 to %scan3A_7 step %scan3A_8  : i32 {
      %swap3A = arith.index_cast %scan3A_36 : i32 to index
      %swap3A_37 = arith.constant 0 : index
      %swap3A_38 = tpu.vector_load %arg20[%swap3A, %swap3A_37] {strides = array<i32>} : memref<160x32xf32, #tpu.memory_space<vmem>>, vector<16xf32>,
      tpu.vector_store %arg20[%swap3A, %swap3A_37], %broadcast_in_dim3A_4 {strides = array<i32>} : memref<160x32xf32, #tpu.memory_space<vmem>>, vector<16xf32>,
      %swap3A_39 = arith.index_cast %scan3A_36 : i32 to index
      %swap3A_40 = arith.constant 16 : index
      %swap3A_41 = tpu.vector_load %arg20[%swap3A_39, %swap3A_40] {strides = array<i32>} : memref<160x32xf32, #tpu.memory_space<vmem>>, vector<16xf32>,
      tpu.vector_store %arg20[%swap3A_39, %swap3A_40], %broadcast_in_dim3A_4 {strides = array<i32>} : memref<160x32xf32, #tpu.memory_space<vmem>>, vector<16xf32>,
    }
    %scan3A_9 = arith.constant 160 : i32
    %scan3A_10 = arith.constant 0 : i32
    %scan3A_11 = arith.constant 0 : i32
    %scan3A_12 = arith.constant 40 : i32
    %scan3A_13 = arith.addi %scan3A_11, %scan3A_12 : i32
    %scan3A_14 = arith.constant 1 : i32
    scf.for %scan3A_36 = %scan3A_11 to %scan3A_13 step %scan3A_14  : i32 {
      %mul3A_37 = arith.constant 16 : i32
      %mul3A_38 = arith.muli %scan3A_36, %mul3A_37 : i32
      %swap3A = arith.index_cast %mul3A_38 : i32 to index
      %swap3A_39 = tpu.vector_load %arg17[%swap3A] {strides = array<i32>} : memref<20224xf32, #tpu.memory_space<vmem>>, vector<16xf32>,
      tpu.vector_store %arg17[%swap3A], %broadcast_in_dim3A_4 {strides = array<i32>} : memref<20224xf32, #tpu.memory_space<vmem>>, vector<16xf32>,
    }
    %scan3A_15 = arith.constant 40 : i32
    %add3A = arith.constant 0 : i32
    %add3A_16 = arith.addi %multiple_of3A_3, %add3A : i32
    "tpu.region"() ({
      %run_scoped3A = tpu.sem_alloc : memref<!tpu.dma_semaphore, #tpu.memory_space<semaphore_mem>>
      %dma_start3A = arith.constant 0 : i32
      %dma_start3A_36 = tpu.memref_slice %arg21[%add3A_16, %dma_start3A] : memref<10240x32xf32, #tpu.memory_space<vmem_shared>> -> memref<160x32xf32, #tpu.memory_space<vmem_shared>>
      %dma_start3A_37 = arith.constant 0 : i32
      %dma_start3A_38 = tpu.memref_slice %arg21[%add3A_16, %dma_start3A_37] : memref<10240x32xf32, #tpu.memory_space<vmem_shared>> -> memref<160x32xf32, #tpu.memory_space<vmem_shared>>
      tpu.enqueue_dma source(%arg20 : memref<160x32xf32, #tpu.memory_space<vmem>>) target(%dma_start3A_38 : memref<160x32xf32, #tpu.memory_space<vmem_shared>>) target_semaphore(%run_scoped3A : memref<!tpu.dma_semaphore, #tpu.memory_space<semaphore_mem>>)
      %dma_wait3A = arith.constant 0 : i32
      %dma_wait3A_39 = tpu.memref_slice %arg21[%add3A_16, %dma_wait3A] : memref<10240x32xf32, #tpu.memory_space<vmem_shared>> -> memref<160x32xf32, #tpu.memory_space<vmem_shared>>
      %dma_wait3A_40 = arith.constant 0 : i32
      %dma_wait3A_41 = tpu.memref_slice %arg21[%add3A_16, %dma_wait3A_40] : memref<10240x32xf32, #tpu.memory_space<vmem_shared>> -> memref<160x32xf32, #tpu.memory_space<vmem_shared>>
      tpu.wait_dma2 semaphore(%run_scoped3A : memref<!tpu.dma_semaphore, #tpu.memory_space<semaphore_mem>>) src(%arg20 : memref<160x32xf32, #tpu.memory_space<vmem>>) dst(%dma_wait3A_41 : memref<160x32xf32, #tpu.memory_space<vmem_shared>>)
      tpu.yield
    }) : () -> ()
    %add3A_17 = arith.constant 160 : i32
    %add3A_18 = arith.addi %multiple_of3A_3, %add3A_17 : i32
    "tpu.region"() ({
      %run_scoped3A = tpu.sem_alloc : memref<!tpu.dma_semaphore, #tpu.memory_space<semaphore_mem>>
      %dma_start3A = arith.constant 0 : i32
      %dma_start3A_36 = tpu.memref_slice %arg21[%add3A_18, %dma_start3A] : memref<10240x32xf32, #tpu.memory_space<vmem_shared>> -> memref<160x32xf32, #tpu.memory_space<vmem_shared>>
      %dma_start3A_37 = arith.constant 0 : i32
      %dma_start3A_38 = tpu.memref_slice %arg21[%add3A_18, %dma_start3A_37] : memref<10240x32xf32, #tpu.memory_space<vmem_shared>> -> memref<160x32xf32, #tpu.memory_space<vmem_shared>>
      tpu.enqueue_dma source(%arg20 : memref<160x32xf32, #tpu.memory_space<vmem>>) target(%dma_start3A_38 : memref<160x32xf32, #tpu.memory_space<vmem_shared>>) target_semaphore(%run_scoped3A : memref<!tpu.dma_semaphore, #tpu.memory_space<semaphore_mem>>)
      %dma_wait3A = arith.constant 0 : i32
      %dma_wait3A_39 = tpu.memref_slice %arg21[%add3A_18, %dma_wait3A] : memref<10240x32xf32, #tpu.memory_space<vmem_shared>> -> memref<160x32xf32, #tpu.memory_space<vmem_shared>>
      %dma_wait3A_40 = arith.constant 0 : i32
      %dma_wait3A_41 = tpu.memref_slice %arg21[%add3A_18, %dma_wait3A_40] : memref<10240x32xf32, #tpu.memory_space<vmem_shared>> -> memref<160x32xf32, #tpu.memory_space<vmem_shared>>
      tpu.wait_dma2 semaphore(%run_scoped3A : memref<!tpu.dma_semaphore, #tpu.memory_space<semaphore_mem>>) src(%arg20 : memref<160x32xf32, #tpu.memory_space<vmem>>) dst(%dma_wait3A_41 : memref<160x32xf32, #tpu.memory_space<vmem_shared>>)
      tpu.yield
    }) : () -> ()
    %add3A_19 = arith.constant 320 : i32
    %add3A_20 = arith.addi %multiple_of3A_3, %add3A_19 : i32
    "tpu.region"() ({
      %run_scoped3A = tpu.sem_alloc : memref<!tpu.dma_semaphore, #tpu.memory_space<semaphore_mem>>
      %dma_start3A = arith.constant 0 : i32
      %dma_start3A_36 = tpu.memref_slice %arg21[%add3A_20, %dma_start3A] : memref<10240x32xf32, #tpu.memory_space<vmem_shared>> -> memref<160x32xf32, #tpu.memory_space<vmem_shared>>
      %dma_start3A_37 = arith.constant 0 : i32
      %dma_start3A_38 = tpu.memref_slice %arg21[%add3A_20, %dma_start3A_37] : memref<10240x32xf32, #tpu.memory_space<vmem_shared>> -> memref<160x32xf32, #tpu.memory_space<vmem_shared>>
      tpu.enqueue_dma source(%arg20 : memref<160x32xf32, #tpu.memory_space<vmem>>) target(%dma_start3A_38 : memref<160x32xf32, #tpu.memory_space<vmem_shared>>) target_semaphore(%run_scoped3A : memref<!tpu.dma_semaphore, #tpu.memory_space<semaphore_mem>>)
      %dma_wait3A = arith.constant 0 : i32
      %dma_wait3A_39 = tpu.memref_slice %arg21[%add3A_20, %dma_wait3A] : memref<10240x32xf32, #tpu.memory_space<vmem_shared>> -> memref<160x32xf32, #tpu.memory_space<vmem_shared>>
      %dma_wait3A_40 = arith.constant 0 : i32
      %dma_wait3A_41 = tpu.memref_slice %arg21[%add3A_20, %dma_wait3A_40] : memref<10240x32xf32, #tpu.memory_space<vmem_shared>> -> memref<160x32xf32, #tpu.memory_space<vmem_shared>>
      tpu.wait_dma2 semaphore(%run_scoped3A : memref<!tpu.dma_semaphore, #tpu.memory_space<semaphore_mem>>) src(%arg20 : memref<160x32xf32, #tpu.memory_space<vmem>>) dst(%dma_wait3A_41 : memref<160x32xf32, #tpu.memory_space<vmem_shared>>)
      tpu.yield
    }) : () -> ()
    %add3A_21 = arith.constant 480 : i32
    %add3A_22 = arith.addi %multiple_of3A_3, %add3A_21 : i32
    "tpu.region"() ({
      %run_scoped3A = tpu.sem_alloc : memref<!tpu.dma_semaphore, #tpu.memory_space<semaphore_mem>>
      %dma_start3A = arith.constant 0 : i32
      %dma_start3A_36 = tpu.memref_slice %arg21[%add3A_22, %dma_start3A] : memref<10240x32xf32, #tpu.memory_space<vmem_shared>> -> memref<160x32xf32, #tpu.memory_space<vmem_shared>>
      %dma_start3A_37 = arith.constant 0 : i32
      %dma_start3A_38 = tpu.memref_slice %arg21[%add3A_22, %dma_start3A_37] : memref<10240x32xf32, #tpu.memory_space<vmem_shared>> -> memref<160x32xf32, #tpu.memory_space<vmem_shared>>
      tpu.enqueue_dma source(%arg20 : memref<160x32xf32, #tpu.memory_space<vmem>>) target(%dma_start3A_38 : memref<160x32xf32, #tpu.memory_space<vmem_shared>>) target_semaphore(%run_scoped3A : memref<!tpu.dma_semaphore, #tpu.memory_space<semaphore_mem>>)
      %dma_wait3A = arith.constant 0 : i32
      %dma_wait3A_39 = tpu.memref_slice %arg21[%add3A_22, %dma_wait3A] : memref<10240x32xf32, #tpu.memory_space<vmem_shared>> -> memref<160x32xf32, #tpu.memory_space<vmem_shared>>
      %dma_wait3A_40 = arith.constant 0 : i32
      %dma_wait3A_41 = tpu.memref_slice %arg21[%add3A_22, %dma_wait3A_40] : memref<10240x32xf32, #tpu.memory_space<vmem_shared>> -> memref<160x32xf32, #tpu.memory_space<vmem_shared>>
      tpu.wait_dma2 semaphore(%run_scoped3A : memref<!tpu.dma_semaphore, #tpu.memory_space<semaphore_mem>>) src(%arg20 : memref<160x32xf32, #tpu.memory_space<vmem>>) dst(%dma_wait3A_41 : memref<160x32xf32, #tpu.memory_space<vmem_shared>>)
      tpu.yield
    }) : () -> ()
    "tpu.region"() ({
      %run_scoped3A = tpu.sem_alloc : memref<!tpu.dma_semaphore, #tpu.memory_space<semaphore_mem>>
      %dma_start3A = arith.constant 0 : i32
      %dma_start3A_36 = tpu.memref_slice %arg17[%dma_start3A] : memref<20224xf32, #tpu.memory_space<vmem>> -> memref<640xf32, #tpu.memory_space<vmem>>
      %dma_start3A_37 = tpu.memref_slice %arg22[%multiple_of3A_3] : memref<10240xf32, #tpu.memory_space<vmem_shared>> -> memref<640xf32, #tpu.memory_space<vmem_shared>>
      %dma_start3A_38 = tpu.memref_slice %arg22[%multiple_of3A_3] : memref<10240xf32, #tpu.memory_space<vmem_shared>> -> memref<640xf32, #tpu.memory_space<vmem_shared>>
      %dma_start3A_39 = arith.constant 0 : i32
      %dma_start3A_40 = tpu.memref_slice %arg17[%dma_start3A_39] : memref<20224xf32, #tpu.memory_space<vmem>> -> memref<640xf32, #tpu.memory_space<vmem>>
      tpu.enqueue_dma source(%dma_start3A_40 : memref<640xf32, #tpu.memory_space<vmem>>) target(%dma_start3A_38 : memref<640xf32, #tpu.memory_space<vmem_shared>>) target_semaphore(%run_scoped3A : memref<!tpu.dma_semaphore, #tpu.memory_space<semaphore_mem>>)
      %dma_wait3A = arith.constant 0 : i32
      %dma_wait3A_41 = tpu.memref_slice %arg17[%dma_wait3A] : memref<20224xf32, #tpu.memory_space<vmem>> -> memref<640xf32, #tpu.memory_space<vmem>>
      %dma_wait3A_42 = tpu.memref_slice %arg22[%multiple_of3A_3] : memref<10240xf32, #tpu.memory_space<vmem_shared>> -> memref<640xf32, #tpu.memory_space<vmem_shared>>
      %dma_wait3A_43 = tpu.memref_slice %arg22[%multiple_of3A_3] : memref<10240xf32, #tpu.memory_space<vmem_shared>> -> memref<640xf32, #tpu.memory_space<vmem_shared>>
      %dma_wait3A_44 = arith.constant 0 : i32
      %dma_wait3A_45 = tpu.memref_slice %arg17[%dma_wait3A_44] : memref<20224xf32, #tpu.memory_space<vmem>> -> memref<640xf32, #tpu.memory_space<vmem>>
      tpu.wait_dma2 semaphore(%run_scoped3A : memref<!tpu.dma_semaphore, #tpu.memory_space<semaphore_mem>>) src(%dma_wait3A_45 : memref<640xf32, #tpu.memory_space<vmem>>) dst(%dma_wait3A_43 : memref<640xf32, #tpu.memory_space<vmem_shared>>)
      tpu.yield
    }) : () -> ()
    "tpu.region"() ({
      %run_scoped3A = tpu.sem_alloc : memref<!tpu.dma_semaphore, #tpu.memory_space<semaphore_mem>>
      %dma_start3A = arith.constant 0 : i32
      %dma_start3A_36 = tpu.memref_slice %arg13[%dma_start3A] : memref<10240xf32, #tpu.memory_space<vmem>> -> memref<10000xf32, #tpu.memory_space<vmem>>
      %dma_start3A_37 = arith.constant 0 : i32
      %dma_start3A_38 = tpu.memref_slice %arg13[%dma_start3A_37] : memref<10240xf32, #tpu.memory_space<vmem>> -> memref<10000xf32, #tpu.memory_space<vmem>>
      tpu.enqueue_dma source(%arg8 : memref<10000xf32, #tpu.memory_space<hbm>>) target(%dma_start3A_38 : memref<10000xf32, #tpu.memory_space<vmem>>) target_semaphore(%run_scoped3A : memref<!tpu.dma_semaphore, #tpu.memory_space<semaphore_mem>>)
      %dma_wait3A = arith.constant 0 : i32
      %dma_wait3A_39 = tpu.memref_slice %arg13[%dma_wait3A] : memref<10240xf32, #tpu.memory_space<vmem>> -> memref<10000xf32, #tpu.memory_space<vmem>>
      %dma_wait3A_40 = arith.constant 0 : i32
      %dma_wait3A_41 = tpu.memref_slice %arg13[%dma_wait3A_40] : memref<10240xf32, #tpu.memory_space<vmem>> -> memref<10000xf32, #tpu.memory_space<vmem>>
      tpu.wait_dma2 semaphore(%run_scoped3A : memref<!tpu.dma_semaphore, #tpu.memory_space<semaphore_mem>>) src(%arg8 : memref<10000xf32, #tpu.memory_space<hbm>>) dst(%dma_wait3A_41 : memref<10000xf32, #tpu.memory_space<vmem>>)
      tpu.yield
    }) : () -> ()
    "tpu.region"() ({
      %run_scoped3A = tpu.sem_alloc : memref<!tpu.dma_semaphore, #tpu.memory_space<semaphore_mem>>
      %dma_start3A = arith.constant 0 : i32
      %dma_start3A_36 = tpu.memref_slice %arg14[%dma_start3A] : memref<10240xf32, #tpu.memory_space<vmem>> -> memref<10000xf32, #tpu.memory_space<vmem>>
      %dma_start3A_37 = arith.constant 0 : i32
      %dma_start3A_38 = tpu.memref_slice %arg14[%dma_start3A_37] : memref<10240xf32, #tpu.memory_space<vmem>> -> memref<10000xf32, #tpu.memory_space<vmem>>
      tpu.enqueue_dma source(%arg9 : memref<10000xf32, #tpu.memory_space<hbm>>) target(%dma_start3A_38 : memref<10000xf32, #tpu.memory_space<vmem>>) target_semaphore(%run_scoped3A : memref<!tpu.dma_semaphore, #tpu.memory_space<semaphore_mem>>)
      %dma_wait3A = arith.constant 0 : i32
      %dma_wait3A_39 = tpu.memref_slice %arg14[%dma_wait3A] : memref<10240xf32, #tpu.memory_space<vmem>> -> memref<10000xf32, #tpu.memory_space<vmem>>
      %dma_wait3A_40 = arith.constant 0 : i32
      %dma_wait3A_41 = tpu.memref_slice %arg14[%dma_wait3A_40] : memref<10240xf32, #tpu.memory_space<vmem>> -> memref<10000xf32, #tpu.memory_space<vmem>>
      tpu.wait_dma2 semaphore(%run_scoped3A : memref<!tpu.dma_semaphore, #tpu.memory_space<semaphore_mem>>) src(%arg9 : memref<10000xf32, #tpu.memory_space<hbm>>) dst(%dma_wait3A_41 : memref<10000xf32, #tpu.memory_space<vmem>>)
      tpu.yield
    }) : () -> ()
    "tpu.region"() ({
      %run_scoped3A = tpu.sem_alloc : memref<!tpu.dma_semaphore, #tpu.memory_space<semaphore_mem>>
      %dma_start3A = tpu.memref_slice %arg6[%multiple_of3A] : memref<323584xi32, #tpu.memory_space<hbm>> -> memref<20224xi32, #tpu.memory_space<hbm>>
      %dma_start3A_36 = tpu.memref_slice %arg6[%multiple_of3A] : memref<323584xi32, #tpu.memory_space<hbm>> -> memref<20224xi32, #tpu.memory_space<hbm>>
      tpu.enqueue_dma source(%dma_start3A_36 : memref<20224xi32, #tpu.memory_space<hbm>>) target(%arg15 : memref<20224xi32, #tpu.memory_space<vmem>>) target_semaphore(%run_scoped3A : memref<!tpu.dma_semaphore, #tpu.memory_space<semaphore_mem>>)
      %dma_wait3A = tpu.memref_slice %arg6[%multiple_of3A] : memref<323584xi32, #tpu.memory_space<hbm>> -> memref<20224xi32, #tpu.memory_space<hbm>>
      %dma_wait3A_37 = tpu.memref_slice %arg6[%multiple_of3A] : memref<323584xi32, #tpu.memory_space<hbm>> -> memref<20224xi32, #tpu.memory_space<hbm>>
      tpu.wait_dma2 semaphore(%run_scoped3A : memref<!tpu.dma_semaphore, #tpu.memory_space<semaphore_mem>>) src(%dma_wait3A_37 : memref<20224xi32, #tpu.memory_space<hbm>>) dst(%arg15 : memref<20224xi32, #tpu.memory_space<vmem>>)
      tpu.yield
    }) : () -> ()
    "tpu.region"() ({
      %run_scoped3A = tpu.sem_alloc : memref<!tpu.dma_semaphore, #tpu.memory_space<semaphore_mem>>
      %dma_start3A = arith.constant 0 : i32
      %dma_start3A_36 = arith.constant 0 : i32
      %dma_start3A_37 = tpu.memref_slice %arg7[%arg1, %dma_start3A, %dma_start3A_36] : memref<16x158x128xi32, #tpu.memory_space<hbm>> -> memref<1x158x128xi32, #tpu.memory_space<hbm>>
      %dma_start3A_38 = tpu.memref_squeeze %dma_start3A_37 : memref<1x158x128xi32, #tpu.memory_space<hbm>> -> memref<158x128xi32, #tpu.memory_space<hbm>>
      %dma_start3A_39 = arith.constant 0 : i32
      %dma_start3A_40 = arith.constant 0 : i32
      %dma_start3A_41 = tpu.memref_slice %arg7[%arg1, %dma_start3A_39, %dma_start3A_40] : memref<16x158x128xi32, #tpu.memory_space<hbm>> -> memref<1x158x128xi32, #tpu.memory_space<hbm>>
      %dma_start3A_42 = tpu.memref_squeeze %dma_start3A_41 : memref<1x158x128xi32, #tpu.memory_space<hbm>> -> memref<158x128xi32, #tpu.memory_space<hbm>>
      tpu.enqueue_dma source(%dma_start3A_42 : memref<158x128xi32, #tpu.memory_space<hbm>>) target(%arg16 : memref<158x128xi32, #tpu.memory_space<vmem>>) target_semaphore(%run_scoped3A : memref<!tpu.dma_semaphore, #tpu.memory_space<semaphore_mem>>)
      %dma_wait3A = arith.constant 0 : i32
      %dma_wait3A_43 = arith.constant 0 : i32
      %dma_wait3A_44 = tpu.memref_slice %arg7[%arg1, %dma_wait3A, %dma_wait3A_43] : memref<16x158x128xi32, #tpu.memory_space<hbm>> -> memref<1x158x128xi32, #tpu.memory_space<hbm>>
      %dma_wait3A_45 = tpu.memref_squeeze %dma_wait3A_44 : memref<1x158x128xi32, #tpu.memory_space<hbm>> -> memref<158x128xi32, #tpu.memory_space<hbm>>
      %dma_wait3A_46 = arith.constant 0 : i32
      %dma_wait3A_47 = arith.constant 0 : i32
      %dma_wait3A_48 = tpu.memref_slice %arg7[%arg1, %dma_wait3A_46, %dma_wait3A_47] : memref<16x158x128xi32, #tpu.memory_space<hbm>> -> memref<1x158x128xi32, #tpu.memory_space<hbm>>
      %dma_wait3A_49 = tpu.memref_squeeze %dma_wait3A_48 : memref<1x158x128xi32, #tpu.memory_space<hbm>> -> memref<158x128xi32, #tpu.memory_space<hbm>>
      tpu.wait_dma2 semaphore(%run_scoped3A : memref<!tpu.dma_semaphore, #tpu.memory_space<semaphore_mem>>) src(%dma_wait3A_49 : memref<158x128xi32, #tpu.memory_space<hbm>>) dst(%arg16 : memref<158x128xi32, #tpu.memory_space<vmem>>)
      tpu.yield
    }) : () -> ()
    "tpu.region"() ({
      %run_scoped3A = tpu.sem_alloc : memref<!tpu.dma_semaphore, #tpu.memory_space<semaphore_mem>>
      %dma_start3A = tpu.memref_slice %arg10[%multiple_of3A] : memref<323584xf32, #tpu.memory_space<hbm>> -> memref<20224xf32, #tpu.memory_space<hbm>>
      %dma_start3A_36 = tpu.memref_slice %arg10[%multiple_of3A] : memref<323584xf32, #tpu.memory_space<hbm>> -> memref<20224xf32, #tpu.memory_space<hbm>>
      tpu.enqueue_dma source(%dma_start3A_36 : memref<20224xf32, #tpu.memory_space<hbm>>) target(%arg17 : memref<20224xf32, #tpu.memory_space<vmem>>) target_semaphore(%run_scoped3A : memref<!tpu.dma_semaphore, #tpu.memory_space<semaphore_mem>>)
      %dma_wait3A = tpu.memref_slice %arg10[%multiple_of3A] : memref<323584xf32, #tpu.memory_space<hbm>> -> memref<20224xf32, #tpu.memory_space<hbm>>
      %dma_wait3A_37 = tpu.memref_slice %arg10[%multiple_of3A] : memref<323584xf32, #tpu.memory_space<hbm>> -> memref<20224xf32, #tpu.memory_space<hbm>>
      tpu.wait_dma2 semaphore(%run_scoped3A : memref<!tpu.dma_semaphore, #tpu.memory_space<semaphore_mem>>) src(%dma_wait3A_37 : memref<20224xf32, #tpu.memory_space<hbm>>) dst(%arg17 : memref<20224xf32, #tpu.memory_space<vmem>>)
      tpu.yield
    }) : () -> ()
    %scan3A_23 = arith.constant 0 : i32
    %scan3A_24 = arith.constant 0 : i32
    %scan3A_25 = arith.constant 1264 : i32
    %scan3A_26 = arith.addi %scan3A_24, %scan3A_25 : i32
    %scan3A_27 = arith.constant 2 : i32
    scf.for %scan3A_36 = %scan3A_24 to %scan3A_26 step %scan3A_27  : i32 {
      %mul3A_37 = arith.constant 16 : i32
      %mul3A_38 = arith.muli %scan3A_36, %mul3A_37 : i32
      %get3A = arith.index_cast %mul3A_38 : i32 to index
      %get3A_39 = tpu.vector_load %arg15[%get3A] {strides = array<i32>} : memref<20224xi32, #tpu.memory_space<vmem>>, vector<16xi32>,
      %gather3A = tpu.vector_load_idx %arg13[%get3A_39] : memref<10240xf32, #tpu.memory_space<vmem>>[vector<16xi32>], vector<16xf32>,
      %jit3A = arith.constant 8 : i32
      %div3A = arith.divsi %scan3A_36, %jit3A : i32
      %sign3A = arith.constant 0 : i32
      %sign3A_40 = arith.cmpi sgt, %scan3A_36, %sign3A : i32
      %sign3A_41 = arith.extui %sign3A_40 : i1 to i32
      %sign3A_42 = arith.constant 0 : i32
      %sign3A_43 = arith.cmpi slt, %scan3A_36, %sign3A_42 : i32
      %sign3A_44 = arith.extui %sign3A_43 : i1 to i32
      %sign3A_45 = arith.subi %sign3A_41, %sign3A_44 : i32
      %sign3A_46 = arith.constant 0 : i32
      %sign3A_47 = arith.cmpi sgt, %jit3A, %sign3A_46 : i32
      %sign3A_48 = arith.extui %sign3A_47 : i1 to i32
      %sign3A_49 = arith.constant 0 : i32
      %sign3A_50 = arith.cmpi slt, %jit3A, %sign3A_49 : i32
      %sign3A_51 = arith.extui %sign3A_50 : i1 to i32
      %sign3A_52 = arith.subi %sign3A_48, %sign3A_51 : i32
      %ne3A = arith.cmpi ne, %sign3A_45, %sign3A_52 : i32
      %rem3A = arith.remsi %scan3A_36, %jit3A : i32
      %ne3A_53 = arith.constant 0 : i32
      %ne3A_54 = arith.cmpi ne, %rem3A, %ne3A_53 : i32
      %and3A = arith.andi %ne3A, %ne3A_54 : i1
      %sub3A = arith.constant 1 : i32
      %sub3A_55 = arith.subi %div3A, %sub3A : i32
      %select_n3A = arith.select %and3A, %sub3A_55, %div3A : i32
      %jit3A_56 = arith.constant 8 : i32
      %eq3A_57 = arith.constant 0 : i32
      %eq3A_58 = arith.cmpi eq, %jit3A_56, %eq3A_57 : i32
      %jit3A_59 = arith.constant 1 : i32
      %select_n3A_60 = arith.select %eq3A_58, %jit3A_59, %jit3A_56 : i32
      %rem3A_61 = arith.remsi %scan3A_36, %select_n3A_60 : i32
      %ne3A_62 = arith.constant 0 : i32
      %ne3A_63 = arith.cmpi ne, %rem3A_61, %ne3A_62 : i32
      %lt3A = arith.constant 0 : i32
      %lt3A_64 = arith.cmpi slt, %rem3A_61, %lt3A : i32
      %lt3A_65 = arith.constant 0 : i32
      %lt3A_66 = arith.cmpi slt, %select_n3A_60, %lt3A_65 : i32
      %ne3A_67 = arith.xori %lt3A_64, %lt3A_66 : i1
      %and3A_68 = arith.andi %ne3A_67, %ne3A_63 : i1
      %add3A_69 = arith.addi %rem3A_61, %select_n3A_60 : i32
      %select_n3A_70 = arith.select %and3A_68, %add3A_69, %rem3A_61 : i32
      %mul3A_71 = arith.constant 16 : i32
      %mul3A_72 = arith.muli %select_n3A_70, %mul3A_71 : i32
      %get3A_73 = arith.index_cast %select_n3A : i32 to index
      %get3A_74 = arith.index_cast %mul3A_72 : i32 to index
      %get3A_75 = tpu.vector_load %arg16[%get3A_73, %get3A_74] {strides = array<i32>} : memref<158x128xi32, #tpu.memory_space<vmem>>, vector<16xi32>,
      %gather3A_76 = tpu.vector_load_idx %arg14[%get3A_75] : memref<10240xf32, #tpu.memory_space<vmem>>[vector<16xi32>], vector<16xf32>,
      %add3A_77 = arith.addf %gather3A, %gather3A_76 : vector<16xf32>
      %get3A_78 = arith.index_cast %mul3A_38 : i32 to index
      %get3A_79 = tpu.vector_load %arg17[%get3A_78] {strides = array<i32>} : memref<20224xf32, #tpu.memory_space<vmem>>, vector<16xf32>,
      %add3A_80 = arith.addf %add3A_77, %get3A_79 : vector<16xf32>
      %ge3A = arith.constant 0.000000e+00 : f32
      %ge3A_81 = vector.broadcast %ge3A : f32 to vector<16xf32>
      %ge3A_82 = arith.cmpf oge, %add3A_80, %ge3A_81 : vector<16xf32>
      %mul3A_83 = arith.constant 2.000000e-01 : f32
      %mul3A_84 = vector.broadcast %mul3A_83 : f32 to vector<16xf32>
      %mul3A_85 = arith.mulf %mul3A_84, %add3A_80 : vector<16xf32>
      %select_n3A_86 = arith.select %ge3A_82, %add3A_80, %mul3A_85 : vector<16xi1>, vector<16xf32>
      %exp3A = math.exp %select_n3A_86 : vector<16xf32>
      %swap3A = arith.index_cast %mul3A_38 : i32 to index
      %swap3A_87 = tpu.vector_load %arg17[%swap3A] {strides = array<i32>} : memref<20224xf32, #tpu.memory_space<vmem>>, vector<16xf32>,
      tpu.vector_store %arg17[%swap3A], %exp3A {strides = array<i32>} : memref<20224xf32, #tpu.memory_space<vmem>>, vector<16xf32>,
      %scan3A_88 = arith.constant 1 : i32
      %scan3A_89 = arith.addi %scan3A_36, %scan3A_88 : i32
      %mul3A_90 = arith.constant 16 : i32
      %mul3A_91 = arith.muli %scan3A_89, %mul3A_90 : i32
      %get3A_92 = arith.index_cast %mul3A_91 : i32 to index
      %get3A_93 = tpu.vector_load %arg15[%get3A_92] {strides = array<i32>} : memref<20224xi32, #tpu.memory_space<vmem>>, vector<16xi32>,
      %gather3A_94 = tpu.vector_load_idx %arg13[%get3A_93] : memref<10240xf32, #tpu.memory_space<vmem>>[vector<16xi32>], vector<16xf32>,
      %jit3A_95 = arith.constant 8 : i32
      %div3A_96 = arith.divsi %scan3A_89, %jit3A_95 : i32
      %sign3A_97 = arith.constant 0 : i32
      %sign3A_98 = arith.cmpi sgt, %scan3A_89, %sign3A_97 : i32
      %sign3A_99 = arith.extui %sign3A_98 : i1 to i32
      %sign3A_100 = arith.constant 0 : i32
      %sign3A_101 = arith.cmpi slt, %scan3A_89, %sign3A_100 : i32
      %sign3A_102 = arith.extui %sign3A_101 : i1 to i32
      %sign3A_103 = arith.subi %sign3A_99, %sign3A_102 : i32
      %sign3A_104 = arith.constant 0 : i32
      %sign3A_105 = arith.cmpi sgt, %jit3A_95, %sign3A_104 : i32
      %sign3A_106 = arith.extui %sign3A_105 : i1 to i32
      %sign3A_107 = arith.constant 0 : i32
      %sign3A_108 = arith.cmpi slt, %jit3A_95, %sign3A_107 : i32
      %sign3A_109 = arith.extui %sign3A_108 : i1 to i32
      %sign3A_110 = arith.subi %sign3A_106, %sign3A_109 : i32
      %ne3A_111 = arith.cmpi ne, %sign3A_103, %sign3A_110 : i32
      %rem3A_112 = arith.remsi %scan3A_89, %jit3A_95 : i32
      %ne3A_113 = arith.constant 0 : i32
      %ne3A_114 = arith.cmpi ne, %rem3A_112, %ne3A_113 : i32
      %and3A_115 = arith.andi %ne3A_111, %ne3A_114 : i1
      %sub3A_116 = arith.constant 1 : i32
      %sub3A_117 = arith.subi %div3A_96, %sub3A_116 : i32
      %select_n3A_118 = arith.select %and3A_115, %sub3A_117, %div3A_96 : i32
      %jit3A_119 = arith.constant 8 : i32
      %eq3A_120 = arith.constant 0 : i32
      %eq3A_121 = arith.cmpi eq, %jit3A_119, %eq3A_120 : i32
      %jit3A_122 = arith.constant 1 : i32
      %select_n3A_123 = arith.select %eq3A_121, %jit3A_122, %jit3A_119 : i32
      %rem3A_124 = arith.remsi %scan3A_89, %select_n3A_123 : i32
      %ne3A_125 = arith.constant 0 : i32
      %ne3A_126 = arith.cmpi ne, %rem3A_124, %ne3A_125 : i32
      %lt3A_127 = arith.constant 0 : i32
      %lt3A_128 = arith.cmpi slt, %rem3A_124, %lt3A_127 : i32
      %lt3A_129 = arith.constant 0 : i32
      %lt3A_130 = arith.cmpi slt, %select_n3A_123, %lt3A_129 : i32
      %ne3A_131 = arith.xori %lt3A_128, %lt3A_130 : i1
      %and3A_132 = arith.andi %ne3A_131, %ne3A_126 : i1
      %add3A_133 = arith.addi %rem3A_124, %select_n3A_123 : i32
      %select_n3A_134 = arith.select %and3A_132, %add3A_133, %rem3A_124 : i32
      %mul3A_135 = arith.constant 16 : i32
      %mul3A_136 = arith.muli %select_n3A_134, %mul3A_135 : i32
      %get3A_137 = arith.index_cast %select_n3A_118 : i32 to index
      %get3A_138 = arith.index_cast %mul3A_136 : i32 to index
      %get3A_139 = tpu.vector_load %arg16[%get3A_137, %get3A_138] {strides = array<i32>} : memref<158x128xi32, #tpu.memory_space<vmem>>, vector<16xi32>,
      %gather3A_140 = tpu.vector_load_idx %arg14[%get3A_139] : memref<10240xf32, #tpu.memory_space<vmem>>[vector<16xi32>], vector<16xf32>,
      %add3A_141 = arith.addf %gather3A_94, %gather3A_140 : vector<16xf32>
      %get3A_142 = arith.index_cast %mul3A_91 : i32 to index
      %get3A_143 = tpu.vector_load %arg17[%get3A_142] {strides = array<i32>} : memref<20224xf32, #tpu.memory_space<vmem>>, vector<16xf32>,
      %add3A_144 = arith.addf %add3A_141, %get3A_143 : vector<16xf32>
      %ge3A_145 = arith.constant 0.000000e+00 : f32
      %ge3A_146 = vector.broadcast %ge3A_145 : f32 to vector<16xf32>
      %ge3A_147 = arith.cmpf oge, %add3A_144, %ge3A_146 : vector<16xf32>
      %mul3A_148 = arith.constant 2.000000e-01 : f32
      %mul3A_149 = vector.broadcast %mul3A_148 : f32 to vector<16xf32>
      %mul3A_150 = arith.mulf %mul3A_149, %add3A_144 : vector<16xf32>
      %select_n3A_151 = arith.select %ge3A_147, %add3A_144, %mul3A_150 : vector<16xi1>, vector<16xf32>
      %exp3A_152 = math.exp %select_n3A_151 : vector<16xf32>
      %swap3A_153 = arith.index_cast %mul3A_91 : i32 to index
      %swap3A_154 = tpu.vector_load %arg17[%swap3A_153] {strides = array<i32>} : memref<20224xf32, #tpu.memory_space<vmem>>, vector<16xf32>,
      tpu.vector_store %arg17[%swap3A_153], %exp3A_152 {strides = array<i32>} : memref<20224xf32, #tpu.memory_space<vmem>>, vector<16xf32>,
    }
    %scan3A_28 = arith.constant 1264 : i32
    %barrier3A = arith.constant 0 : index
    tpu.barrier barrier_id(%barrier3A)
    %eq3A = arith.constant 0 : i32
    %eq3A_29 = arith.cmpi eq, %arg0, %eq3A : i32
    %convert_element_type3A = arith.extui %eq3A_29 : i1 to i32
    %cond3A = arith.constant 0 : i32
    %cond3A_30 = arith.cmpi ne, %convert_element_type3A, %cond3A : i32
    scf.if %cond3A_30 {
      %dma_start3A = arith.constant 0 : i32
      %dma_start3A_36 = tpu.memref_slice %arg15[%dma_start3A] : memref<20224xi32, #tpu.memory_space<vmem>> -> memref<128xi32, #tpu.memory_space<vmem>>
      %dma_start3A_37 = arith.constant 0 : i32
      %dma_start3A_38 = arith.constant 0 : i32
      %dma_start3A_39 = tpu.memref_slice %arg2[%dma_start3A_37, %dma_start3A_38] : memref<10000x32xf32, #tpu.memory_space<hbm>> -> memref<10000x32xf32, #tpu.memory_space<hbm>>
      tpu.enqueue_indirect_dma source(%dma_start3A_39 : memref<10000x32xf32, #tpu.memory_space<hbm>>) target(%arg18 : memref<128x32xf32, #tpu.memory_space<vmem>>) offsets(%dma_start3A_36 : memref<128xi32, #tpu.memory_space<vmem>>) semaphore(%arg23 : memref<!tpu.dma_semaphore, #tpu.memory_space<semaphore_mem>>)
      %scan3A_40 = arith.constant 0 : i32
      %scan3A_41 = arith.constant 0 : i32
      %scan3A_42 = arith.constant 79 : i32
      %scan3A_43 = arith.addi %scan3A_41, %scan3A_42 : i32
      %scan3A_44 = arith.constant 1 : i32
      scf.for %scan3A_69 = %scan3A_41 to %scan3A_43 step %scan3A_44  : i32 {
        %mul3A_70 = arith.constant 2 : i32
        %mul3A_71 = arith.muli %scan3A_69, %mul3A_70 : i32
        %add3A_72 = arith.constant 1 : i32
        %add3A_73 = arith.addi %mul3A_71, %add3A_72 : i32
        %mul3A_74 = arith.constant 128 : i32
        %mul3A_75 = arith.muli %mul3A_71, %mul3A_74 : i32
        %dma_wait3A = tpu.memref_slice %arg15[%mul3A_75] : memref<20224xi32, #tpu.memory_space<vmem>> -> memref<128xi32, #tpu.memory_space<vmem>>
        %dma_wait3A_76 = arith.constant 0 : i32
        %dma_wait3A_77 = arith.constant 0 : i32
        %dma_wait3A_78 = tpu.memref_slice %arg2[%dma_wait3A_76, %dma_wait3A_77] : memref<10000x32xf32, #tpu.memory_space<hbm>> -> memref<10000x32xf32, #tpu.memory_space<hbm>>
        tpu.wait_indirect_dma semaphore(%arg23 : memref<!tpu.dma_semaphore, #tpu.memory_space<semaphore_mem>>) src(%dma_wait3A_78 : memref<10000x32xf32, #tpu.memory_space<hbm>>) dst(%arg18 : memref<128x32xf32, #tpu.memory_space<vmem>>)
        %mul3A_79 = arith.constant 128 : i32
        %mul3A_80 = arith.muli %add3A_73, %mul3A_79 : i32
        %dma_start3A_81 = tpu.memref_slice %arg15[%mul3A_80] : memref<20224xi32, #tpu.memory_space<vmem>> -> memref<128xi32, #tpu.memory_space<vmem>>
        %dma_start3A_82 = arith.constant 0 : i32
        %dma_start3A_83 = arith.constant 0 : i32
        %dma_start3A_84 = tpu.memref_slice %arg2[%dma_start3A_82, %dma_start3A_83] : memref<10000x32xf32, #tpu.memory_space<hbm>> -> memref<10000x32xf32, #tpu.memory_space<hbm>>
        tpu.enqueue_indirect_dma source(%dma_start3A_84 : memref<10000x32xf32, #tpu.memory_space<hbm>>) target(%arg19 : memref<128x32xf32, #tpu.memory_space<vmem>>) offsets(%dma_start3A_81 : memref<128xi32, #tpu.memory_space<vmem>>) semaphore(%arg24 : memref<!tpu.dma_semaphore, #tpu.memory_space<semaphore_mem>>)
        %mul3A_85 = arith.constant 128 : i32
        %mul3A_86 = arith.muli %mul3A_71, %mul3A_85 : i32
        %scan3A_87 = arith.constant 0 : i32
        %scan3A_88 = arith.constant 0 : i32
        %scan3A_89 = arith.constant 128 : i32
        %scan3A_90 = arith.addi %scan3A_88, %scan3A_89 : i32
        %scan3A_91 = arith.constant 2 : i32
        scf.for %scan3A_113 = %scan3A_88 to %scan3A_90 step %scan3A_91  : i32 {
          %add3A_114 = arith.addi %mul3A_86, %scan3A_113 : i32
          %broadcast_in_dim3A_115 = vector.broadcast %add3A_114 : i32 to vector<16xi32>
          %gather3A = tpu.vector_load_idx %arg17[%broadcast_in_dim3A_115] : memref<20224xf32, #tpu.memory_space<vmem>>[vector<16xi32>], vector<16xf32>,
          %get3A = arith.index_cast %scan3A_113 : i32 to index
          %get3A_116 = arith.constant 0 : index
          %get3A_117 = tpu.vector_load %arg18[%get3A, %get3A_116] {strides = array<i32>} : memref<128x32xf32, #tpu.memory_space<vmem>>, vector<16xf32>,
          %mul3A_118 = arith.mulf %get3A_117, %gather3A : vector<16xf32>
          %swap3A = arith.index_cast %scan3A_113 : i32 to index
          %swap3A_119 = arith.constant 0 : index
          %swap3A_120 = tpu.vector_load %arg18[%swap3A, %swap3A_119] {strides = array<i32>} : memref<128x32xf32, #tpu.memory_space<vmem>>, vector<16xf32>,
          tpu.vector_store %arg18[%swap3A, %swap3A_119], %mul3A_118 {strides = array<i32>} : memref<128x32xf32, #tpu.memory_space<vmem>>, vector<16xf32>,
          %get3A_121 = arith.index_cast %scan3A_113 : i32 to index
          %get3A_122 = arith.constant 16 : index
          %get3A_123 = tpu.vector_load %arg18[%get3A_121, %get3A_122] {strides = array<i32>} : memref<128x32xf32, #tpu.memory_space<vmem>>, vector<16xf32>,
          %mul3A_124 = arith.mulf %get3A_123, %gather3A : vector<16xf32>
          %swap3A_125 = arith.index_cast %scan3A_113 : i32 to index
          %swap3A_126 = arith.constant 16 : index
          %swap3A_127 = tpu.vector_load %arg18[%swap3A_125, %swap3A_126] {strides = array<i32>} : memref<128x32xf32, #tpu.memory_space<vmem>>, vector<16xf32>,
          tpu.vector_store %arg18[%swap3A_125, %swap3A_126], %mul3A_124 {strides = array<i32>} : memref<128x32xf32, #tpu.memory_space<vmem>>, vector<16xf32>,
          %scan3A_128 = arith.constant 1 : i32
          %scan3A_129 = arith.addi %scan3A_113, %scan3A_128 : i32
          %add3A_130 = arith.addi %mul3A_86, %scan3A_129 : i32
          %broadcast_in_dim3A_131 = vector.broadcast %add3A_130 : i32 to vector<16xi32>
          %gather3A_132 = tpu.vector_load_idx %arg17[%broadcast_in_dim3A_131] : memref<20224xf32, #tpu.memory_space<vmem>>[vector<16xi32>], vector<16xf32>,
          %get3A_133 = arith.index_cast %scan3A_129 : i32 to index
          %get3A_134 = arith.constant 0 : index
          %get3A_135 = tpu.vector_load %arg18[%get3A_133, %get3A_134] {strides = array<i32>} : memref<128x32xf32, #tpu.memory_space<vmem>>, vector<16xf32>,
          %mul3A_136 = arith.mulf %get3A_135, %gather3A_132 : vector<16xf32>
          %swap3A_137 = arith.index_cast %scan3A_129 : i32 to index
          %swap3A_138 = arith.constant 0 : index
          %swap3A_139 = tpu.vector_load %arg18[%swap3A_137, %swap3A_138] {strides = array<i32>} : memref<128x32xf32, #tpu.memory_space<vmem>>, vector<16xf32>,
          tpu.vector_store %arg18[%swap3A_137, %swap3A_138], %mul3A_136 {strides = array<i32>} : memref<128x32xf32, #tpu.memory_space<vmem>>, vector<16xf32>,
          %get3A_140 = arith.index_cast %scan3A_129 : i32 to index
          %get3A_141 = arith.constant 16 : index
          %get3A_142 = tpu.vector_load %arg18[%get3A_140, %get3A_141] {strides = array<i32>} : memref<128x32xf32, #tpu.memory_space<vmem>>, vector<16xf32>,
          %mul3A_143 = arith.mulf %get3A_142, %gather3A_132 : vector<16xf32>
          %swap3A_144 = arith.index_cast %scan3A_129 : i32 to index
          %swap3A_145 = arith.constant 16 : index
          %swap3A_146 = tpu.vector_load %arg18[%swap3A_144, %swap3A_145] {strides = array<i32>} : memref<128x32xf32, #tpu.memory_space<vmem>>, vector<16xf32>,
          tpu.vector_store %arg18[%swap3A_144, %swap3A_145], %mul3A_143 {strides = array<i32>} : memref<128x32xf32, #tpu.memory_space<vmem>>, vector<16xf32>,
        }
        %scan3A_92 = arith.constant 128 : i32
        "tpu.region"() ({
          %run_scoped3A_113 = tpu.sem_alloc : memref<!tpu.dma_semaphore, #tpu.memory_space<semaphore_mem>>
          %dma_start3A_114 = arith.constant 0 : i32
          %dma_start3A_115 = tpu.memref_slice %arg16[%mul3A_71, %dma_start3A_114] : memref<158x128xi32, #tpu.memory_space<vmem>> -> memref<1x128xi32, #tpu.memory_space<vmem>>
          %dma_start3A_116 = tpu.memref_squeeze %dma_start3A_115 : memref<1x128xi32, #tpu.memory_space<vmem>> -> memref<128xi32, #tpu.memory_space<vmem>>
          %dma_start3A_117 = arith.constant 0 : i32
          %dma_start3A_118 = arith.constant 0 : i32
          %dma_start3A_119 = tpu.memref_slice %arg21[%dma_start3A_117, %dma_start3A_118] : memref<10240x32xf32, #tpu.memory_space<vmem_shared>> -> memref<10240x32xf32, #tpu.memory_space<vmem_shared>>
          tpu.enqueue_indirect_dma source(%arg18 : memref<128x32xf32, #tpu.memory_space<vmem>>) target(%dma_start3A_119 : memref<10240x32xf32, #tpu.memory_space<vmem_shared>>) offsets(%dma_start3A_116 : memref<128xi32, #tpu.memory_space<vmem>>) semaphore(%run_scoped3A_113 : memref<!tpu.dma_semaphore, #tpu.memory_space<semaphore_mem>>) {add = true}
          %dma_wait3A_120 = arith.constant 0 : i32
          %dma_wait3A_121 = tpu.memref_slice %arg16[%mul3A_71, %dma_wait3A_120] : memref<158x128xi32, #tpu.memory_space<vmem>> -> memref<1x128xi32, #tpu.memory_space<vmem>>
          %dma_wait3A_122 = tpu.memref_squeeze %dma_wait3A_121 : memref<1x128xi32, #tpu.memory_space<vmem>> -> memref<128xi32, #tpu.memory_space<vmem>>
          %dma_wait3A_123 = arith.constant 0 : i32
          %dma_wait3A_124 = arith.constant 0 : i32
          %dma_wait3A_125 = tpu.memref_slice %arg21[%dma_wait3A_123, %dma_wait3A_124] : memref<10240x32xf32, #tpu.memory_space<vmem_shared>> -> memref<10240x32xf32, #tpu.memory_space<vmem_shared>>
          tpu.wait_indirect_dma semaphore(%run_scoped3A_113 : memref<!tpu.dma_semaphore, #tpu.memory_space<semaphore_mem>>) src(%arg18 : memref<128x32xf32, #tpu.memory_space<vmem>>) dst(%dma_wait3A_125 : memref<10240x32xf32, #tpu.memory_space<vmem_shared>>)
          tpu.yield
        }) : () -> ()
        "tpu.region"() ({
          %run_scoped3A_113 = tpu.sem_alloc : memref<!tpu.dma_semaphore, #tpu.memory_space<semaphore_mem>>
          %dma_start3A_114 = tpu.memref_slice %arg17[%mul3A_86] : memref<20224xf32, #tpu.memory_space<vmem>> -> memref<128xf32, #tpu.memory_space<vmem>>
          %dma_start3A_115 = arith.constant 0 : i32
          %dma_start3A_116 = tpu.memref_slice %arg16[%mul3A_71, %dma_start3A_115] : memref<158x128xi32, #tpu.memory_space<vmem>> -> memref<1x128xi32, #tpu.memory_space<vmem>>
          %dma_start3A_117 = tpu.memref_squeeze %dma_start3A_116 : memref<1x128xi32, #tpu.memory_space<vmem>> -> memref<128xi32, #tpu.memory_space<vmem>>
          %dma_start3A_118 = arith.constant 0 : i32
          %dma_start3A_119 = tpu.memref_slice %arg22[%dma_start3A_118] : memref<10240xf32, #tpu.memory_space<vmem_shared>> -> memref<10240xf32, #tpu.memory_space<vmem_shared>>
          tpu.enqueue_indirect_dma source(%dma_start3A_114 : memref<128xf32, #tpu.memory_space<vmem>>) target(%dma_start3A_119 : memref<10240xf32, #tpu.memory_space<vmem_shared>>) offsets(%dma_start3A_117 : memref<128xi32, #tpu.memory_space<vmem>>) semaphore(%run_scoped3A_113 : memref<!tpu.dma_semaphore, #tpu.memory_space<semaphore_mem>>) {add = true}
          %dma_wait3A_120 = tpu.memref_slice %arg17[%mul3A_86] : memref<20224xf32, #tpu.memory_space<vmem>> -> memref<128xf32, #tpu.memory_space<vmem>>
          %dma_wait3A_121 = arith.constant 0 : i32
          %dma_wait3A_122 = tpu.memref_slice %arg16[%mul3A_71, %dma_wait3A_121] : memref<158x128xi32, #tpu.memory_space<vmem>> -> memref<1x128xi32, #tpu.memory_space<vmem>>
          %dma_wait3A_123 = tpu.memref_squeeze %dma_wait3A_122 : memref<1x128xi32, #tpu.memory_space<vmem>> -> memref<128xi32, #tpu.memory_space<vmem>>
          %dma_wait3A_124 = arith.constant 0 : i32
          %dma_wait3A_125 = tpu.memref_slice %arg22[%dma_wait3A_124] : memref<10240xf32, #tpu.memory_space<vmem_shared>> -> memref<10240xf32, #tpu.memory_space<vmem_shared>>
          tpu.wait_indirect_dma semaphore(%run_scoped3A_113 : memref<!tpu.dma_semaphore, #tpu.memory_space<semaphore_mem>>) src(%dma_wait3A_120 : memref<128xf32, #tpu.memory_space<vmem>>) dst(%dma_wait3A_125 : memref<10240xf32, #tpu.memory_space<vmem_shared>>)
          tpu.yield
        }) : () -> ()
        %mul3A_93 = arith.constant 128 : i32
        %mul3A_94 = arith.muli %add3A_73, %mul3A_93 : i32
        %dma_wait3A_95 = tpu.memref_slice %arg15[%mul3A_94] : memref<20224xi32, #tpu.memory_space<vmem>> -> memref<128xi32, #tpu.memory_space<vmem>>
        %dma_wait3A_96 = arith.constant 0 : i32
        %dma_wait3A_97 = arith.constant 0 : i32
        %dma_wait3A_98 = tpu.memref_slice %arg2[%dma_wait3A_96, %dma_wait3A_97] : memref<10000x32xf32, #tpu.memory_space<hbm>> -> memref<10000x32xf32, #tpu.memory_space<hbm>>
        tpu.wait_indirect_dma semaphore(%arg24 : memref<!tpu.dma_semaphore, #tpu.memory_space<semaphore_mem>>) src(%dma_wait3A_98 : memref<10000x32xf32, #tpu.memory_space<hbm>>) dst(%arg19 : memref<128x32xf32, #tpu.memory_space<vmem>>)
        %add3A_99 = arith.constant 1 : i32
        %add3A_100 = arith.addi %add3A_73, %add3A_99 : i32
        %lt3A = arith.constant 158 : i32
        %lt3A_101 = arith.cmpi slt, %add3A_100, %lt3A : i32
        %convert_element_type3A_102 = arith.extui %lt3A_101 : i1 to i32
        %cond3A_103 = arith.constant 0 : i32
        %cond3A_104 = arith.cmpi ne, %convert_element_type3A_102, %cond3A_103 : i32
        scf.if %cond3A_104 {
          %add3A_113 = arith.constant 1 : i32
          %add3A_114 = arith.addi %add3A_73, %add3A_113 : i32
          %mul3A_115 = arith.constant 128 : i32
          %mul3A_116 = arith.muli %add3A_114, %mul3A_115 : i32
          %dma_start3A_117 = tpu.memref_slice %arg15[%mul3A_116] : memref<20224xi32, #tpu.memory_space<vmem>> -> memref<128xi32, #tpu.memory_space<vmem>>
          %dma_start3A_118 = arith.constant 0 : i32
          %dma_start3A_119 = arith.constant 0 : i32
          %dma_start3A_120 = tpu.memref_slice %arg2[%dma_start3A_118, %dma_start3A_119] : memref<10000x32xf32, #tpu.memory_space<hbm>> -> memref<10000x32xf32, #tpu.memory_space<hbm>>
          tpu.enqueue_indirect_dma source(%dma_start3A_120 : memref<10000x32xf32, #tpu.memory_space<hbm>>) target(%arg18 : memref<128x32xf32, #tpu.memory_space<vmem>>) offsets(%dma_start3A_117 : memref<128xi32, #tpu.memory_space<vmem>>) semaphore(%arg23 : memref<!tpu.dma_semaphore, #tpu.memory_space<semaphore_mem>>)
        } else {
        }
        %mul3A_105 = arith.constant 128 : i32
        %mul3A_106 = arith.muli %add3A_73, %mul3A_105 : i32
        %scan3A_107 = arith.constant 0 : i32
        %scan3A_108 = arith.constant 0 : i32
        %scan3A_109 = arith.constant 128 : i32
        %scan3A_110 = arith.addi %scan3A_108, %scan3A_109 : i32
        %scan3A_111 = arith.constant 2 : i32
        scf.for %scan3A_113 = %scan3A_108 to %scan3A_110 step %scan3A_111  : i32 {
          %add3A_114 = arith.addi %mul3A_106, %scan3A_113 : i32
          %broadcast_in_dim3A_115 = vector.broadcast %add3A_114 : i32 to vector<16xi32>
          %gather3A = tpu.vector_load_idx %arg17[%broadcast_in_dim3A_115] : memref<20224xf32, #tpu.memory_space<vmem>>[vector<16xi32>], vector<16xf32>,
          %get3A = arith.index_cast %scan3A_113 : i32 to index
          %get3A_116 = arith.constant 0 : index
          %get3A_117 = tpu.vector_load %arg19[%get3A, %get3A_116] {strides = array<i32>} : memref<128x32xf32, #tpu.memory_space<vmem>>, vector<16xf32>,
          %mul3A_118 = arith.mulf %get3A_117, %gather3A : vector<16xf32>
          %swap3A = arith.index_cast %scan3A_113 : i32 to index
          %swap3A_119 = arith.constant 0 : index
          %swap3A_120 = tpu.vector_load %arg19[%swap3A, %swap3A_119] {strides = array<i32>} : memref<128x32xf32, #tpu.memory_space<vmem>>, vector<16xf32>,
          tpu.vector_store %arg19[%swap3A, %swap3A_119], %mul3A_118 {strides = array<i32>} : memref<128x32xf32, #tpu.memory_space<vmem>>, vector<16xf32>,
          %get3A_121 = arith.index_cast %scan3A_113 : i32 to index
          %get3A_122 = arith.constant 16 : index
          %get3A_123 = tpu.vector_load %arg19[%get3A_121, %get3A_122] {strides = array<i32>} : memref<128x32xf32, #tpu.memory_space<vmem>>, vector<16xf32>,
          %mul3A_124 = arith.mulf %get3A_123, %gather3A : vector<16xf32>
          %swap3A_125 = arith.index_cast %scan3A_113 : i32 to index
          %swap3A_126 = arith.constant 16 : index
          %swap3A_127 = tpu.vector_load %arg19[%swap3A_125, %swap3A_126] {strides = array<i32>} : memref<128x32xf32, #tpu.memory_space<vmem>>, vector<16xf32>,
          tpu.vector_store %arg19[%swap3A_125, %swap3A_126], %mul3A_124 {strides = array<i32>} : memref<128x32xf32, #tpu.memory_space<vmem>>, vector<16xf32>,
          %scan3A_128 = arith.constant 1 : i32
          %scan3A_129 = arith.addi %scan3A_113, %scan3A_128 : i32
          %add3A_130 = arith.addi %mul3A_106, %scan3A_129 : i32
          %broadcast_in_dim3A_131 = vector.broadcast %add3A_130 : i32 to vector<16xi32>
          %gather3A_132 = tpu.vector_load_idx %arg17[%broadcast_in_dim3A_131] : memref<20224xf32, #tpu.memory_space<vmem>>[vector<16xi32>], vector<16xf32>,
          %get3A_133 = arith.index_cast %scan3A_129 : i32 to index
          %get3A_134 = arith.constant 0 : index
          %get3A_135 = tpu.vector_load %arg19[%get3A_133, %get3A_134] {strides = array<i32>} : memref<128x32xf32, #tpu.memory_space<vmem>>, vector<16xf32>,
          %mul3A_136 = arith.mulf %get3A_135, %gather3A_132 : vector<16xf32>
          %swap3A_137 = arith.index_cast %scan3A_129 : i32 to index
          %swap3A_138 = arith.constant 0 : index
          %swap3A_139 = tpu.vector_load %arg19[%swap3A_137, %swap3A_138] {strides = array<i32>} : memref<128x32xf32, #tpu.memory_space<vmem>>, vector<16xf32>,
          tpu.vector_store %arg19[%swap3A_137, %swap3A_138], %mul3A_136 {strides = array<i32>} : memref<128x32xf32, #tpu.memory_space<vmem>>, vector<16xf32>,
          %get3A_140 = arith.index_cast %scan3A_129 : i32 to index
          %get3A_141 = arith.constant 16 : index
          %get3A_142 = tpu.vector_load %arg19[%get3A_140, %get3A_141] {strides = array<i32>} : memref<128x32xf32, #tpu.memory_space<vmem>>, vector<16xf32>,
          %mul3A_143 = arith.mulf %get3A_142, %gather3A_132 : vector<16xf32>
          %swap3A_144 = arith.index_cast %scan3A_129 : i32 to index
          %swap3A_145 = arith.constant 16 : index
          %swap3A_146 = tpu.vector_load %arg19[%swap3A_144, %swap3A_145] {strides = array<i32>} : memref<128x32xf32, #tpu.memory_space<vmem>>, vector<16xf32>,
          tpu.vector_store %arg19[%swap3A_144, %swap3A_145], %mul3A_143 {strides = array<i32>} : memref<128x32xf32, #tpu.memory_space<vmem>>, vector<16xf32>,
        }
        %scan3A_112 = arith.constant 128 : i32
        "tpu.region"() ({
          %run_scoped3A_113 = tpu.sem_alloc : memref<!tpu.dma_semaphore, #tpu.memory_space<semaphore_mem>>
          %dma_start3A_114 = arith.constant 0 : i32
          %dma_start3A_115 = tpu.memref_slice %arg16[%add3A_73, %dma_start3A_114] : memref<158x128xi32, #tpu.memory_space<vmem>> -> memref<1x128xi32, #tpu.memory_space<vmem>>
          %dma_start3A_116 = tpu.memref_squeeze %dma_start3A_115 : memref<1x128xi32, #tpu.memory_space<vmem>> -> memref<128xi32, #tpu.memory_space<vmem>>
          %dma_start3A_117 = arith.constant 0 : i32
          %dma_start3A_118 = arith.constant 0 : i32
          %dma_start3A_119 = tpu.memref_slice %arg21[%dma_start3A_117, %dma_start3A_118] : memref<10240x32xf32, #tpu.memory_space<vmem_shared>> -> memref<10240x32xf32, #tpu.memory_space<vmem_shared>>
          tpu.enqueue_indirect_dma source(%arg19 : memref<128x32xf32, #tpu.memory_space<vmem>>) target(%dma_start3A_119 : memref<10240x32xf32, #tpu.memory_space<vmem_shared>>) offsets(%dma_start3A_116 : memref<128xi32, #tpu.memory_space<vmem>>) semaphore(%run_scoped3A_113 : memref<!tpu.dma_semaphore, #tpu.memory_space<semaphore_mem>>) {add = true}
          %dma_wait3A_120 = arith.constant 0 : i32
          %dma_wait3A_121 = tpu.memref_slice %arg16[%add3A_73, %dma_wait3A_120] : memref<158x128xi32, #tpu.memory_space<vmem>> -> memref<1x128xi32, #tpu.memory_space<vmem>>
          %dma_wait3A_122 = tpu.memref_squeeze %dma_wait3A_121 : memref<1x128xi32, #tpu.memory_space<vmem>> -> memref<128xi32, #tpu.memory_space<vmem>>
          %dma_wait3A_123 = arith.constant 0 : i32
          %dma_wait3A_124 = arith.constant 0 : i32
          %dma_wait3A_125 = tpu.memref_slice %arg21[%dma_wait3A_123, %dma_wait3A_124] : memref<10240x32xf32, #tpu.memory_space<vmem_shared>> -> memref<10240x32xf32, #tpu.memory_space<vmem_shared>>
          tpu.wait_indirect_dma semaphore(%run_scoped3A_113 : memref<!tpu.dma_semaphore, #tpu.memory_space<semaphore_mem>>) src(%arg19 : memref<128x32xf32, #tpu.memory_space<vmem>>) dst(%dma_wait3A_125 : memref<10240x32xf32, #tpu.memory_space<vmem_shared>>)
          tpu.yield
        }) : () -> ()
        "tpu.region"() ({
          %run_scoped3A_113 = tpu.sem_alloc : memref<!tpu.dma_semaphore, #tpu.memory_space<semaphore_mem>>
          %dma_start3A_114 = tpu.memref_slice %arg17[%mul3A_106] : memref<20224xf32, #tpu.memory_space<vmem>> -> memref<128xf32, #tpu.memory_space<vmem>>
          %dma_start3A_115 = arith.constant 0 : i32
          %dma_start3A_116 = tpu.memref_slice %arg16[%add3A_73, %dma_start3A_115] : memref<158x128xi32, #tpu.memory_space<vmem>> -> memref<1x128xi32, #tpu.memory_space<vmem>>
          %dma_start3A_117 = tpu.memref_squeeze %dma_start3A_116 : memref<1x128xi32, #tpu.memory_space<vmem>> -> memref<128xi32, #tpu.memory_space<vmem>>
          %dma_start3A_118 = arith.constant 0 : i32
          %dma_start3A_119 = tpu.memref_slice %arg22[%dma_start3A_118] : memref<10240xf32, #tpu.memory_space<vmem_shared>> -> memref<10240xf32, #tpu.memory_space<vmem_shared>>
          tpu.enqueue_indirect_dma source(%dma_start3A_114 : memref<128xf32, #tpu.memory_space<vmem>>) target(%dma_start3A_119 : memref<10240xf32, #tpu.memory_space<vmem_shared>>) offsets(%dma_start3A_117 : memref<128xi32, #tpu.memory_space<vmem>>) semaphore(%run_scoped3A_113 : memref<!tpu.dma_semaphore, #tpu.memory_space<semaphore_mem>>) {add = true}
          %dma_wait3A_120 = tpu.memref_slice %arg17[%mul3A_106] : memref<20224xf32, #tpu.memory_space<vmem>> -> memref<128xf32, #tpu.memory_space<vmem>>
          %dma_wait3A_121 = arith.constant 0 : i32
          %dma_wait3A_122 = tpu.memref_slice %arg16[%add3A_73, %dma_wait3A_121] : memref<158x128xi32, #tpu.memory_space<vmem>> -> memref<1x128xi32, #tpu.memory_space<vmem>>
          %dma_wait3A_123 = tpu.memref_squeeze %dma_wait3A_122 : memref<1x128xi32, #tpu.memory_space<vmem>> -> memref<128xi32, #tpu.memory_space<vmem>>
          %dma_wait3A_124 = arith.constant 0 : i32
          %dma_wait3A_125 = tpu.memref_slice %arg22[%dma_wait3A_124] : memref<10240xf32, #tpu.memory_space<vmem_shared>> -> memref<10240xf32, #tpu.memory_space<vmem_shared>>
          tpu.wait_indirect_dma semaphore(%run_scoped3A_113 : memref<!tpu.dma_semaphore, #tpu.memory_space<semaphore_mem>>) src(%dma_wait3A_120 : memref<128xf32, #tpu.memory_space<vmem>>) dst(%dma_wait3A_125 : memref<10240xf32, #tpu.memory_space<vmem_shared>>)
          tpu.yield
        }) : () -> ()
      }
      %scan3A_45 = arith.constant 79 : i32
      %barrier3A_46 = arith.constant 0 : index
      tpu.barrier barrier_id(%barrier3A_46)
      %run_scoped3A = arith.constant 0 : i32
      "tpu.region"() ({
        %run_scoped3A_69 = tpu.sem_alloc : memref<!tpu.dma_semaphore, #tpu.memory_space<semaphore_mem>>
        %dma_start3A_70 = arith.constant 0 : i32
        %dma_start3A_71 = tpu.memref_slice %arg11[%run_scoped3A, %multiple_of3A_3, %dma_start3A_70] : memref<4x10240x32xf32, #tpu.memory_space<hbm>> -> memref<1x640x32xf32, #tpu.memory_space<hbm>>
        %dma_start3A_72 = tpu.memref_squeeze %dma_start3A_71 : memref<1x640x32xf32, #tpu.memory_space<hbm>> -> memref<640x32xf32, #tpu.memory_space<hbm>>
        %dma_start3A_73 = arith.constant 0 : i32
        %dma_start3A_74 = tpu.memref_slice %arg21[%multiple_of3A_3, %dma_start3A_73] : memref<10240x32xf32, #tpu.memory_space<vmem_shared>> -> memref<640x32xf32, #tpu.memory_space<vmem_shared>>
        tpu.enqueue_dma source(%dma_start3A_74 : memref<640x32xf32, #tpu.memory_space<vmem_shared>>) target(%dma_start3A_72 : memref<640x32xf32, #tpu.memory_space<hbm>>) target_semaphore(%run_scoped3A_69 : memref<!tpu.dma_semaphore, #tpu.memory_space<semaphore_mem>>)
        %dma_wait3A = arith.constant 0 : i32
        %dma_wait3A_75 = tpu.memref_slice %arg11[%run_scoped3A, %multiple_of3A_3, %dma_wait3A] : memref<4x10240x32xf32, #tpu.memory_space<hbm>> -> memref<1x640x32xf32, #tpu.memory_space<hbm>>
        %dma_wait3A_76 = tpu.memref_squeeze %dma_wait3A_75 : memref<1x640x32xf32, #tpu.memory_space<hbm>> -> memref<640x32xf32, #tpu.memory_space<hbm>>
        %dma_wait3A_77 = arith.constant 0 : i32
        %dma_wait3A_78 = tpu.memref_slice %arg21[%multiple_of3A_3, %dma_wait3A_77] : memref<10240x32xf32, #tpu.memory_space<vmem_shared>> -> memref<640x32xf32, #tpu.memory_space<vmem_shared>>
        tpu.wait_dma2 semaphore(%run_scoped3A_69 : memref<!tpu.dma_semaphore, #tpu.memory_space<semaphore_mem>>) src(%dma_wait3A_78 : memref<640x32xf32, #tpu.memory_space<vmem_shared>>) dst(%dma_wait3A_76 : memref<640x32xf32, #tpu.memory_space<hbm>>)
        tpu.yield
      }) : () -> ()
      "tpu.region"() ({
        %run_scoped3A_69 = tpu.sem_alloc : memref<!tpu.dma_semaphore, #tpu.memory_space<semaphore_mem>>
        %dma_start3A_70 = tpu.memref_slice %arg12[%multiple_of3A_3] : memref<10240xf32, #tpu.memory_space<hbm>> -> memref<640xf32, #tpu.memory_space<hbm>>
        %dma_start3A_71 = tpu.memref_slice %arg22[%multiple_of3A_3] : memref<10240xf32, #tpu.memory_space<vmem_shared>> -> memref<640xf32, #tpu.memory_space<vmem_shared>>
        tpu.enqueue_dma source(%dma_start3A_71 : memref<640xf32, #tpu.memory_space<vmem_shared>>) target(%dma_start3A_70 : memref<640xf32, #tpu.memory_space<hbm>>) target_semaphore(%run_scoped3A_69 : memref<!tpu.dma_semaphore, #tpu.memory_space<semaphore_mem>>)
        %dma_wait3A = tpu.memref_slice %arg12[%multiple_of3A_3] : memref<10240xf32, #tpu.memory_space<hbm>> -> memref<640xf32, #tpu.memory_space<hbm>>
        %dma_wait3A_72 = tpu.memref_slice %arg22[%multiple_of3A_3] : memref<10240xf32, #tpu.memory_space<vmem_shared>> -> memref<640xf32, #tpu.memory_space<vmem_shared>>
        tpu.wait_dma2 semaphore(%run_scoped3A_69 : memref<!tpu.dma_semaphore, #tpu.memory_space<semaphore_mem>>) src(%dma_wait3A_72 : memref<640xf32, #tpu.memory_space<vmem_shared>>) dst(%dma_wait3A : memref<640xf32, #tpu.memory_space<hbm>>)
        tpu.yield
      }) : () -> ()
      %add3A_47 = arith.constant 0 : i32
      %add3A_48 = arith.addi %multiple_of3A_3, %add3A_47 : i32
      "tpu.region"() ({
        %run_scoped3A_69 = tpu.sem_alloc : memref<!tpu.dma_semaphore, #tpu.memory_space<semaphore_mem>>
        %dma_start3A_70 = arith.constant 0 : i32
        %dma_start3A_71 = tpu.memref_slice %arg21[%add3A_48, %dma_start3A_70] : memref<10240x32xf32, #tpu.memory_space<vmem_shared>> -> memref<160x32xf32, #tpu.memory_space<vmem_shared>>
        %dma_start3A_72 = arith.constant 0 : i32
        %dma_start3A_73 = tpu.memref_slice %arg21[%add3A_48, %dma_start3A_72] : memref<10240x32xf32, #tpu.memory_space<vmem_shared>> -> memref<160x32xf32, #tpu.memory_space<vmem_shared>>
        tpu.enqueue_dma source(%arg20 : memref<160x32xf32, #tpu.memory_space<vmem>>) target(%dma_start3A_73 : memref<160x32xf32, #tpu.memory_space<vmem_shared>>) target_semaphore(%run_scoped3A_69 : memref<!tpu.dma_semaphore, #tpu.memory_space<semaphore_mem>>)
        %dma_wait3A = arith.constant 0 : i32
        %dma_wait3A_74 = tpu.memref_slice %arg21[%add3A_48, %dma_wait3A] : memref<10240x32xf32, #tpu.memory_space<vmem_shared>> -> memref<160x32xf32, #tpu.memory_space<vmem_shared>>
        %dma_wait3A_75 = arith.constant 0 : i32
        %dma_wait3A_76 = tpu.memref_slice %arg21[%add3A_48, %dma_wait3A_75] : memref<10240x32xf32, #tpu.memory_space<vmem_shared>> -> memref<160x32xf32, #tpu.memory_space<vmem_shared>>
        tpu.wait_dma2 semaphore(%run_scoped3A_69 : memref<!tpu.dma_semaphore, #tpu.memory_space<semaphore_mem>>) src(%arg20 : memref<160x32xf32, #tpu.memory_space<vmem>>) dst(%dma_wait3A_76 : memref<160x32xf32, #tpu.memory_space<vmem_shared>>)
        tpu.yield
      }) : () -> ()
      %add3A_49 = arith.constant 160 : i32
      %add3A_50 = arith.addi %multiple_of3A_3, %add3A_49 : i32
      "tpu.region"() ({
        %run_scoped3A_69 = tpu.sem_alloc : memref<!tpu.dma_semaphore, #tpu.memory_space<semaphore_mem>>
        %dma_start3A_70 = arith.constant 0 : i32
        %dma_start3A_71 = tpu.memref_slice %arg21[%add3A_50, %dma_start3A_70] : memref<10240x32xf32, #tpu.memory_space<vmem_shared>> -> memref<160x32xf32, #tpu.memory_space<vmem_shared>>
        %dma_start3A_72 = arith.constant 0 : i32
        %dma_start3A_73 = tpu.memref_slice %arg21[%add3A_50, %dma_start3A_72] : memref<10240x32xf32, #tpu.memory_space<vmem_shared>> -> memref<160x32xf32, #tpu.memory_space<vmem_shared>>
        tpu.enqueue_dma source(%arg20 : memref<160x32xf32, #tpu.memory_space<vmem>>) target(%dma_start3A_73 : memref<160x32xf32, #tpu.memory_space<vmem_shared>>) target_semaphore(%run_scoped3A_69 : memref<!tpu.dma_semaphore, #tpu.memory_space<semaphore_mem>>)
        %dma_wait3A = arith.constant 0 : i32
        %dma_wait3A_74 = tpu.memref_slice %arg21[%add3A_50, %dma_wait3A] : memref<10240x32xf32, #tpu.memory_space<vmem_shared>> -> memref<160x32xf32, #tpu.memory_space<vmem_shared>>
        %dma_wait3A_75 = arith.constant 0 : i32
        %dma_wait3A_76 = tpu.memref_slice %arg21[%add3A_50, %dma_wait3A_75] : memref<10240x32xf32, #tpu.memory_space<vmem_shared>> -> memref<160x32xf32, #tpu.memory_space<vmem_shared>>
        tpu.wait_dma2 semaphore(%run_scoped3A_69 : memref<!tpu.dma_semaphore, #tpu.memory_space<semaphore_mem>>) src(%arg20 : memref<160x32xf32, #tpu.memory_space<vmem>>) dst(%dma_wait3A_76 : memref<160x32xf32, #tpu.memory_space<vmem_shared>>)
        tpu.yield
      }) : () -> ()
      %add3A_51 = arith.constant 320 : i32
      %add3A_52 = arith.addi %multiple_of3A_3, %add3A_51 : i32
      "tpu.region"() ({
        %run_scoped3A_69 = tpu.sem_alloc : memref<!tpu.dma_semaphore, #tpu.memory_space<semaphore_mem>>
        %dma_start3A_70 = arith.constant 0 : i32
        %dma_start3A_71 = tpu.memref_slice %arg21[%add3A_52, %dma_start3A_70] : memref<10240x32xf32, #tpu.memory_space<vmem_shared>> -> memref<160x32xf32, #tpu.memory_space<vmem_shared>>
        %dma_start3A_72 = arith.constant 0 : i32
        %dma_start3A_73 = tpu.memref_slice %arg21[%add3A_52, %dma_start3A_72] : memref<10240x32xf32, #tpu.memory_space<vmem_shared>> -> memref<160x32xf32, #tpu.memory_space<vmem_shared>>
        tpu.enqueue_dma source(%arg20 : memref<160x32xf32, #tpu.memory_space<vmem>>) target(%dma_start3A_73 : memref<160x32xf32, #tpu.memory_space<vmem_shared>>) target_semaphore(%run_scoped3A_69 : memref<!tpu.dma_semaphore, #tpu.memory_space<semaphore_mem>>)
        %dma_wait3A = arith.constant 0 : i32
        %dma_wait3A_74 = tpu.memref_slice %arg21[%add3A_52, %dma_wait3A] : memref<10240x32xf32, #tpu.memory_space<vmem_shared>> -> memref<160x32xf32, #tpu.memory_space<vmem_shared>>
        %dma_wait3A_75 = arith.constant 0 : i32
        %dma_wait3A_76 = tpu.memref_slice %arg21[%add3A_52, %dma_wait3A_75] : memref<10240x32xf32, #tpu.memory_space<vmem_shared>> -> memref<160x32xf32, #tpu.memory_space<vmem_shared>>
        tpu.wait_dma2 semaphore(%run_scoped3A_69 : memref<!tpu.dma_semaphore, #tpu.memory_space<semaphore_mem>>) src(%arg20 : memref<160x32xf32, #tpu.memory_space<vmem>>) dst(%dma_wait3A_76 : memref<160x32xf32, #tpu.memory_space<vmem_shared>>)
        tpu.yield
      }) : () -> ()
      %add3A_53 = arith.constant 480 : i32
      %add3A_54 = arith.addi %multiple_of3A_3, %add3A_53 : i32
      "tpu.region"() ({
        %run_scoped3A_69 = tpu.sem_alloc : memref<!tpu.dma_semaphore, #tpu.memory_space<semaphore_mem>>
        %dma_start3A_70 = arith.constant 0 : i32
        %dma_start3A_71 = tpu.memref_slice %arg21[%add3A_54, %dma_start3A_70] : memref<10240x32xf32, #tpu.memory_space<vmem_shared>> -> memref<160x32xf32, #tpu.memory_space<vmem_shared>>
        %dma_start3A_72 = arith.constant 0 : i32
        %dma_start3A_73 = tpu.memref_slice %arg21[%add3A_54, %dma_start3A_72] : memref<10240x32xf32, #tpu.memory_space<vmem_shared>> -> memref<160x32xf32, #tpu.memory_space<vmem_shared>>
        tpu.enqueue_dma source(%arg20 : memref<160x32xf32, #tpu.memory_space<vmem>>) target(%dma_start3A_73 : memref<160x32xf32, #tpu.memory_space<vmem_shared>>) target_semaphore(%run_scoped3A_69 : memref<!tpu.dma_semaphore, #tpu.memory_space<semaphore_mem>>)
        %dma_wait3A = arith.constant 0 : i32
        %dma_wait3A_74 = tpu.memref_slice %arg21[%add3A_54, %dma_wait3A] : memref<10240x32xf32, #tpu.memory_space<vmem_shared>> -> memref<160x32xf32, #tpu.memory_space<vmem_shared>>
        %dma_wait3A_75 = arith.constant 0 : i32
        %dma_wait3A_76 = tpu.memref_slice %arg21[%add3A_54, %dma_wait3A_75] : memref<10240x32xf32, #tpu.memory_space<vmem_shared>> -> memref<160x32xf32, #tpu.memory_space<vmem_shared>>
        tpu.wait_dma2 semaphore(%run_scoped3A_69 : memref<!tpu.dma_semaphore, #tpu.memory_space<semaphore_mem>>) src(%arg20 : memref<160x32xf32, #tpu.memory_space<vmem>>) dst(%dma_wait3A_76 : memref<160x32xf32, #tpu.memory_space<vmem_shared>>)
        tpu.yield
      }) : () -> ()
      %barrier3A_55 = arith.constant 0 : index
      tpu.barrier barrier_id(%barrier3A_55)
      %dma_start3A_56 = arith.constant 0 : i32
      %dma_start3A_57 = tpu.memref_slice %arg15[%dma_start3A_56] : memref<20224xi32, #tpu.memory_space<vmem>> -> memref<128xi32, #tpu.memory_space<vmem>>
      %dma_start3A_58 = arith.constant 0 : i32
      %dma_start3A_59 = arith.constant 0 : i32
      %dma_start3A_60 = tpu.memref_slice %arg3[%dma_start3A_58, %dma_start3A_59] : memref<10000x32xf32, #tpu.memory_space<hbm>> -> memref<10000x32xf32, #tpu.memory_space<hbm>>
      tpu.enqueue_indirect_dma source(%dma_start3A_60 : memref<10000x32xf32, #tpu.memory_space<hbm>>) target(%arg18 : memref<128x32xf32, #tpu.memory_space<vmem>>) offsets(%dma_start3A_57 : memref<128xi32, #tpu.memory_space<vmem>>) semaphore(%arg23 : memref<!tpu.dma_semaphore, #tpu.memory_space<semaphore_mem>>)
      %scan3A_61 = arith.constant 0 : i32
      %scan3A_62 = arith.constant 0 : i32
      %scan3A_63 = arith.constant 79 : i32
      %scan3A_64 = arith.addi %scan3A_62, %scan3A_63 : i32
      %scan3A_65 = arith.constant 1 : i32
      scf.for %scan3A_69 = %scan3A_62 to %scan3A_64 step %scan3A_65  : i32 {
        %mul3A_70 = arith.constant 2 : i32
        %mul3A_71 = arith.muli %scan3A_69, %mul3A_70 : i32
        %add3A_72 = arith.constant 1 : i32
        %add3A_73 = arith.addi %mul3A_71, %add3A_72 : i32
        %mul3A_74 = arith.constant 128 : i32
        %mul3A_75 = arith.muli %mul3A_71, %mul3A_74 : i32
        %dma_wait3A = tpu.memref_slice %arg15[%mul3A_75] : memref<20224xi32, #tpu.memory_space<vmem>> -> memref<128xi32, #tpu.memory_space<vmem>>
        %dma_wait3A_76 = arith.constant 0 : i32
        %dma_wait3A_77 = arith.constant 0 : i32
        %dma_wait3A_78 = tpu.memref_slice %arg3[%dma_wait3A_76, %dma_wait3A_77] : memref<10000x32xf32, #tpu.memory_space<hbm>> -> memref<10000x32xf32, #tpu.memory_space<hbm>>
        tpu.wait_indirect_dma semaphore(%arg23 : memref<!tpu.dma_semaphore, #tpu.memory_space<semaphore_mem>>) src(%dma_wait3A_78 : memref<10000x32xf32, #tpu.memory_space<hbm>>) dst(%arg18 : memref<128x32xf32, #tpu.memory_space<vmem>>)
        %mul3A_79 = arith.constant 128 : i32
        %mul3A_80 = arith.muli %add3A_73, %mul3A_79 : i32
        %dma_start3A_81 = tpu.memref_slice %arg15[%mul3A_80] : memref<20224xi32, #tpu.memory_space<vmem>> -> memref<128xi32, #tpu.memory_space<vmem>>
        %dma_start3A_82 = arith.constant 0 : i32
        %dma_start3A_83 = arith.constant 0 : i32
        %dma_start3A_84 = tpu.memref_slice %arg3[%dma_start3A_82, %dma_start3A_83] : memref<10000x32xf32, #tpu.memory_space<hbm>> -> memref<10000x32xf32, #tpu.memory_space<hbm>>
        tpu.enqueue_indirect_dma source(%dma_start3A_84 : memref<10000x32xf32, #tpu.memory_space<hbm>>) target(%arg19 : memref<128x32xf32, #tpu.memory_space<vmem>>) offsets(%dma_start3A_81 : memref<128xi32, #tpu.memory_space<vmem>>) semaphore(%arg24 : memref<!tpu.dma_semaphore, #tpu.memory_space<semaphore_mem>>)
        %mul3A_85 = arith.constant 128 : i32
        %mul3A_86 = arith.muli %mul3A_71, %mul3A_85 : i32
        %scan3A_87 = arith.constant 0 : i32
        %scan3A_88 = arith.constant 0 : i32
        %scan3A_89 = arith.constant 128 : i32
        %scan3A_90 = arith.addi %scan3A_88, %scan3A_89 : i32
        %scan3A_91 = arith.constant 2 : i32
        scf.for %scan3A_113 = %scan3A_88 to %scan3A_90 step %scan3A_91  : i32 {
          %add3A_114 = arith.addi %mul3A_86, %scan3A_113 : i32
          %broadcast_in_dim3A_115 = vector.broadcast %add3A_114 : i32 to vector<16xi32>
          %gather3A = tpu.vector_load_idx %arg17[%broadcast_in_dim3A_115] : memref<20224xf32, #tpu.memory_space<vmem>>[vector<16xi32>], vector<16xf32>,
          %get3A = arith.index_cast %scan3A_113 : i32 to index
          %get3A_116 = arith.constant 0 : index
          %get3A_117 = tpu.vector_load %arg18[%get3A, %get3A_116] {strides = array<i32>} : memref<128x32xf32, #tpu.memory_space<vmem>>, vector<16xf32>,
          %mul3A_118 = arith.mulf %get3A_117, %gather3A : vector<16xf32>
          %swap3A = arith.index_cast %scan3A_113 : i32 to index
          %swap3A_119 = arith.constant 0 : index
          %swap3A_120 = tpu.vector_load %arg18[%swap3A, %swap3A_119] {strides = array<i32>} : memref<128x32xf32, #tpu.memory_space<vmem>>, vector<16xf32>,
          tpu.vector_store %arg18[%swap3A, %swap3A_119], %mul3A_118 {strides = array<i32>} : memref<128x32xf32, #tpu.memory_space<vmem>>, vector<16xf32>,
          %get3A_121 = arith.index_cast %scan3A_113 : i32 to index
          %get3A_122 = arith.constant 16 : index
          %get3A_123 = tpu.vector_load %arg18[%get3A_121, %get3A_122] {strides = array<i32>} : memref<128x32xf32, #tpu.memory_space<vmem>>, vector<16xf32>,
          %mul3A_124 = arith.mulf %get3A_123, %gather3A : vector<16xf32>
          %swap3A_125 = arith.index_cast %scan3A_113 : i32 to index
          %swap3A_126 = arith.constant 16 : index
          %swap3A_127 = tpu.vector_load %arg18[%swap3A_125, %swap3A_126] {strides = array<i32>} : memref<128x32xf32, #tpu.memory_space<vmem>>, vector<16xf32>,
          tpu.vector_store %arg18[%swap3A_125, %swap3A_126], %mul3A_124 {strides = array<i32>} : memref<128x32xf32, #tpu.memory_space<vmem>>, vector<16xf32>,
          %scan3A_128 = arith.constant 1 : i32
          %scan3A_129 = arith.addi %scan3A_113, %scan3A_128 : i32
          %add3A_130 = arith.addi %mul3A_86, %scan3A_129 : i32
          %broadcast_in_dim3A_131 = vector.broadcast %add3A_130 : i32 to vector<16xi32>
          %gather3A_132 = tpu.vector_load_idx %arg17[%broadcast_in_dim3A_131] : memref<20224xf32, #tpu.memory_space<vmem>>[vector<16xi32>], vector<16xf32>,
          %get3A_133 = arith.index_cast %scan3A_129 : i32 to index
          %get3A_134 = arith.constant 0 : index
          %get3A_135 = tpu.vector_load %arg18[%get3A_133, %get3A_134] {strides = array<i32>} : memref<128x32xf32, #tpu.memory_space<vmem>>, vector<16xf32>,
          %mul3A_136 = arith.mulf %get3A_135, %gather3A_132 : vector<16xf32>
          %swap3A_137 = arith.index_cast %scan3A_129 : i32 to index
          %swap3A_138 = arith.constant 0 : index
          %swap3A_139 = tpu.vector_load %arg18[%swap3A_137, %swap3A_138] {strides = array<i32>} : memref<128x32xf32, #tpu.memory_space<vmem>>, vector<16xf32>,
          tpu.vector_store %arg18[%swap3A_137, %swap3A_138], %mul3A_136 {strides = array<i32>} : memref<128x32xf32, #tpu.memory_space<vmem>>, vector<16xf32>,
          %get3A_140 = arith.index_cast %scan3A_129 : i32 to index
          %get3A_141 = arith.constant 16 : index
          %get3A_142 = tpu.vector_load %arg18[%get3A_140, %get3A_141] {strides = array<i32>} : memref<128x32xf32, #tpu.memory_space<vmem>>, vector<16xf32>,
          %mul3A_143 = arith.mulf %get3A_142, %gather3A_132 : vector<16xf32>
          %swap3A_144 = arith.index_cast %scan3A_129 : i32 to index
          %swap3A_145 = arith.constant 16 : index
          %swap3A_146 = tpu.vector_load %arg18[%swap3A_144, %swap3A_145] {strides = array<i32>} : memref<128x32xf32, #tpu.memory_space<vmem>>, vector<16xf32>,
          tpu.vector_store %arg18[%swap3A_144, %swap3A_145], %mul3A_143 {strides = array<i32>} : memref<128x32xf32, #tpu.memory_space<vmem>>, vector<16xf32>,
        }
        %scan3A_92 = arith.constant 128 : i32
        "tpu.region"() ({
          %run_scoped3A_113 = tpu.sem_alloc : memref<!tpu.dma_semaphore, #tpu.memory_space<semaphore_mem>>
          %dma_start3A_114 = arith.constant 0 : i32
          %dma_start3A_115 = tpu.memref_slice %arg16[%mul3A_71, %dma_start3A_114] : memref<158x128xi32, #tpu.memory_space<vmem>> -> memref<1x128xi32, #tpu.memory_space<vmem>>
          %dma_start3A_116 = tpu.memref_squeeze %dma_start3A_115 : memref<1x128xi32, #tpu.memory_space<vmem>> -> memref<128xi32, #tpu.memory_space<vmem>>
          %dma_start3A_117 = arith.constant 0 : i32
          %dma_start3A_118 = arith.constant 0 : i32
          %dma_start3A_119 = tpu.memref_slice %arg21[%dma_start3A_117, %dma_start3A_118] : memref<10240x32xf32, #tpu.memory_space<vmem_shared>> -> memref<10240x32xf32, #tpu.memory_space<vmem_shared>>
          tpu.enqueue_indirect_dma source(%arg18 : memref<128x32xf32, #tpu.memory_space<vmem>>) target(%dma_start3A_119 : memref<10240x32xf32, #tpu.memory_space<vmem_shared>>) offsets(%dma_start3A_116 : memref<128xi32, #tpu.memory_space<vmem>>) semaphore(%run_scoped3A_113 : memref<!tpu.dma_semaphore, #tpu.memory_space<semaphore_mem>>) {add = true}
          %dma_wait3A_120 = arith.constant 0 : i32
          %dma_wait3A_121 = tpu.memref_slice %arg16[%mul3A_71, %dma_wait3A_120] : memref<158x128xi32, #tpu.memory_space<vmem>> -> memref<1x128xi32, #tpu.memory_space<vmem>>
          %dma_wait3A_122 = tpu.memref_squeeze %dma_wait3A_121 : memref<1x128xi32, #tpu.memory_space<vmem>> -> memref<128xi32, #tpu.memory_space<vmem>>
          %dma_wait3A_123 = arith.constant 0 : i32
          %dma_wait3A_124 = arith.constant 0 : i32
          %dma_wait3A_125 = tpu.memref_slice %arg21[%dma_wait3A_123, %dma_wait3A_124] : memref<10240x32xf32, #tpu.memory_space<vmem_shared>> -> memref<10240x32xf32, #tpu.memory_space<vmem_shared>>
          tpu.wait_indirect_dma semaphore(%run_scoped3A_113 : memref<!tpu.dma_semaphore, #tpu.memory_space<semaphore_mem>>) src(%arg18 : memref<128x32xf32, #tpu.memory_space<vmem>>) dst(%dma_wait3A_125 : memref<10240x32xf32, #tpu.memory_space<vmem_shared>>)
          tpu.yield
        }) : () -> ()
        %mul3A_93 = arith.constant 128 : i32
        %mul3A_94 = arith.muli %add3A_73, %mul3A_93 : i32
        %dma_wait3A_95 = tpu.memref_slice %arg15[%mul3A_94] : memref<20224xi32, #tpu.memory_space<vmem>> -> memref<128xi32, #tpu.memory_space<vmem>>
        %dma_wait3A_96 = arith.constant 0 : i32
        %dma_wait3A_97 = arith.constant 0 : i32
        %dma_wait3A_98 = tpu.memref_slice %arg3[%dma_wait3A_96, %dma_wait3A_97] : memref<10000x32xf32, #tpu.memory_space<hbm>> -> memref<10000x32xf32, #tpu.memory_space<hbm>>
        tpu.wait_indirect_dma semaphore(%arg24 : memref<!tpu.dma_semaphore, #tpu.memory_space<semaphore_mem>>) src(%dma_wait3A_98 : memref<10000x32xf32, #tpu.memory_space<hbm>>) dst(%arg19 : memref<128x32xf32, #tpu.memory_space<vmem>>)
        %add3A_99 = arith.constant 1 : i32
        %add3A_100 = arith.addi %add3A_73, %add3A_99 : i32
        %lt3A = arith.constant 158 : i32
        %lt3A_101 = arith.cmpi slt, %add3A_100, %lt3A : i32
        %convert_element_type3A_102 = arith.extui %lt3A_101 : i1 to i32
        %cond3A_103 = arith.constant 0 : i32
        %cond3A_104 = arith.cmpi ne, %convert_element_type3A_102, %cond3A_103 : i32
        scf.if %cond3A_104 {
          %add3A_113 = arith.constant 1 : i32
          %add3A_114 = arith.addi %add3A_73, %add3A_113 : i32
          %mul3A_115 = arith.constant 128 : i32
          %mul3A_116 = arith.muli %add3A_114, %mul3A_115 : i32
          %dma_start3A_117 = tpu.memref_slice %arg15[%mul3A_116] : memref<20224xi32, #tpu.memory_space<vmem>> -> memref<128xi32, #tpu.memory_space<vmem>>
          %dma_start3A_118 = arith.constant 0 : i32
          %dma_start3A_119 = arith.constant 0 : i32
          %dma_start3A_120 = tpu.memref_slice %arg3[%dma_start3A_118, %dma_start3A_119] : memref<10000x32xf32, #tpu.memory_space<hbm>> -> memref<10000x32xf32, #tpu.memory_space<hbm>>
          tpu.enqueue_indirect_dma source(%dma_start3A_120 : memref<10000x32xf32, #tpu.memory_space<hbm>>) target(%arg18 : memref<128x32xf32, #tpu.memory_space<vmem>>) offsets(%dma_start3A_117 : memref<128xi32, #tpu.memory_space<vmem>>) semaphore(%arg23 : memref<!tpu.dma_semaphore, #tpu.memory_space<semaphore_mem>>)
        } else {
        }
        %mul3A_105 = arith.constant 128 : i32
        %mul3A_106 = arith.muli %add3A_73, %mul3A_105 : i32
        %scan3A_107 = arith.constant 0 : i32
        %scan3A_108 = arith.constant 0 : i32
        %scan3A_109 = arith.constant 128 : i32
        %scan3A_110 = arith.addi %scan3A_108, %scan3A_109 : i32
        %scan3A_111 = arith.constant 2 : i32
        scf.for %scan3A_113 = %scan3A_108 to %scan3A_110 step %scan3A_111  : i32 {
          %add3A_114 = arith.addi %mul3A_106, %scan3A_113 : i32
          %broadcast_in_dim3A_115 = vector.broadcast %add3A_114 : i32 to vector<16xi32>
          %gather3A = tpu.vector_load_idx %arg17[%broadcast_in_dim3A_115] : memref<20224xf32, #tpu.memory_space<vmem>>[vector<16xi32>], vector<16xf32>,
          %get3A = arith.index_cast %scan3A_113 : i32 to index
          %get3A_116 = arith.constant 0 : index
          %get3A_117 = tpu.vector_load %arg19[%get3A, %get3A_116] {strides = array<i32>} : memref<128x32xf32, #tpu.memory_space<vmem>>, vector<16xf32>,
          %mul3A_118 = arith.mulf %get3A_117, %gather3A : vector<16xf32>
          %swap3A = arith.index_cast %scan3A_113 : i32 to index
          %swap3A_119 = arith.constant 0 : index
          %swap3A_120 = tpu.vector_load %arg19[%swap3A, %swap3A_119] {strides = array<i32>} : memref<128x32xf32, #tpu.memory_space<vmem>>, vector<16xf32>,
          tpu.vector_store %arg19[%swap3A, %swap3A_119], %mul3A_118 {strides = array<i32>} : memref<128x32xf32, #tpu.memory_space<vmem>>, vector<16xf32>,
          %get3A_121 = arith.index_cast %scan3A_113 : i32 to index
          %get3A_122 = arith.constant 16 : index
          %get3A_123 = tpu.vector_load %arg19[%get3A_121, %get3A_122] {strides = array<i32>} : memref<128x32xf32, #tpu.memory_space<vmem>>, vector<16xf32>,
          %mul3A_124 = arith.mulf %get3A_123, %gather3A : vector<16xf32>
          %swap3A_125 = arith.index_cast %scan3A_113 : i32 to index
          %swap3A_126 = arith.constant 16 : index
          %swap3A_127 = tpu.vector_load %arg19[%swap3A_125, %swap3A_126] {strides = array<i32>} : memref<128x32xf32, #tpu.memory_space<vmem>>, vector<16xf32>,
          tpu.vector_store %arg19[%swap3A_125, %swap3A_126], %mul3A_124 {strides = array<i32>} : memref<128x32xf32, #tpu.memory_space<vmem>>, vector<16xf32>,
          %scan3A_128 = arith.constant 1 : i32
          %scan3A_129 = arith.addi %scan3A_113, %scan3A_128 : i32
          %add3A_130 = arith.addi %mul3A_106, %scan3A_129 : i32
          %broadcast_in_dim3A_131 = vector.broadcast %add3A_130 : i32 to vector<16xi32>
          %gather3A_132 = tpu.vector_load_idx %arg17[%broadcast_in_dim3A_131] : memref<20224xf32, #tpu.memory_space<vmem>>[vector<16xi32>], vector<16xf32>,
          %get3A_133 = arith.index_cast %scan3A_129 : i32 to index
          %get3A_134 = arith.constant 0 : index
          %get3A_135 = tpu.vector_load %arg19[%get3A_133, %get3A_134] {strides = array<i32>} : memref<128x32xf32, #tpu.memory_space<vmem>>, vector<16xf32>,
          %mul3A_136 = arith.mulf %get3A_135, %gather3A_132 : vector<16xf32>
          %swap3A_137 = arith.index_cast %scan3A_129 : i32 to index
          %swap3A_138 = arith.constant 0 : index
          %swap3A_139 = tpu.vector_load %arg19[%swap3A_137, %swap3A_138] {strides = array<i32>} : memref<128x32xf32, #tpu.memory_space<vmem>>, vector<16xf32>,
          tpu.vector_store %arg19[%swap3A_137, %swap3A_138], %mul3A_136 {strides = array<i32>} : memref<128x32xf32, #tpu.memory_space<vmem>>, vector<16xf32>,
          %get3A_140 = arith.index_cast %scan3A_129 : i32 to index
          %get3A_141 = arith.constant 16 : index
          %get3A_142 = tpu.vector_load %arg19[%get3A_140, %get3A_141] {strides = array<i32>} : memref<128x32xf32, #tpu.memory_space<vmem>>, vector<16xf32>,
          %mul3A_143 = arith.mulf %get3A_142, %gather3A_132 : vector<16xf32>
          %swap3A_144 = arith.index_cast %scan3A_129 : i32 to index
          %swap3A_145 = arith.constant 16 : index
          %swap3A_146 = tpu.vector_load %arg19[%swap3A_144, %swap3A_145] {strides = array<i32>} : memref<128x32xf32, #tpu.memory_space<vmem>>, vector<16xf32>,
          tpu.vector_store %arg19[%swap3A_144, %swap3A_145], %mul3A_143 {strides = array<i32>} : memref<128x32xf32, #tpu.memory_space<vmem>>, vector<16xf32>,
        }
        %scan3A_112 = arith.constant 128 : i32
        "tpu.region"() ({
          %run_scoped3A_113 = tpu.sem_alloc : memref<!tpu.dma_semaphore, #tpu.memory_space<semaphore_mem>>
          %dma_start3A_114 = arith.constant 0 : i32
          %dma_start3A_115 = tpu.memref_slice %arg16[%add3A_73, %dma_start3A_114] : memref<158x128xi32, #tpu.memory_space<vmem>> -> memref<1x128xi32, #tpu.memory_space<vmem>>
          %dma_start3A_116 = tpu.memref_squeeze %dma_start3A_115 : memref<1x128xi32, #tpu.memory_space<vmem>> -> memref<128xi32, #tpu.memory_space<vmem>>
          %dma_start3A_117 = arith.constant 0 : i32
          %dma_start3A_118 = arith.constant 0 : i32
          %dma_start3A_119 = tpu.memref_slice %arg21[%dma_start3A_117, %dma_start3A_118] : memref<10240x32xf32, #tpu.memory_space<vmem_shared>> -> memref<10240x32xf32, #tpu.memory_space<vmem_shared>>
          tpu.enqueue_indirect_dma source(%arg19 : memref<128x32xf32, #tpu.memory_space<vmem>>) target(%dma_start3A_119 : memref<10240x32xf32, #tpu.memory_space<vmem_shared>>) offsets(%dma_start3A_116 : memref<128xi32, #tpu.memory_space<vmem>>) semaphore(%run_scoped3A_113 : memref<!tpu.dma_semaphore, #tpu.memory_space<semaphore_mem>>) {add = true}
          %dma_wait3A_120 = arith.constant 0 : i32
          %dma_wait3A_121 = tpu.memref_slice %arg16[%add3A_73, %dma_wait3A_120] : memref<158x128xi32, #tpu.memory_space<vmem>> -> memref<1x128xi32, #tpu.memory_space<vmem>>
          %dma_wait3A_122 = tpu.memref_squeeze %dma_wait3A_121 : memref<1x128xi32, #tpu.memory_space<vmem>> -> memref<128xi32, #tpu.memory_space<vmem>>
          %dma_wait3A_123 = arith.constant 0 : i32
          %dma_wait3A_124 = arith.constant 0 : i32
          %dma_wait3A_125 = tpu.memref_slice %arg21[%dma_wait3A_123, %dma_wait3A_124] : memref<10240x32xf32, #tpu.memory_space<vmem_shared>> -> memref<10240x32xf32, #tpu.memory_space<vmem_shared>>
          tpu.wait_indirect_dma semaphore(%run_scoped3A_113 : memref<!tpu.dma_semaphore, #tpu.memory_space<semaphore_mem>>) src(%arg19 : memref<128x32xf32, #tpu.memory_space<vmem>>) dst(%dma_wait3A_125 : memref<10240x32xf32, #tpu.memory_space<vmem_shared>>)
          tpu.yield
        }) : () -> ()
      }
      %scan3A_66 = arith.constant 79 : i32
      %barrier3A_67 = arith.constant 0 : index
      tpu.barrier barrier_id(%barrier3A_67)
      %run_scoped3A_68 = arith.constant 1 : i32
      "tpu.region"() ({
        %run_scoped3A_69 = tpu.sem_alloc : memref<!tpu.dma_semaphore, #tpu.memory_space<semaphore_mem>>
        %dma_start3A_70 = arith.constant 0 : i32
        %dma_start3A_71 = tpu.memref_slice %arg11[%run_scoped3A_68, %multiple_of3A_3, %dma_start3A_70] : memref<4x10240x32xf32, #tpu.memory_space<hbm>> -> memref<1x640x32xf32, #tpu.memory_space<hbm>>
        %dma_start3A_72 = tpu.memref_squeeze %dma_start3A_71 : memref<1x640x32xf32, #tpu.memory_space<hbm>> -> memref<640x32xf32, #tpu.memory_space<hbm>>
        %dma_start3A_73 = arith.constant 0 : i32
        %dma_start3A_74 = tpu.memref_slice %arg21[%multiple_of3A_3, %dma_start3A_73] : memref<10240x32xf32, #tpu.memory_space<vmem_shared>> -> memref<640x32xf32, #tpu.memory_space<vmem_shared>>
        tpu.enqueue_dma source(%dma_start3A_74 : memref<640x32xf32, #tpu.memory_space<vmem_shared>>) target(%dma_start3A_72 : memref<640x32xf32, #tpu.memory_space<hbm>>) target_semaphore(%run_scoped3A_69 : memref<!tpu.dma_semaphore, #tpu.memory_space<semaphore_mem>>)
        %dma_wait3A = arith.constant 0 : i32
        %dma_wait3A_75 = tpu.memref_slice %arg11[%run_scoped3A_68, %multiple_of3A_3, %dma_wait3A] : memref<4x10240x32xf32, #tpu.memory_space<hbm>> -> memref<1x640x32xf32, #tpu.memory_space<hbm>>
        %dma_wait3A_76 = tpu.memref_squeeze %dma_wait3A_75 : memref<1x640x32xf32, #tpu.memory_space<hbm>> -> memref<640x32xf32, #tpu.memory_space<hbm>>
        %dma_wait3A_77 = arith.constant 0 : i32
        %dma_wait3A_78 = tpu.memref_slice %arg21[%multiple_of3A_3, %dma_wait3A_77] : memref<10240x32xf32, #tpu.memory_space<vmem_shared>> -> memref<640x32xf32, #tpu.memory_space<vmem_shared>>
        tpu.wait_dma2 semaphore(%run_scoped3A_69 : memref<!tpu.dma_semaphore, #tpu.memory_space<semaphore_mem>>) src(%dma_wait3A_78 : memref<640x32xf32, #tpu.memory_space<vmem_shared>>) dst(%dma_wait3A_76 : memref<640x32xf32, #tpu.memory_space<hbm>>)
        tpu.yield
      }) : () -> ()
    } else {
    }
    %eq3A_31 = arith.constant 1 : i32
    %eq3A_32 = arith.cmpi eq, %arg0, %eq3A_31 : i32
    %convert_element_type3A_33 = arith.extui %eq3A_32 : i1 to i32
    %cond3A_34 = arith.constant 0 : i32
    %cond3A_35 = arith.cmpi ne, %convert_element_type3A_33, %cond3A_34 : i32
    scf.if %cond3A_35 {
      %dma_start3A = arith.constant 0 : i32
      %dma_start3A_36 = tpu.memref_slice %arg15[%dma_start3A] : memref<20224xi32, #tpu.memory_space<vmem>> -> memref<128xi32, #tpu.memory_space<vmem>>
      %dma_start3A_37 = arith.constant 0 : i32
      %dma_start3A_38 = arith.constant 0 : i32
      %dma_start3A_39 = tpu.memref_slice %arg4[%dma_start3A_37, %dma_start3A_38] : memref<10000x32xf32, #tpu.memory_space<hbm>> -> memref<10000x32xf32, #tpu.memory_space<hbm>>
      tpu.enqueue_indirect_dma source(%dma_start3A_39 : memref<10000x32xf32, #tpu.memory_space<hbm>>) target(%arg18 : memref<128x32xf32, #tpu.memory_space<vmem>>) offsets(%dma_start3A_36 : memref<128xi32, #tpu.memory_space<vmem>>) semaphore(%arg23 : memref<!tpu.dma_semaphore, #tpu.memory_space<semaphore_mem>>)
      %scan3A_40 = arith.constant 0 : i32
      %scan3A_41 = arith.constant 0 : i32
      %scan3A_42 = arith.constant 79 : i32
      %scan3A_43 = arith.addi %scan3A_41, %scan3A_42 : i32
      %scan3A_44 = arith.constant 1 : i32
      scf.for %scan3A_69 = %scan3A_41 to %scan3A_43 step %scan3A_44  : i32 {
        %mul3A_70 = arith.constant 2 : i32
        %mul3A_71 = arith.muli %scan3A_69, %mul3A_70 : i32
        %add3A_72 = arith.constant 1 : i32
        %add3A_73 = arith.addi %mul3A_71, %add3A_72 : i32
        %mul3A_74 = arith.constant 128 : i32
        %mul3A_75 = arith.muli %mul3A_71, %mul3A_74 : i32
        %dma_wait3A = tpu.memref_slice %arg15[%mul3A_75] : memref<20224xi32, #tpu.memory_space<vmem>> -> memref<128xi32, #tpu.memory_space<vmem>>
        %dma_wait3A_76 = arith.constant 0 : i32
        %dma_wait3A_77 = arith.constant 0 : i32
        %dma_wait3A_78 = tpu.memref_slice %arg4[%dma_wait3A_76, %dma_wait3A_77] : memref<10000x32xf32, #tpu.memory_space<hbm>> -> memref<10000x32xf32, #tpu.memory_space<hbm>>
        tpu.wait_indirect_dma semaphore(%arg23 : memref<!tpu.dma_semaphore, #tpu.memory_space<semaphore_mem>>) src(%dma_wait3A_78 : memref<10000x32xf32, #tpu.memory_space<hbm>>) dst(%arg18 : memref<128x32xf32, #tpu.memory_space<vmem>>)
        %mul3A_79 = arith.constant 128 : i32
        %mul3A_80 = arith.muli %add3A_73, %mul3A_79 : i32
        %dma_start3A_81 = tpu.memref_slice %arg15[%mul3A_80] : memref<20224xi32, #tpu.memory_space<vmem>> -> memref<128xi32, #tpu.memory_space<vmem>>
        %dma_start3A_82 = arith.constant 0 : i32
        %dma_start3A_83 = arith.constant 0 : i32
        %dma_start3A_84 = tpu.memref_slice %arg4[%dma_start3A_82, %dma_start3A_83] : memref<10000x32xf32, #tpu.memory_space<hbm>> -> memref<10000x32xf32, #tpu.memory_space<hbm>>
        tpu.enqueue_indirect_dma source(%dma_start3A_84 : memref<10000x32xf32, #tpu.memory_space<hbm>>) target(%arg19 : memref<128x32xf32, #tpu.memory_space<vmem>>) offsets(%dma_start3A_81 : memref<128xi32, #tpu.memory_space<vmem>>) semaphore(%arg24 : memref<!tpu.dma_semaphore, #tpu.memory_space<semaphore_mem>>)
        %mul3A_85 = arith.constant 128 : i32
        %mul3A_86 = arith.muli %mul3A_71, %mul3A_85 : i32
        %scan3A_87 = arith.constant 0 : i32
        %scan3A_88 = arith.constant 0 : i32
        %scan3A_89 = arith.constant 128 : i32
        %scan3A_90 = arith.addi %scan3A_88, %scan3A_89 : i32
        %scan3A_91 = arith.constant 2 : i32
        scf.for %scan3A_113 = %scan3A_88 to %scan3A_90 step %scan3A_91  : i32 {
          %add3A_114 = arith.addi %mul3A_86, %scan3A_113 : i32
          %broadcast_in_dim3A_115 = vector.broadcast %add3A_114 : i32 to vector<16xi32>
          %gather3A = tpu.vector_load_idx %arg17[%broadcast_in_dim3A_115] : memref<20224xf32, #tpu.memory_space<vmem>>[vector<16xi32>], vector<16xf32>,
          %get3A = arith.index_cast %scan3A_113 : i32 to index
          %get3A_116 = arith.constant 0 : index
          %get3A_117 = tpu.vector_load %arg18[%get3A, %get3A_116] {strides = array<i32>} : memref<128x32xf32, #tpu.memory_space<vmem>>, vector<16xf32>,
          %mul3A_118 = arith.mulf %get3A_117, %gather3A : vector<16xf32>
          %swap3A = arith.index_cast %scan3A_113 : i32 to index
          %swap3A_119 = arith.constant 0 : index
          %swap3A_120 = tpu.vector_load %arg18[%swap3A, %swap3A_119] {strides = array<i32>} : memref<128x32xf32, #tpu.memory_space<vmem>>, vector<16xf32>,
          tpu.vector_store %arg18[%swap3A, %swap3A_119], %mul3A_118 {strides = array<i32>} : memref<128x32xf32, #tpu.memory_space<vmem>>, vector<16xf32>,
          %get3A_121 = arith.index_cast %scan3A_113 : i32 to index
          %get3A_122 = arith.constant 16 : index
          %get3A_123 = tpu.vector_load %arg18[%get3A_121, %get3A_122] {strides = array<i32>} : memref<128x32xf32, #tpu.memory_space<vmem>>, vector<16xf32>,
          %mul3A_124 = arith.mulf %get3A_123, %gather3A : vector<16xf32>
          %swap3A_125 = arith.index_cast %scan3A_113 : i32 to index
          %swap3A_126 = arith.constant 16 : index
          %swap3A_127 = tpu.vector_load %arg18[%swap3A_125, %swap3A_126] {strides = array<i32>} : memref<128x32xf32, #tpu.memory_space<vmem>>, vector<16xf32>,
          tpu.vector_store %arg18[%swap3A_125, %swap3A_126], %mul3A_124 {strides = array<i32>} : memref<128x32xf32, #tpu.memory_space<vmem>>, vector<16xf32>,
          %scan3A_128 = arith.constant 1 : i32
          %scan3A_129 = arith.addi %scan3A_113, %scan3A_128 : i32
          %add3A_130 = arith.addi %mul3A_86, %scan3A_129 : i32
          %broadcast_in_dim3A_131 = vector.broadcast %add3A_130 : i32 to vector<16xi32>
          %gather3A_132 = tpu.vector_load_idx %arg17[%broadcast_in_dim3A_131] : memref<20224xf32, #tpu.memory_space<vmem>>[vector<16xi32>], vector<16xf32>,
          %get3A_133 = arith.index_cast %scan3A_129 : i32 to index
          %get3A_134 = arith.constant 0 : index
          %get3A_135 = tpu.vector_load %arg18[%get3A_133, %get3A_134] {strides = array<i32>} : memref<128x32xf32, #tpu.memory_space<vmem>>, vector<16xf32>,
          %mul3A_136 = arith.mulf %get3A_135, %gather3A_132 : vector<16xf32>
          %swap3A_137 = arith.index_cast %scan3A_129 : i32 to index
          %swap3A_138 = arith.constant 0 : index
          %swap3A_139 = tpu.vector_load %arg18[%swap3A_137, %swap3A_138] {strides = array<i32>} : memref<128x32xf32, #tpu.memory_space<vmem>>, vector<16xf32>,
          tpu.vector_store %arg18[%swap3A_137, %swap3A_138], %mul3A_136 {strides = array<i32>} : memref<128x32xf32, #tpu.memory_space<vmem>>, vector<16xf32>,
          %get3A_140 = arith.index_cast %scan3A_129 : i32 to index
          %get3A_141 = arith.constant 16 : index
          %get3A_142 = tpu.vector_load %arg18[%get3A_140, %get3A_141] {strides = array<i32>} : memref<128x32xf32, #tpu.memory_space<vmem>>, vector<16xf32>,
          %mul3A_143 = arith.mulf %get3A_142, %gather3A_132 : vector<16xf32>
          %swap3A_144 = arith.index_cast %scan3A_129 : i32 to index
          %swap3A_145 = arith.constant 16 : index
          %swap3A_146 = tpu.vector_load %arg18[%swap3A_144, %swap3A_145] {strides = array<i32>} : memref<128x32xf32, #tpu.memory_space<vmem>>, vector<16xf32>,
          tpu.vector_store %arg18[%swap3A_144, %swap3A_145], %mul3A_143 {strides = array<i32>} : memref<128x32xf32, #tpu.memory_space<vmem>>, vector<16xf32>,
        }
        %scan3A_92 = arith.constant 128 : i32
        "tpu.region"() ({
          %run_scoped3A_113 = tpu.sem_alloc : memref<!tpu.dma_semaphore, #tpu.memory_space<semaphore_mem>>
          %dma_start3A_114 = arith.constant 0 : i32
          %dma_start3A_115 = tpu.memref_slice %arg16[%mul3A_71, %dma_start3A_114] : memref<158x128xi32, #tpu.memory_space<vmem>> -> memref<1x128xi32, #tpu.memory_space<vmem>>
          %dma_start3A_116 = tpu.memref_squeeze %dma_start3A_115 : memref<1x128xi32, #tpu.memory_space<vmem>> -> memref<128xi32, #tpu.memory_space<vmem>>
          %dma_start3A_117 = arith.constant 0 : i32
          %dma_start3A_118 = arith.constant 0 : i32
          %dma_start3A_119 = tpu.memref_slice %arg21[%dma_start3A_117, %dma_start3A_118] : memref<10240x32xf32, #tpu.memory_space<vmem_shared>> -> memref<10240x32xf32, #tpu.memory_space<vmem_shared>>
          tpu.enqueue_indirect_dma source(%arg18 : memref<128x32xf32, #tpu.memory_space<vmem>>) target(%dma_start3A_119 : memref<10240x32xf32, #tpu.memory_space<vmem_shared>>) offsets(%dma_start3A_116 : memref<128xi32, #tpu.memory_space<vmem>>) semaphore(%run_scoped3A_113 : memref<!tpu.dma_semaphore, #tpu.memory_space<semaphore_mem>>) {add = true}
          %dma_wait3A_120 = arith.constant 0 : i32
          %dma_wait3A_121 = tpu.memref_slice %arg16[%mul3A_71, %dma_wait3A_120] : memref<158x128xi32, #tpu.memory_space<vmem>> -> memref<1x128xi32, #tpu.memory_space<vmem>>
          %dma_wait3A_122 = tpu.memref_squeeze %dma_wait3A_121 : memref<1x128xi32, #tpu.memory_space<vmem>> -> memref<128xi32, #tpu.memory_space<vmem>>
          %dma_wait3A_123 = arith.constant 0 : i32
          %dma_wait3A_124 = arith.constant 0 : i32
          %dma_wait3A_125 = tpu.memref_slice %arg21[%dma_wait3A_123, %dma_wait3A_124] : memref<10240x32xf32, #tpu.memory_space<vmem_shared>> -> memref<10240x32xf32, #tpu.memory_space<vmem_shared>>
          tpu.wait_indirect_dma semaphore(%run_scoped3A_113 : memref<!tpu.dma_semaphore, #tpu.memory_space<semaphore_mem>>) src(%arg18 : memref<128x32xf32, #tpu.memory_space<vmem>>) dst(%dma_wait3A_125 : memref<10240x32xf32, #tpu.memory_space<vmem_shared>>)
          tpu.yield
        }) : () -> ()
        %mul3A_93 = arith.constant 128 : i32
        %mul3A_94 = arith.muli %add3A_73, %mul3A_93 : i32
        %dma_wait3A_95 = tpu.memref_slice %arg15[%mul3A_94] : memref<20224xi32, #tpu.memory_space<vmem>> -> memref<128xi32, #tpu.memory_space<vmem>>
        %dma_wait3A_96 = arith.constant 0 : i32
        %dma_wait3A_97 = arith.constant 0 : i32
        %dma_wait3A_98 = tpu.memref_slice %arg4[%dma_wait3A_96, %dma_wait3A_97] : memref<10000x32xf32, #tpu.memory_space<hbm>> -> memref<10000x32xf32, #tpu.memory_space<hbm>>
        tpu.wait_indirect_dma semaphore(%arg24 : memref<!tpu.dma_semaphore, #tpu.memory_space<semaphore_mem>>) src(%dma_wait3A_98 : memref<10000x32xf32, #tpu.memory_space<hbm>>) dst(%arg19 : memref<128x32xf32, #tpu.memory_space<vmem>>)
        %add3A_99 = arith.constant 1 : i32
        %add3A_100 = arith.addi %add3A_73, %add3A_99 : i32
        %lt3A = arith.constant 158 : i32
        %lt3A_101 = arith.cmpi slt, %add3A_100, %lt3A : i32
        %convert_element_type3A_102 = arith.extui %lt3A_101 : i1 to i32
        %cond3A_103 = arith.constant 0 : i32
        %cond3A_104 = arith.cmpi ne, %convert_element_type3A_102, %cond3A_103 : i32
        scf.if %cond3A_104 {
          %add3A_113 = arith.constant 1 : i32
          %add3A_114 = arith.addi %add3A_73, %add3A_113 : i32
          %mul3A_115 = arith.constant 128 : i32
          %mul3A_116 = arith.muli %add3A_114, %mul3A_115 : i32
          %dma_start3A_117 = tpu.memref_slice %arg15[%mul3A_116] : memref<20224xi32, #tpu.memory_space<vmem>> -> memref<128xi32, #tpu.memory_space<vmem>>
          %dma_start3A_118 = arith.constant 0 : i32
          %dma_start3A_119 = arith.constant 0 : i32
          %dma_start3A_120 = tpu.memref_slice %arg4[%dma_start3A_118, %dma_start3A_119] : memref<10000x32xf32, #tpu.memory_space<hbm>> -> memref<10000x32xf32, #tpu.memory_space<hbm>>
          tpu.enqueue_indirect_dma source(%dma_start3A_120 : memref<10000x32xf32, #tpu.memory_space<hbm>>) target(%arg18 : memref<128x32xf32, #tpu.memory_space<vmem>>) offsets(%dma_start3A_117 : memref<128xi32, #tpu.memory_space<vmem>>) semaphore(%arg23 : memref<!tpu.dma_semaphore, #tpu.memory_space<semaphore_mem>>)
        } else {
        }
        %mul3A_105 = arith.constant 128 : i32
        %mul3A_106 = arith.muli %add3A_73, %mul3A_105 : i32
        %scan3A_107 = arith.constant 0 : i32
        %scan3A_108 = arith.constant 0 : i32
        %scan3A_109 = arith.constant 128 : i32
        %scan3A_110 = arith.addi %scan3A_108, %scan3A_109 : i32
        %scan3A_111 = arith.constant 2 : i32
        scf.for %scan3A_113 = %scan3A_108 to %scan3A_110 step %scan3A_111  : i32 {
          %add3A_114 = arith.addi %mul3A_106, %scan3A_113 : i32
          %broadcast_in_dim3A_115 = vector.broadcast %add3A_114 : i32 to vector<16xi32>
          %gather3A = tpu.vector_load_idx %arg17[%broadcast_in_dim3A_115] : memref<20224xf32, #tpu.memory_space<vmem>>[vector<16xi32>], vector<16xf32>,
          %get3A = arith.index_cast %scan3A_113 : i32 to index
          %get3A_116 = arith.constant 0 : index
          %get3A_117 = tpu.vector_load %arg19[%get3A, %get3A_116] {strides = array<i32>} : memref<128x32xf32, #tpu.memory_space<vmem>>, vector<16xf32>,
          %mul3A_118 = arith.mulf %get3A_117, %gather3A : vector<16xf32>
          %swap3A = arith.index_cast %scan3A_113 : i32 to index
          %swap3A_119 = arith.constant 0 : index
          %swap3A_120 = tpu.vector_load %arg19[%swap3A, %swap3A_119] {strides = array<i32>} : memref<128x32xf32, #tpu.memory_space<vmem>>, vector<16xf32>,
          tpu.vector_store %arg19[%swap3A, %swap3A_119], %mul3A_118 {strides = array<i32>} : memref<128x32xf32, #tpu.memory_space<vmem>>, vector<16xf32>,
          %get3A_121 = arith.index_cast %scan3A_113 : i32 to index
          %get3A_122 = arith.constant 16 : index
          %get3A_123 = tpu.vector_load %arg19[%get3A_121, %get3A_122] {strides = array<i32>} : memref<128x32xf32, #tpu.memory_space<vmem>>, vector<16xf32>,
          %mul3A_124 = arith.mulf %get3A_123, %gather3A : vector<16xf32>
          %swap3A_125 = arith.index_cast %scan3A_113 : i32 to index
          %swap3A_126 = arith.constant 16 : index
          %swap3A_127 = tpu.vector_load %arg19[%swap3A_125, %swap3A_126] {strides = array<i32>} : memref<128x32xf32, #tpu.memory_space<vmem>>, vector<16xf32>,
          tpu.vector_store %arg19[%swap3A_125, %swap3A_126], %mul3A_124 {strides = array<i32>} : memref<128x32xf32, #tpu.memory_space<vmem>>, vector<16xf32>,
          %scan3A_128 = arith.constant 1 : i32
          %scan3A_129 = arith.addi %scan3A_113, %scan3A_128 : i32
          %add3A_130 = arith.addi %mul3A_106, %scan3A_129 : i32
          %broadcast_in_dim3A_131 = vector.broadcast %add3A_130 : i32 to vector<16xi32>
          %gather3A_132 = tpu.vector_load_idx %arg17[%broadcast_in_dim3A_131] : memref<20224xf32, #tpu.memory_space<vmem>>[vector<16xi32>], vector<16xf32>,
          %get3A_133 = arith.index_cast %scan3A_129 : i32 to index
          %get3A_134 = arith.constant 0 : index
          %get3A_135 = tpu.vector_load %arg19[%get3A_133, %get3A_134] {strides = array<i32>} : memref<128x32xf32, #tpu.memory_space<vmem>>, vector<16xf32>,
          %mul3A_136 = arith.mulf %get3A_135, %gather3A_132 : vector<16xf32>
          %swap3A_137 = arith.index_cast %scan3A_129 : i32 to index
          %swap3A_138 = arith.constant 0 : index
          %swap3A_139 = tpu.vector_load %arg19[%swap3A_137, %swap3A_138] {strides = array<i32>} : memref<128x32xf32, #tpu.memory_space<vmem>>, vector<16xf32>,
          tpu.vector_store %arg19[%swap3A_137, %swap3A_138], %mul3A_136 {strides = array<i32>} : memref<128x32xf32, #tpu.memory_space<vmem>>, vector<16xf32>,
          %get3A_140 = arith.index_cast %scan3A_129 : i32 to index
          %get3A_141 = arith.constant 16 : index
          %get3A_142 = tpu.vector_load %arg19[%get3A_140, %get3A_141] {strides = array<i32>} : memref<128x32xf32, #tpu.memory_space<vmem>>, vector<16xf32>,
          %mul3A_143 = arith.mulf %get3A_142, %gather3A_132 : vector<16xf32>
          %swap3A_144 = arith.index_cast %scan3A_129 : i32 to index
          %swap3A_145 = arith.constant 16 : index
          %swap3A_146 = tpu.vector_load %arg19[%swap3A_144, %swap3A_145] {strides = array<i32>} : memref<128x32xf32, #tpu.memory_space<vmem>>, vector<16xf32>,
          tpu.vector_store %arg19[%swap3A_144, %swap3A_145], %mul3A_143 {strides = array<i32>} : memref<128x32xf32, #tpu.memory_space<vmem>>, vector<16xf32>,
        }
        %scan3A_112 = arith.constant 128 : i32
        "tpu.region"() ({
          %run_scoped3A_113 = tpu.sem_alloc : memref<!tpu.dma_semaphore, #tpu.memory_space<semaphore_mem>>
          %dma_start3A_114 = arith.constant 0 : i32
          %dma_start3A_115 = tpu.memref_slice %arg16[%add3A_73, %dma_start3A_114] : memref<158x128xi32, #tpu.memory_space<vmem>> -> memref<1x128xi32, #tpu.memory_space<vmem>>
          %dma_start3A_116 = tpu.memref_squeeze %dma_start3A_115 : memref<1x128xi32, #tpu.memory_space<vmem>> -> memref<128xi32, #tpu.memory_space<vmem>>
          %dma_start3A_117 = arith.constant 0 : i32
          %dma_start3A_118 = arith.constant 0 : i32
          %dma_start3A_119 = tpu.memref_slice %arg21[%dma_start3A_117, %dma_start3A_118] : memref<10240x32xf32, #tpu.memory_space<vmem_shared>> -> memref<10240x32xf32, #tpu.memory_space<vmem_shared>>
          tpu.enqueue_indirect_dma source(%arg19 : memref<128x32xf32, #tpu.memory_space<vmem>>) target(%dma_start3A_119 : memref<10240x32xf32, #tpu.memory_space<vmem_shared>>) offsets(%dma_start3A_116 : memref<128xi32, #tpu.memory_space<vmem>>) semaphore(%run_scoped3A_113 : memref<!tpu.dma_semaphore, #tpu.memory_space<semaphore_mem>>) {add = true}
          %dma_wait3A_120 = arith.constant 0 : i32
          %dma_wait3A_121 = tpu.memref_slice %arg16[%add3A_73, %dma_wait3A_120] : memref<158x128xi32, #tpu.memory_space<vmem>> -> memref<1x128xi32, #tpu.memory_space<vmem>>
          %dma_wait3A_122 = tpu.memref_squeeze %dma_wait3A_121 : memref<1x128xi32, #tpu.memory_space<vmem>> -> memref<128xi32, #tpu.memory_space<vmem>>
          %dma_wait3A_123 = arith.constant 0 : i32
          %dma_wait3A_124 = arith.constant 0 : i32
          %dma_wait3A_125 = tpu.memref_slice %arg21[%dma_wait3A_123, %dma_wait3A_124] : memref<10240x32xf32, #tpu.memory_space<vmem_shared>> -> memref<10240x32xf32, #tpu.memory_space<vmem_shared>>
          tpu.wait_indirect_dma semaphore(%run_scoped3A_113 : memref<!tpu.dma_semaphore, #tpu.memory_space<semaphore_mem>>) src(%arg19 : memref<128x32xf32, #tpu.memory_space<vmem>>) dst(%dma_wait3A_125 : memref<10240x32xf32, #tpu.memory_space<vmem_shared>>)
          tpu.yield
        }) : () -> ()
      }
      %scan3A_45 = arith.constant 79 : i32
      %barrier3A_46 = arith.constant 0 : index
      tpu.barrier barrier_id(%barrier3A_46)
      %run_scoped3A = arith.constant 2 : i32
      "tpu.region"() ({
        %run_scoped3A_69 = tpu.sem_alloc : memref<!tpu.dma_semaphore, #tpu.memory_space<semaphore_mem>>
        %dma_start3A_70 = arith.constant 0 : i32
        %dma_start3A_71 = tpu.memref_slice %arg11[%run_scoped3A, %multiple_of3A_3, %dma_start3A_70] : memref<4x10240x32xf32, #tpu.memory_space<hbm>> -> memref<1x640x32xf32, #tpu.memory_space<hbm>>
        %dma_start3A_72 = tpu.memref_squeeze %dma_start3A_71 : memref<1x640x32xf32, #tpu.memory_space<hbm>> -> memref<640x32xf32, #tpu.memory_space<hbm>>
        %dma_start3A_73 = arith.constant 0 : i32
        %dma_start3A_74 = tpu.memref_slice %arg21[%multiple_of3A_3, %dma_start3A_73] : memref<10240x32xf32, #tpu.memory_space<vmem_shared>> -> memref<640x32xf32, #tpu.memory_space<vmem_shared>>
        tpu.enqueue_dma source(%dma_start3A_74 : memref<640x32xf32, #tpu.memory_space<vmem_shared>>) target(%dma_start3A_72 : memref<640x32xf32, #tpu.memory_space<hbm>>) target_semaphore(%run_scoped3A_69 : memref<!tpu.dma_semaphore, #tpu.memory_space<semaphore_mem>>)
        %dma_wait3A = arith.constant 0 : i32
        %dma_wait3A_75 = tpu.memref_slice %arg11[%run_scoped3A, %multiple_of3A_3, %dma_wait3A] : memref<4x10240x32xf32, #tpu.memory_space<hbm>> -> memref<1x640x32xf32, #tpu.memory_space<hbm>>
        %dma_wait3A_76 = tpu.memref_squeeze %dma_wait3A_75 : memref<1x640x32xf32, #tpu.memory_space<hbm>> -> memref<640x32xf32, #tpu.memory_space<hbm>>
        %dma_wait3A_77 = arith.constant 0 : i32
        %dma_wait3A_78 = tpu.memref_slice %arg21[%multiple_of3A_3, %dma_wait3A_77] : memref<10240x32xf32, #tpu.memory_space<vmem_shared>> -> memref<640x32xf32, #tpu.memory_space<vmem_shared>>
        tpu.wait_dma2 semaphore(%run_scoped3A_69 : memref<!tpu.dma_semaphore, #tpu.memory_space<semaphore_mem>>) src(%dma_wait3A_78 : memref<640x32xf32, #tpu.memory_space<vmem_shared>>) dst(%dma_wait3A_76 : memref<640x32xf32, #tpu.memory_space<hbm>>)
        tpu.yield
      }) : () -> ()
      %add3A_47 = arith.constant 0 : i32
      %add3A_48 = arith.addi %multiple_of3A_3, %add3A_47 : i32
      "tpu.region"() ({
        %run_scoped3A_69 = tpu.sem_alloc : memref<!tpu.dma_semaphore, #tpu.memory_space<semaphore_mem>>
        %dma_start3A_70 = arith.constant 0 : i32
        %dma_start3A_71 = tpu.memref_slice %arg21[%add3A_48, %dma_start3A_70] : memref<10240x32xf32, #tpu.memory_space<vmem_shared>> -> memref<160x32xf32, #tpu.memory_space<vmem_shared>>
        %dma_start3A_72 = arith.constant 0 : i32
        %dma_start3A_73 = tpu.memref_slice %arg21[%add3A_48, %dma_start3A_72] : memref<10240x32xf32, #tpu.memory_space<vmem_shared>> -> memref<160x32xf32, #tpu.memory_space<vmem_shared>>
        tpu.enqueue_dma source(%arg20 : memref<160x32xf32, #tpu.memory_space<vmem>>) target(%dma_start3A_73 : memref<160x32xf32, #tpu.memory_space<vmem_shared>>) target_semaphore(%run_scoped3A_69 : memref<!tpu.dma_semaphore, #tpu.memory_space<semaphore_mem>>)
        %dma_wait3A = arith.constant 0 : i32
        %dma_wait3A_74 = tpu.memref_slice %arg21[%add3A_48, %dma_wait3A] : memref<10240x32xf32, #tpu.memory_space<vmem_shared>> -> memref<160x32xf32, #tpu.memory_space<vmem_shared>>
        %dma_wait3A_75 = arith.constant 0 : i32
        %dma_wait3A_76 = tpu.memref_slice %arg21[%add3A_48, %dma_wait3A_75] : memref<10240x32xf32, #tpu.memory_space<vmem_shared>> -> memref<160x32xf32, #tpu.memory_space<vmem_shared>>
        tpu.wait_dma2 semaphore(%run_scoped3A_69 : memref<!tpu.dma_semaphore, #tpu.memory_space<semaphore_mem>>) src(%arg20 : memref<160x32xf32, #tpu.memory_space<vmem>>) dst(%dma_wait3A_76 : memref<160x32xf32, #tpu.memory_space<vmem_shared>>)
        tpu.yield
      }) : () -> ()
      %add3A_49 = arith.constant 160 : i32
      %add3A_50 = arith.addi %multiple_of3A_3, %add3A_49 : i32
      "tpu.region"() ({
        %run_scoped3A_69 = tpu.sem_alloc : memref<!tpu.dma_semaphore, #tpu.memory_space<semaphore_mem>>
        %dma_start3A_70 = arith.constant 0 : i32
        %dma_start3A_71 = tpu.memref_slice %arg21[%add3A_50, %dma_start3A_70] : memref<10240x32xf32, #tpu.memory_space<vmem_shared>> -> memref<160x32xf32, #tpu.memory_space<vmem_shared>>
        %dma_start3A_72 = arith.constant 0 : i32
        %dma_start3A_73 = tpu.memref_slice %arg21[%add3A_50, %dma_start3A_72] : memref<10240x32xf32, #tpu.memory_space<vmem_shared>> -> memref<160x32xf32, #tpu.memory_space<vmem_shared>>
        tpu.enqueue_dma source(%arg20 : memref<160x32xf32, #tpu.memory_space<vmem>>) target(%dma_start3A_73 : memref<160x32xf32, #tpu.memory_space<vmem_shared>>) target_semaphore(%run_scoped3A_69 : memref<!tpu.dma_semaphore, #tpu.memory_space<semaphore_mem>>)
        %dma_wait3A = arith.constant 0 : i32
        %dma_wait3A_74 = tpu.memref_slice %arg21[%add3A_50, %dma_wait3A] : memref<10240x32xf32, #tpu.memory_space<vmem_shared>> -> memref<160x32xf32, #tpu.memory_space<vmem_shared>>
        %dma_wait3A_75 = arith.constant 0 : i32
        %dma_wait3A_76 = tpu.memref_slice %arg21[%add3A_50, %dma_wait3A_75] : memref<10240x32xf32, #tpu.memory_space<vmem_shared>> -> memref<160x32xf32, #tpu.memory_space<vmem_shared>>
        tpu.wait_dma2 semaphore(%run_scoped3A_69 : memref<!tpu.dma_semaphore, #tpu.memory_space<semaphore_mem>>) src(%arg20 : memref<160x32xf32, #tpu.memory_space<vmem>>) dst(%dma_wait3A_76 : memref<160x32xf32, #tpu.memory_space<vmem_shared>>)
        tpu.yield
      }) : () -> ()
      %add3A_51 = arith.constant 320 : i32
      %add3A_52 = arith.addi %multiple_of3A_3, %add3A_51 : i32
      "tpu.region"() ({
        %run_scoped3A_69 = tpu.sem_alloc : memref<!tpu.dma_semaphore, #tpu.memory_space<semaphore_mem>>
        %dma_start3A_70 = arith.constant 0 : i32
        %dma_start3A_71 = tpu.memref_slice %arg21[%add3A_52, %dma_start3A_70] : memref<10240x32xf32, #tpu.memory_space<vmem_shared>> -> memref<160x32xf32, #tpu.memory_space<vmem_shared>>
        %dma_start3A_72 = arith.constant 0 : i32
        %dma_start3A_73 = tpu.memref_slice %arg21[%add3A_52, %dma_start3A_72] : memref<10240x32xf32, #tpu.memory_space<vmem_shared>> -> memref<160x32xf32, #tpu.memory_space<vmem_shared>>
        tpu.enqueue_dma source(%arg20 : memref<160x32xf32, #tpu.memory_space<vmem>>) target(%dma_start3A_73 : memref<160x32xf32, #tpu.memory_space<vmem_shared>>) target_semaphore(%run_scoped3A_69 : memref<!tpu.dma_semaphore, #tpu.memory_space<semaphore_mem>>)
        %dma_wait3A = arith.constant 0 : i32
        %dma_wait3A_74 = tpu.memref_slice %arg21[%add3A_52, %dma_wait3A] : memref<10240x32xf32, #tpu.memory_space<vmem_shared>> -> memref<160x32xf32, #tpu.memory_space<vmem_shared>>
        %dma_wait3A_75 = arith.constant 0 : i32
        %dma_wait3A_76 = tpu.memref_slice %arg21[%add3A_52, %dma_wait3A_75] : memref<10240x32xf32, #tpu.memory_space<vmem_shared>> -> memref<160x32xf32, #tpu.memory_space<vmem_shared>>
        tpu.wait_dma2 semaphore(%run_scoped3A_69 : memref<!tpu.dma_semaphore, #tpu.memory_space<semaphore_mem>>) src(%arg20 : memref<160x32xf32, #tpu.memory_space<vmem>>) dst(%dma_wait3A_76 : memref<160x32xf32, #tpu.memory_space<vmem_shared>>)
        tpu.yield
      }) : () -> ()
      %add3A_53 = arith.constant 480 : i32
      %add3A_54 = arith.addi %multiple_of3A_3, %add3A_53 : i32
      "tpu.region"() ({
        %run_scoped3A_69 = tpu.sem_alloc : memref<!tpu.dma_semaphore, #tpu.memory_space<semaphore_mem>>
        %dma_start3A_70 = arith.constant 0 : i32
        %dma_start3A_71 = tpu.memref_slice %arg21[%add3A_54, %dma_start3A_70] : memref<10240x32xf32, #tpu.memory_space<vmem_shared>> -> memref<160x32xf32, #tpu.memory_space<vmem_shared>>
        %dma_start3A_72 = arith.constant 0 : i32
        %dma_start3A_73 = tpu.memref_slice %arg21[%add3A_54, %dma_start3A_72] : memref<10240x32xf32, #tpu.memory_space<vmem_shared>> -> memref<160x32xf32, #tpu.memory_space<vmem_shared>>
        tpu.enqueue_dma source(%arg20 : memref<160x32xf32, #tpu.memory_space<vmem>>) target(%dma_start3A_73 : memref<160x32xf32, #tpu.memory_space<vmem_shared>>) target_semaphore(%run_scoped3A_69 : memref<!tpu.dma_semaphore, #tpu.memory_space<semaphore_mem>>)
        %dma_wait3A = arith.constant 0 : i32
        %dma_wait3A_74 = tpu.memref_slice %arg21[%add3A_54, %dma_wait3A] : memref<10240x32xf32, #tpu.memory_space<vmem_shared>> -> memref<160x32xf32, #tpu.memory_space<vmem_shared>>
        %dma_wait3A_75 = arith.constant 0 : i32
        %dma_wait3A_76 = tpu.memref_slice %arg21[%add3A_54, %dma_wait3A_75] : memref<10240x32xf32, #tpu.memory_space<vmem_shared>> -> memref<160x32xf32, #tpu.memory_space<vmem_shared>>
        tpu.wait_dma2 semaphore(%run_scoped3A_69 : memref<!tpu.dma_semaphore, #tpu.memory_space<semaphore_mem>>) src(%arg20 : memref<160x32xf32, #tpu.memory_space<vmem>>) dst(%dma_wait3A_76 : memref<160x32xf32, #tpu.memory_space<vmem_shared>>)
        tpu.yield
      }) : () -> ()
      %barrier3A_55 = arith.constant 0 : index
      tpu.barrier barrier_id(%barrier3A_55)
      %dma_start3A_56 = arith.constant 0 : i32
      %dma_start3A_57 = tpu.memref_slice %arg15[%dma_start3A_56] : memref<20224xi32, #tpu.memory_space<vmem>> -> memref<128xi32, #tpu.memory_space<vmem>>
      %dma_start3A_58 = arith.constant 0 : i32
      %dma_start3A_59 = arith.constant 0 : i32
      %dma_start3A_60 = tpu.memref_slice %arg5[%dma_start3A_58, %dma_start3A_59] : memref<10000x32xf32, #tpu.memory_space<hbm>> -> memref<10000x32xf32, #tpu.memory_space<hbm>>
      tpu.enqueue_indirect_dma source(%dma_start3A_60 : memref<10000x32xf32, #tpu.memory_space<hbm>>) target(%arg18 : memref<128x32xf32, #tpu.memory_space<vmem>>) offsets(%dma_start3A_57 : memref<128xi32, #tpu.memory_space<vmem>>) semaphore(%arg23 : memref<!tpu.dma_semaphore, #tpu.memory_space<semaphore_mem>>)
      %scan3A_61 = arith.constant 0 : i32
      %scan3A_62 = arith.constant 0 : i32
      %scan3A_63 = arith.constant 79 : i32
      %scan3A_64 = arith.addi %scan3A_62, %scan3A_63 : i32
      %scan3A_65 = arith.constant 1 : i32
      scf.for %scan3A_69 = %scan3A_62 to %scan3A_64 step %scan3A_65  : i32 {
        %mul3A_70 = arith.constant 2 : i32
        %mul3A_71 = arith.muli %scan3A_69, %mul3A_70 : i32
        %add3A_72 = arith.constant 1 : i32
        %add3A_73 = arith.addi %mul3A_71, %add3A_72 : i32
        %mul3A_74 = arith.constant 128 : i32
        %mul3A_75 = arith.muli %mul3A_71, %mul3A_74 : i32
        %dma_wait3A = tpu.memref_slice %arg15[%mul3A_75] : memref<20224xi32, #tpu.memory_space<vmem>> -> memref<128xi32, #tpu.memory_space<vmem>>
        %dma_wait3A_76 = arith.constant 0 : i32
        %dma_wait3A_77 = arith.constant 0 : i32
        %dma_wait3A_78 = tpu.memref_slice %arg5[%dma_wait3A_76, %dma_wait3A_77] : memref<10000x32xf32, #tpu.memory_space<hbm>> -> memref<10000x32xf32, #tpu.memory_space<hbm>>
        tpu.wait_indirect_dma semaphore(%arg23 : memref<!tpu.dma_semaphore, #tpu.memory_space<semaphore_mem>>) src(%dma_wait3A_78 : memref<10000x32xf32, #tpu.memory_space<hbm>>) dst(%arg18 : memref<128x32xf32, #tpu.memory_space<vmem>>)
        %mul3A_79 = arith.constant 128 : i32
        %mul3A_80 = arith.muli %add3A_73, %mul3A_79 : i32
        %dma_start3A_81 = tpu.memref_slice %arg15[%mul3A_80] : memref<20224xi32, #tpu.memory_space<vmem>> -> memref<128xi32, #tpu.memory_space<vmem>>
        %dma_start3A_82 = arith.constant 0 : i32
        %dma_start3A_83 = arith.constant 0 : i32
        %dma_start3A_84 = tpu.memref_slice %arg5[%dma_start3A_82, %dma_start3A_83] : memref<10000x32xf32, #tpu.memory_space<hbm>> -> memref<10000x32xf32, #tpu.memory_space<hbm>>
        tpu.enqueue_indirect_dma source(%dma_start3A_84 : memref<10000x32xf32, #tpu.memory_space<hbm>>) target(%arg19 : memref<128x32xf32, #tpu.memory_space<vmem>>) offsets(%dma_start3A_81 : memref<128xi32, #tpu.memory_space<vmem>>) semaphore(%arg24 : memref<!tpu.dma_semaphore, #tpu.memory_space<semaphore_mem>>)
        %mul3A_85 = arith.constant 128 : i32
        %mul3A_86 = arith.muli %mul3A_71, %mul3A_85 : i32
        %scan3A_87 = arith.constant 0 : i32
        %scan3A_88 = arith.constant 0 : i32
        %scan3A_89 = arith.constant 128 : i32
        %scan3A_90 = arith.addi %scan3A_88, %scan3A_89 : i32
        %scan3A_91 = arith.constant 2 : i32
        scf.for %scan3A_113 = %scan3A_88 to %scan3A_90 step %scan3A_91  : i32 {
          %add3A_114 = arith.addi %mul3A_86, %scan3A_113 : i32
          %broadcast_in_dim3A_115 = vector.broadcast %add3A_114 : i32 to vector<16xi32>
          %gather3A = tpu.vector_load_idx %arg17[%broadcast_in_dim3A_115] : memref<20224xf32, #tpu.memory_space<vmem>>[vector<16xi32>], vector<16xf32>,
          %get3A = arith.index_cast %scan3A_113 : i32 to index
          %get3A_116 = arith.constant 0 : index
          %get3A_117 = tpu.vector_load %arg18[%get3A, %get3A_116] {strides = array<i32>} : memref<128x32xf32, #tpu.memory_space<vmem>>, vector<16xf32>,
          %mul3A_118 = arith.mulf %get3A_117, %gather3A : vector<16xf32>
          %swap3A = arith.index_cast %scan3A_113 : i32 to index
          %swap3A_119 = arith.constant 0 : index
          %swap3A_120 = tpu.vector_load %arg18[%swap3A, %swap3A_119] {strides = array<i32>} : memref<128x32xf32, #tpu.memory_space<vmem>>, vector<16xf32>,
          tpu.vector_store %arg18[%swap3A, %swap3A_119], %mul3A_118 {strides = array<i32>} : memref<128x32xf32, #tpu.memory_space<vmem>>, vector<16xf32>,
          %get3A_121 = arith.index_cast %scan3A_113 : i32 to index
          %get3A_122 = arith.constant 16 : index
          %get3A_123 = tpu.vector_load %arg18[%get3A_121, %get3A_122] {strides = array<i32>} : memref<128x32xf32, #tpu.memory_space<vmem>>, vector<16xf32>,
          %mul3A_124 = arith.mulf %get3A_123, %gather3A : vector<16xf32>
          %swap3A_125 = arith.index_cast %scan3A_113 : i32 to index
          %swap3A_126 = arith.constant 16 : index
          %swap3A_127 = tpu.vector_load %arg18[%swap3A_125, %swap3A_126] {strides = array<i32>} : memref<128x32xf32, #tpu.memory_space<vmem>>, vector<16xf32>,
          tpu.vector_store %arg18[%swap3A_125, %swap3A_126], %mul3A_124 {strides = array<i32>} : memref<128x32xf32, #tpu.memory_space<vmem>>, vector<16xf32>,
          %scan3A_128 = arith.constant 1 : i32
          %scan3A_129 = arith.addi %scan3A_113, %scan3A_128 : i32
          %add3A_130 = arith.addi %mul3A_86, %scan3A_129 : i32
          %broadcast_in_dim3A_131 = vector.broadcast %add3A_130 : i32 to vector<16xi32>
          %gather3A_132 = tpu.vector_load_idx %arg17[%broadcast_in_dim3A_131] : memref<20224xf32, #tpu.memory_space<vmem>>[vector<16xi32>], vector<16xf32>,
          %get3A_133 = arith.index_cast %scan3A_129 : i32 to index
          %get3A_134 = arith.constant 0 : index
          %get3A_135 = tpu.vector_load %arg18[%get3A_133, %get3A_134] {strides = array<i32>} : memref<128x32xf32, #tpu.memory_space<vmem>>, vector<16xf32>,
          %mul3A_136 = arith.mulf %get3A_135, %gather3A_132 : vector<16xf32>
          %swap3A_137 = arith.index_cast %scan3A_129 : i32 to index
          %swap3A_138 = arith.constant 0 : index
          %swap3A_139 = tpu.vector_load %arg18[%swap3A_137, %swap3A_138] {strides = array<i32>} : memref<128x32xf32, #tpu.memory_space<vmem>>, vector<16xf32>,
          tpu.vector_store %arg18[%swap3A_137, %swap3A_138], %mul3A_136 {strides = array<i32>} : memref<128x32xf32, #tpu.memory_space<vmem>>, vector<16xf32>,
          %get3A_140 = arith.index_cast %scan3A_129 : i32 to index
          %get3A_141 = arith.constant 16 : index
          %get3A_142 = tpu.vector_load %arg18[%get3A_140, %get3A_141] {strides = array<i32>} : memref<128x32xf32, #tpu.memory_space<vmem>>, vector<16xf32>,
          %mul3A_143 = arith.mulf %get3A_142, %gather3A_132 : vector<16xf32>
          %swap3A_144 = arith.index_cast %scan3A_129 : i32 to index
          %swap3A_145 = arith.constant 16 : index
          %swap3A_146 = tpu.vector_load %arg18[%swap3A_144, %swap3A_145] {strides = array<i32>} : memref<128x32xf32, #tpu.memory_space<vmem>>, vector<16xf32>,
          tpu.vector_store %arg18[%swap3A_144, %swap3A_145], %mul3A_143 {strides = array<i32>} : memref<128x32xf32, #tpu.memory_space<vmem>>, vector<16xf32>,
        }
        %scan3A_92 = arith.constant 128 : i32
        "tpu.region"() ({
          %run_scoped3A_113 = tpu.sem_alloc : memref<!tpu.dma_semaphore, #tpu.memory_space<semaphore_mem>>
          %dma_start3A_114 = arith.constant 0 : i32
          %dma_start3A_115 = tpu.memref_slice %arg16[%mul3A_71, %dma_start3A_114] : memref<158x128xi32, #tpu.memory_space<vmem>> -> memref<1x128xi32, #tpu.memory_space<vmem>>
          %dma_start3A_116 = tpu.memref_squeeze %dma_start3A_115 : memref<1x128xi32, #tpu.memory_space<vmem>> -> memref<128xi32, #tpu.memory_space<vmem>>
          %dma_start3A_117 = arith.constant 0 : i32
          %dma_start3A_118 = arith.constant 0 : i32
          %dma_start3A_119 = tpu.memref_slice %arg21[%dma_start3A_117, %dma_start3A_118] : memref<10240x32xf32, #tpu.memory_space<vmem_shared>> -> memref<10240x32xf32, #tpu.memory_space<vmem_shared>>
          tpu.enqueue_indirect_dma source(%arg18 : memref<128x32xf32, #tpu.memory_space<vmem>>) target(%dma_start3A_119 : memref<10240x32xf32, #tpu.memory_space<vmem_shared>>) offsets(%dma_start3A_116 : memref<128xi32, #tpu.memory_space<vmem>>) semaphore(%run_scoped3A_113 : memref<!tpu.dma_semaphore, #tpu.memory_space<semaphore_mem>>) {add = true}
          %dma_wait3A_120 = arith.constant 0 : i32
          %dma_wait3A_121 = tpu.memref_slice %arg16[%mul3A_71, %dma_wait3A_120] : memref<158x128xi32, #tpu.memory_space<vmem>> -> memref<1x128xi32, #tpu.memory_space<vmem>>
          %dma_wait3A_122 = tpu.memref_squeeze %dma_wait3A_121 : memref<1x128xi32, #tpu.memory_space<vmem>> -> memref<128xi32, #tpu.memory_space<vmem>>
          %dma_wait3A_123 = arith.constant 0 : i32
          %dma_wait3A_124 = arith.constant 0 : i32
          %dma_wait3A_125 = tpu.memref_slice %arg21[%dma_wait3A_123, %dma_wait3A_124] : memref<10240x32xf32, #tpu.memory_space<vmem_shared>> -> memref<10240x32xf32, #tpu.memory_space<vmem_shared>>
          tpu.wait_indirect_dma semaphore(%run_scoped3A_113 : memref<!tpu.dma_semaphore, #tpu.memory_space<semaphore_mem>>) src(%arg18 : memref<128x32xf32, #tpu.memory_space<vmem>>) dst(%dma_wait3A_125 : memref<10240x32xf32, #tpu.memory_space<vmem_shared>>)
          tpu.yield
        }) : () -> ()
        %mul3A_93 = arith.constant 128 : i32
        %mul3A_94 = arith.muli %add3A_73, %mul3A_93 : i32
        %dma_wait3A_95 = tpu.memref_slice %arg15[%mul3A_94] : memref<20224xi32, #tpu.memory_space<vmem>> -> memref<128xi32, #tpu.memory_space<vmem>>
        %dma_wait3A_96 = arith.constant 0 : i32
        %dma_wait3A_97 = arith.constant 0 : i32
        %dma_wait3A_98 = tpu.memref_slice %arg5[%dma_wait3A_96, %dma_wait3A_97] : memref<10000x32xf32, #tpu.memory_space<hbm>> -> memref<10000x32xf32, #tpu.memory_space<hbm>>
        tpu.wait_indirect_dma semaphore(%arg24 : memref<!tpu.dma_semaphore, #tpu.memory_space<semaphore_mem>>) src(%dma_wait3A_98 : memref<10000x32xf32, #tpu.memory_space<hbm>>) dst(%arg19 : memref<128x32xf32, #tpu.memory_space<vmem>>)
        %add3A_99 = arith.constant 1 : i32
        %add3A_100 = arith.addi %add3A_73, %add3A_99 : i32
        %lt3A = arith.constant 158 : i32
        %lt3A_101 = arith.cmpi slt, %add3A_100, %lt3A : i32
        %convert_element_type3A_102 = arith.extui %lt3A_101 : i1 to i32
        %cond3A_103 = arith.constant 0 : i32
        %cond3A_104 = arith.cmpi ne, %convert_element_type3A_102, %cond3A_103 : i32
        scf.if %cond3A_104 {
          %add3A_113 = arith.constant 1 : i32
          %add3A_114 = arith.addi %add3A_73, %add3A_113 : i32
          %mul3A_115 = arith.constant 128 : i32
          %mul3A_116 = arith.muli %add3A_114, %mul3A_115 : i32
          %dma_start3A_117 = tpu.memref_slice %arg15[%mul3A_116] : memref<20224xi32, #tpu.memory_space<vmem>> -> memref<128xi32, #tpu.memory_space<vmem>>
          %dma_start3A_118 = arith.constant 0 : i32
          %dma_start3A_119 = arith.constant 0 : i32
          %dma_start3A_120 = tpu.memref_slice %arg5[%dma_start3A_118, %dma_start3A_119] : memref<10000x32xf32, #tpu.memory_space<hbm>> -> memref<10000x32xf32, #tpu.memory_space<hbm>>
          tpu.enqueue_indirect_dma source(%dma_start3A_120 : memref<10000x32xf32, #tpu.memory_space<hbm>>) target(%arg18 : memref<128x32xf32, #tpu.memory_space<vmem>>) offsets(%dma_start3A_117 : memref<128xi32, #tpu.memory_space<vmem>>) semaphore(%arg23 : memref<!tpu.dma_semaphore, #tpu.memory_space<semaphore_mem>>)
        } else {
        }
        %mul3A_105 = arith.constant 128 : i32
        %mul3A_106 = arith.muli %add3A_73, %mul3A_105 : i32
        %scan3A_107 = arith.constant 0 : i32
        %scan3A_108 = arith.constant 0 : i32
        %scan3A_109 = arith.constant 128 : i32
        %scan3A_110 = arith.addi %scan3A_108, %scan3A_109 : i32
        %scan3A_111 = arith.constant 2 : i32
        scf.for %scan3A_113 = %scan3A_108 to %scan3A_110 step %scan3A_111  : i32 {
          %add3A_114 = arith.addi %mul3A_106, %scan3A_113 : i32
          %broadcast_in_dim3A_115 = vector.broadcast %add3A_114 : i32 to vector<16xi32>
          %gather3A = tpu.vector_load_idx %arg17[%broadcast_in_dim3A_115] : memref<20224xf32, #tpu.memory_space<vmem>>[vector<16xi32>], vector<16xf32>,
          %get3A = arith.index_cast %scan3A_113 : i32 to index
          %get3A_116 = arith.constant 0 : index
          %get3A_117 = tpu.vector_load %arg19[%get3A, %get3A_116] {strides = array<i32>} : memref<128x32xf32, #tpu.memory_space<vmem>>, vector<16xf32>,
          %mul3A_118 = arith.mulf %get3A_117, %gather3A : vector<16xf32>
          %swap3A = arith.index_cast %scan3A_113 : i32 to index
          %swap3A_119 = arith.constant 0 : index
          %swap3A_120 = tpu.vector_load %arg19[%swap3A, %swap3A_119] {strides = array<i32>} : memref<128x32xf32, #tpu.memory_space<vmem>>, vector<16xf32>,
          tpu.vector_store %arg19[%swap3A, %swap3A_119], %mul3A_118 {strides = array<i32>} : memref<128x32xf32, #tpu.memory_space<vmem>>, vector<16xf32>,
          %get3A_121 = arith.index_cast %scan3A_113 : i32 to index
          %get3A_122 = arith.constant 16 : index
          %get3A_123 = tpu.vector_load %arg19[%get3A_121, %get3A_122] {strides = array<i32>} : memref<128x32xf32, #tpu.memory_space<vmem>>, vector<16xf32>,
          %mul3A_124 = arith.mulf %get3A_123, %gather3A : vector<16xf32>
          %swap3A_125 = arith.index_cast %scan3A_113 : i32 to index
          %swap3A_126 = arith.constant 16 : index
          %swap3A_127 = tpu.vector_load %arg19[%swap3A_125, %swap3A_126] {strides = array<i32>} : memref<128x32xf32, #tpu.memory_space<vmem>>, vector<16xf32>,
          tpu.vector_store %arg19[%swap3A_125, %swap3A_126], %mul3A_124 {strides = array<i32>} : memref<128x32xf32, #tpu.memory_space<vmem>>, vector<16xf32>,
          %scan3A_128 = arith.constant 1 : i32
          %scan3A_129 = arith.addi %scan3A_113, %scan3A_128 : i32
          %add3A_130 = arith.addi %mul3A_106, %scan3A_129 : i32
          %broadcast_in_dim3A_131 = vector.broadcast %add3A_130 : i32 to vector<16xi32>
          %gather3A_132 = tpu.vector_load_idx %arg17[%broadcast_in_dim3A_131] : memref<20224xf32, #tpu.memory_space<vmem>>[vector<16xi32>], vector<16xf32>,
          %get3A_133 = arith.index_cast %scan3A_129 : i32 to index
          %get3A_134 = arith.constant 0 : index
          %get3A_135 = tpu.vector_load %arg19[%get3A_133, %get3A_134] {strides = array<i32>} : memref<128x32xf32, #tpu.memory_space<vmem>>, vector<16xf32>,
          %mul3A_136 = arith.mulf %get3A_135, %gather3A_132 : vector<16xf32>
          %swap3A_137 = arith.index_cast %scan3A_129 : i32 to index
          %swap3A_138 = arith.constant 0 : index
          %swap3A_139 = tpu.vector_load %arg19[%swap3A_137, %swap3A_138] {strides = array<i32>} : memref<128x32xf32, #tpu.memory_space<vmem>>, vector<16xf32>,
          tpu.vector_store %arg19[%swap3A_137, %swap3A_138], %mul3A_136 {strides = array<i32>} : memref<128x32xf32, #tpu.memory_space<vmem>>, vector<16xf32>,
          %get3A_140 = arith.index_cast %scan3A_129 : i32 to index
          %get3A_141 = arith.constant 16 : index
          %get3A_142 = tpu.vector_load %arg19[%get3A_140, %get3A_141] {strides = array<i32>} : memref<128x32xf32, #tpu.memory_space<vmem>>, vector<16xf32>,
          %mul3A_143 = arith.mulf %get3A_142, %gather3A_132 : vector<16xf32>
          %swap3A_144 = arith.index_cast %scan3A_129 : i32 to index
          %swap3A_145 = arith.constant 16 : index
          %swap3A_146 = tpu.vector_load %arg19[%swap3A_144, %swap3A_145] {strides = array<i32>} : memref<128x32xf32, #tpu.memory_space<vmem>>, vector<16xf32>,
          tpu.vector_store %arg19[%swap3A_144, %swap3A_145], %mul3A_143 {strides = array<i32>} : memref<128x32xf32, #tpu.memory_space<vmem>>, vector<16xf32>,
        }
        %scan3A_112 = arith.constant 128 : i32
        "tpu.region"() ({
          %run_scoped3A_113 = tpu.sem_alloc : memref<!tpu.dma_semaphore, #tpu.memory_space<semaphore_mem>>
          %dma_start3A_114 = arith.constant 0 : i32
          %dma_start3A_115 = tpu.memref_slice %arg16[%add3A_73, %dma_start3A_114] : memref<158x128xi32, #tpu.memory_space<vmem>> -> memref<1x128xi32, #tpu.memory_space<vmem>>
          %dma_start3A_116 = tpu.memref_squeeze %dma_start3A_115 : memref<1x128xi32, #tpu.memory_space<vmem>> -> memref<128xi32, #tpu.memory_space<vmem>>
          %dma_start3A_117 = arith.constant 0 : i32
          %dma_start3A_118 = arith.constant 0 : i32
          %dma_start3A_119 = tpu.memref_slice %arg21[%dma_start3A_117, %dma_start3A_118] : memref<10240x32xf32, #tpu.memory_space<vmem_shared>> -> memref<10240x32xf32, #tpu.memory_space<vmem_shared>>
          tpu.enqueue_indirect_dma source(%arg19 : memref<128x32xf32, #tpu.memory_space<vmem>>) target(%dma_start3A_119 : memref<10240x32xf32, #tpu.memory_space<vmem_shared>>) offsets(%dma_start3A_116 : memref<128xi32, #tpu.memory_space<vmem>>) semaphore(%run_scoped3A_113 : memref<!tpu.dma_semaphore, #tpu.memory_space<semaphore_mem>>) {add = true}
          %dma_wait3A_120 = arith.constant 0 : i32
          %dma_wait3A_121 = tpu.memref_slice %arg16[%add3A_73, %dma_wait3A_120] : memref<158x128xi32, #tpu.memory_space<vmem>> -> memref<1x128xi32, #tpu.memory_space<vmem>>
          %dma_wait3A_122 = tpu.memref_squeeze %dma_wait3A_121 : memref<1x128xi32, #tpu.memory_space<vmem>> -> memref<128xi32, #tpu.memory_space<vmem>>
          %dma_wait3A_123 = arith.constant 0 : i32
          %dma_wait3A_124 = arith.constant 0 : i32
          %dma_wait3A_125 = tpu.memref_slice %arg21[%dma_wait3A_123, %dma_wait3A_124] : memref<10240x32xf32, #tpu.memory_space<vmem_shared>> -> memref<10240x32xf32, #tpu.memory_space<vmem_shared>>
          tpu.wait_indirect_dma semaphore(%run_scoped3A_113 : memref<!tpu.dma_semaphore, #tpu.memory_space<semaphore_mem>>) src(%arg19 : memref<128x32xf32, #tpu.memory_space<vmem>>) dst(%dma_wait3A_125 : memref<10240x32xf32, #tpu.memory_space<vmem_shared>>)
          tpu.yield
        }) : () -> ()
      }
      %scan3A_66 = arith.constant 79 : i32
      %barrier3A_67 = arith.constant 0 : index
      tpu.barrier barrier_id(%barrier3A_67)
      %run_scoped3A_68 = arith.constant 3 : i32
      "tpu.region"() ({
        %run_scoped3A_69 = tpu.sem_alloc : memref<!tpu.dma_semaphore, #tpu.memory_space<semaphore_mem>>
        %dma_start3A_70 = arith.constant 0 : i32
        %dma_start3A_71 = tpu.memref_slice %arg11[%run_scoped3A_68, %multiple_of3A_3, %dma_start3A_70] : memref<4x10240x32xf32, #tpu.memory_space<hbm>> -> memref<1x640x32xf32, #tpu.memory_space<hbm>>
        %dma_start3A_72 = tpu.memref_squeeze %dma_start3A_71 : memref<1x640x32xf32, #tpu.memory_space<hbm>> -> memref<640x32xf32, #tpu.memory_space<hbm>>
        %dma_start3A_73 = arith.constant 0 : i32
        %dma_start3A_74 = tpu.memref_slice %arg21[%multiple_of3A_3, %dma_start3A_73] : memref<10240x32xf32, #tpu.memory_space<vmem_shared>> -> memref<640x32xf32, #tpu.memory_space<vmem_shared>>
        tpu.enqueue_dma source(%dma_start3A_74 : memref<640x32xf32, #tpu.memory_space<vmem_shared>>) target(%dma_start3A_72 : memref<640x32xf32, #tpu.memory_space<hbm>>) target_semaphore(%run_scoped3A_69 : memref<!tpu.dma_semaphore, #tpu.memory_space<semaphore_mem>>)
        %dma_wait3A = arith.constant 0 : i32
        %dma_wait3A_75 = tpu.memref_slice %arg11[%run_scoped3A_68, %multiple_of3A_3, %dma_wait3A] : memref<4x10240x32xf32, #tpu.memory_space<hbm>> -> memref<1x640x32xf32, #tpu.memory_space<hbm>>
        %dma_wait3A_76 = tpu.memref_squeeze %dma_wait3A_75 : memref<1x640x32xf32, #tpu.memory_space<hbm>> -> memref<640x32xf32, #tpu.memory_space<hbm>>
        %dma_wait3A_77 = arith.constant 0 : i32
        %dma_wait3A_78 = tpu.memref_slice %arg21[%multiple_of3A_3, %dma_wait3A_77] : memref<10240x32xf32, #tpu.memory_space<vmem_shared>> -> memref<640x32xf32, #tpu.memory_space<vmem_shared>>
        tpu.wait_dma2 semaphore(%run_scoped3A_69 : memref<!tpu.dma_semaphore, #tpu.memory_space<semaphore_mem>>) src(%dma_wait3A_78 : memref<640x32xf32, #tpu.memory_space<vmem_shared>>) dst(%dma_wait3A_76 : memref<640x32xf32, #tpu.memory_space<hbm>>)
        tpu.yield
      }) : () -> ()
    } else {
    }
    return
  }
}

module attributes {stable_mosaic.version = 14 : i64} {
  func.func @_dense_body(%arg0: i32, %arg1: memref<1000x128xf32, #tpu.memory_space<vmem>>, %arg2: memref<128x128xf32, #tpu.memory_space<vmem>>, %arg3: memref<1x128xf32, #tpu.memory_space<vmem>>, %arg4: memref<1x128xf32, #tpu.memory_space<vmem>>, %arg5: memref<16x32000xf32, #tpu.memory_space<vmem>>, %arg6: memref<16x128xf32, #tpu.memory_space<vmem>>, %arg7: memref<1x128xf32, #tpu.memory_space<vmem>>, %arg8: memref<1000x32xf32, #tpu.memory_space<vmem>>, %arg9: memref<1000x32xf32, #tpu.memory_space<vmem>>, %arg10: memref<1000x32xf32, #tpu.memory_space<vmem>>, %arg11: memref<1000x32xf32, #tpu.memory_space<vmem>>, %arg12: memref<1x1x1000xf32, #tpu.memory_space<vmem>>, %arg13: memref<1x1x1000xf32, #tpu.memory_space<vmem>>, %arg14: memref<1x1x32000xf32, #tpu.memory_space<vmem>>) attributes {dimension_semantics = [#tpu.dimension_semantics<arbitrary>], iteration_bounds = array<i64: 10>, scalar_prefetch = 0 : i64, scratch_operands = 0 : i64, tpu.core_type = #tpu.core_type<tc>, window_params = [{transform_indices = @transform_0, window_bounds = array<i64: 1000, 128>}, {pipeline_mode = #tpu.pipeline_mode<synchronous>, transform_indices = @transform_1, window_bounds = array<i64: 128, 128>}, {pipeline_mode = #tpu.pipeline_mode<synchronous>, transform_indices = @transform_2, window_bounds = array<i64: 1, 128>}, {pipeline_mode = #tpu.pipeline_mode<synchronous>, transform_indices = @transform_3, window_bounds = array<i64: 1, 128>}, {transform_indices = @transform_4, window_bounds = array<i64: 16, 32000>}, {pipeline_mode = #tpu.pipeline_mode<synchronous>, transform_indices = @transform_5, window_bounds = array<i64: 16, 128>}, {pipeline_mode = #tpu.pipeline_mode<synchronous>, transform_indices = @transform_6, window_bounds = array<i64: 1, 128>}, {transform_indices = @transform_7, window_bounds = array<i64: 1000, 32>}, {transform_indices = @transform_8, window_bounds = array<i64: 1000, 32>}, {transform_indices = @transform_9, window_bounds = array<i64: 1000, 32>}, {transform_indices = @transform_10, window_bounds = array<i64: 1000, 32>}, {transform_indices = @transform_11, window_bounds = array<i64: 1, 1, 1000>}, {transform_indices = @transform_12, window_bounds = array<i64: 1, 1, 1000>}, {transform_indices = @transform_13, window_bounds = array<i64: 1, 1, 32000>}]} {
    %get3A = arith.constant 0 : index
    %get3A_0 = arith.constant 0 : index
    %get3A_1 = vector.load %arg1[%get3A, %get3A_0] : memref<1000x128xf32, #tpu.memory_space<vmem>>, vector<1000x128xf32>
    %get3A_2 = arith.constant 0 : index
    %get3A_3 = arith.constant 0 : index
    %get3A_4 = vector.load %arg2[%get3A_2, %get3A_3] : memref<128x128xf32, #tpu.memory_space<vmem>>, vector<128x128xf32>
    %dot_general3A = arith.constant dense<0.000000e+00> : vector<1000x128xf32>
    %dot_general3A_5 = tpu.matmul %get3A_1, %get3A_4, %dot_general3A {dimension_numbers = #tpu.dot_dimension_numbers<[1], [0], [0], [1], [0, 0, 1, 1], [], []>, transpose_lhs_hint = false} : vector<1000x128xf32>, vector<128x128xf32>, vector<1000x128xf32> -> vector<1000x128xf32>
    %slice3A = vector.extract_strided_slice %dot_general3A_5 {offsets = [0, 0], sizes = [1000, 32], strides = [1, 1]} : vector<1000x128xf32> to vector<1000x32xf32>
    %swap3A = arith.constant 0 : index
    %swap3A_6 = arith.constant 0 : index
    %swap3A_7 = vector.load %arg8[%swap3A, %swap3A_6] : memref<1000x32xf32, #tpu.memory_space<vmem>>, vector<1000x32xf32>
    tpu.vector_store %arg8[%swap3A, %swap3A_6], %slice3A {strides = array<i32>} : memref<1000x32xf32, #tpu.memory_space<vmem>>, vector<1000x32xf32>,
    %slice3A_8 = vector.extract_strided_slice %dot_general3A_5 {offsets = [0, 32], sizes = [1000, 32], strides = [1, 1]} : vector<1000x128xf32> to vector<1000x32xf32>
    %swap3A_9 = arith.constant 0 : index
    %swap3A_10 = arith.constant 0 : index
    %swap3A_11 = vector.load %arg9[%swap3A_9, %swap3A_10] : memref<1000x32xf32, #tpu.memory_space<vmem>>, vector<1000x32xf32>
    tpu.vector_store %arg9[%swap3A_9, %swap3A_10], %slice3A_8 {strides = array<i32>} : memref<1000x32xf32, #tpu.memory_space<vmem>>, vector<1000x32xf32>,
    %slice3A_12 = vector.extract_strided_slice %dot_general3A_5 {offsets = [0, 64], sizes = [1000, 32], strides = [1, 1]} : vector<1000x128xf32> to vector<1000x32xf32>
    %swap3A_13 = arith.constant 0 : index
    %swap3A_14 = arith.constant 0 : index
    %swap3A_15 = vector.load %arg10[%swap3A_13, %swap3A_14] : memref<1000x32xf32, #tpu.memory_space<vmem>>, vector<1000x32xf32>
    tpu.vector_store %arg10[%swap3A_13, %swap3A_14], %slice3A_12 {strides = array<i32>} : memref<1000x32xf32, #tpu.memory_space<vmem>>, vector<1000x32xf32>,
    %slice3A_16 = vector.extract_strided_slice %dot_general3A_5 {offsets = [0, 96], sizes = [1000, 32], strides = [1, 1]} : vector<1000x128xf32> to vector<1000x32xf32>
    %swap3A_17 = arith.constant 0 : index
    %swap3A_18 = arith.constant 0 : index
    %swap3A_19 = vector.load %arg11[%swap3A_17, %swap3A_18] : memref<1000x32xf32, #tpu.memory_space<vmem>>, vector<1000x32xf32>
    tpu.vector_store %arg11[%swap3A_17, %swap3A_18], %slice3A_16 {strides = array<i32>} : memref<1000x32xf32, #tpu.memory_space<vmem>>, vector<1000x32xf32>,
    %get3A_20 = arith.constant 0 : index
    %get3A_21 = arith.constant 0 : index
    %get3A_22 = vector.load %arg3[%get3A_20, %get3A_21] : memref<1x128xf32, #tpu.memory_space<vmem>>, vector<1x128xf32>
    %get3A_23 = vector.shape_cast %get3A_22 : vector<1x128xf32> to vector<128xf32>
    %broadcast_in_dim3A = vector.shape_cast %get3A_23 : vector<128xf32> to vector<1x128xf32>
    %mul3A = vector.broadcast %broadcast_in_dim3A : vector<1x128xf32> to vector<1000x128xf32>
    %mul3A_24 = arith.mulf %dot_general3A_5, %mul3A : vector<1000x128xf32>
    %reduce_sum3A = arith.constant dense<0.000000e+00> : vector<1000xf32>
    %reduce_sum3A_25 = vector.multi_reduction <add>, %mul3A_24, %reduce_sum3A [1] : vector<1000x128xf32> to vector<1000xf32>
    %swap3A_26 = arith.constant 0 : index
    %swap3A_27 = arith.constant 0 : index
    %swap3A_28 = arith.constant 0 : index
    %swap3A_29 = vector.load %arg12[%swap3A_26, %swap3A_27, %swap3A_28] : memref<1x1x1000xf32, #tpu.memory_space<vmem>>, vector<1x1x1000xf32>
    %swap3A_30 = vector.shape_cast %swap3A_29 : vector<1x1x1000xf32> to vector<1000xf32>
    %swap3A_31 = vector.shape_cast %reduce_sum3A_25 : vector<1000xf32> to vector<1x1x1000xf32>
    tpu.vector_store %arg12[%swap3A_26, %swap3A_27, %swap3A_28], %swap3A_31 {strides = array<i32>} : memref<1x1x1000xf32, #tpu.memory_space<vmem>>, vector<1x1x1000xf32>,
    %get3A_32 = arith.constant 0 : index
    %get3A_33 = arith.constant 0 : index
    %get3A_34 = vector.load %arg4[%get3A_32, %get3A_33] : memref<1x128xf32, #tpu.memory_space<vmem>>, vector<1x128xf32>
    %get3A_35 = vector.shape_cast %get3A_34 : vector<1x128xf32> to vector<128xf32>
    %broadcast_in_dim3A_36 = vector.shape_cast %get3A_35 : vector<128xf32> to vector<1x128xf32>
    %mul3A_37 = vector.broadcast %broadcast_in_dim3A_36 : vector<1x128xf32> to vector<1000x128xf32>
    %mul3A_38 = arith.mulf %dot_general3A_5, %mul3A_37 : vector<1000x128xf32>
    %reduce_sum3A_39 = arith.constant dense<0.000000e+00> : vector<1000xf32>
    %reduce_sum3A_40 = vector.multi_reduction <add>, %mul3A_38, %reduce_sum3A_39 [1] : vector<1000x128xf32> to vector<1000xf32>
    %swap3A_41 = arith.constant 0 : index
    %swap3A_42 = arith.constant 0 : index
    %swap3A_43 = arith.constant 0 : index
    %swap3A_44 = vector.load %arg13[%swap3A_41, %swap3A_42, %swap3A_43] : memref<1x1x1000xf32, #tpu.memory_space<vmem>>, vector<1x1x1000xf32>
    %swap3A_45 = vector.shape_cast %swap3A_44 : vector<1x1x1000xf32> to vector<1000xf32>
    %swap3A_46 = vector.shape_cast %reduce_sum3A_40 : vector<1000xf32> to vector<1x1x1000xf32>
    tpu.vector_store %arg13[%swap3A_41, %swap3A_42, %swap3A_43], %swap3A_46 {strides = array<i32>} : memref<1x1x1000xf32, #tpu.memory_space<vmem>>, vector<1x1x1000xf32>,
    %get3A_47 = arith.constant 0 : index
    %get3A_48 = arith.constant 0 : index
    %get3A_49 = vector.load %arg6[%get3A_47, %get3A_48] : memref<16x128xf32, #tpu.memory_space<vmem>>, vector<16x128xf32>
    %get3A_50 = arith.constant 0 : index
    %get3A_51 = arith.constant 0 : index
    %get3A_52 = vector.load %arg7[%get3A_50, %get3A_51] : memref<1x128xf32, #tpu.memory_space<vmem>>, vector<1x128xf32>
    %get3A_53 = vector.shape_cast %get3A_52 : vector<1x128xf32> to vector<128xf32>
    %broadcast_in_dim3A_54 = vector.shape_cast %get3A_53 : vector<128xf32> to vector<1x128xf32>
    %mul3A_55 = vector.broadcast %broadcast_in_dim3A_54 : vector<1x128xf32> to vector<16x128xf32>
    %mul3A_56 = arith.mulf %get3A_49, %mul3A_55 : vector<16x128xf32>
    %reduce_sum3A_57 = arith.constant dense<0.000000e+00> : vector<16xf32>
    %reduce_sum3A_58 = vector.multi_reduction <add>, %mul3A_56, %reduce_sum3A_57 [1] : vector<16x128xf32> to vector<16xf32>
    %get3A_59 = arith.constant 0 : index
    %get3A_60 = arith.constant 0 : index
    %get3A_61 = vector.load %arg5[%get3A_59, %get3A_60] : memref<16x32000xf32, #tpu.memory_space<vmem>>, vector<16x32000xf32>
    %broadcast_in_dim3A_62 = vector.shape_cast %reduce_sum3A_58 : vector<16xf32> to vector<16x1xf32>
    %mul3A_63 = vector.broadcast %broadcast_in_dim3A_62 : vector<16x1xf32> to vector<16x32000xf32>
    %mul3A_64 = arith.mulf %get3A_61, %mul3A_63 : vector<16x32000xf32>
    %reduce_sum3A_65 = arith.constant dense<0.000000e+00> : vector<32000xf32>
    %reduce_sum3A_66 = vector.multi_reduction <add>, %mul3A_64, %reduce_sum3A_65 [0] : vector<16x32000xf32> to vector<32000xf32>
    %swap3A_67 = arith.constant 0 : index
    %swap3A_68 = arith.constant 0 : index
    %swap3A_69 = arith.constant 0 : index
    %swap3A_70 = vector.load %arg14[%swap3A_67, %swap3A_68, %swap3A_69] : memref<1x1x32000xf32, #tpu.memory_space<vmem>>, vector<1x1x32000xf32>
    %swap3A_71 = vector.shape_cast %swap3A_70 : vector<1x1x32000xf32> to vector<32000xf32>
    %swap3A_72 = vector.shape_cast %reduce_sum3A_66 : vector<32000xf32> to vector<1x1x32000xf32>
    tpu.vector_store %arg14[%swap3A_67, %swap3A_68, %swap3A_69], %swap3A_72 {strides = array<i32>} : memref<1x1x32000xf32, #tpu.memory_space<vmem>>, vector<1x1x32000xf32>,
    return
  }
  func.func @transform_0(%arg0: i32) -> (i32, i32) {
    %c0_i32 = arith.constant 0 : i32
    %c0_i32_0 = arith.constant 0 : i32
    return %arg0, %c0_i32 : i32, i32
  }
  func.func @transform_1(%arg0: i32) -> (i32, i32) {
    %c0_i32 = arith.constant 0 : i32
    %c0_i32_0 = arith.constant 0 : i32
    %c0_i32_1 = arith.constant 0 : i32
    return %c0_i32, %c0_i32_0 : i32, i32
  }
  func.func @transform_2(%arg0: i32) -> (i32, i32) {
    %c0_i32 = arith.constant 0 : i32
    %c0_i32_0 = arith.constant 0 : i32
    %c0_i32_1 = arith.constant 0 : i32
    return %c0_i32, %c0_i32_0 : i32, i32
  }
  func.func @transform_3(%arg0: i32) -> (i32, i32) {
    %c0_i32 = arith.constant 0 : i32
    %c0_i32_0 = arith.constant 0 : i32
    %c0_i32_1 = arith.constant 0 : i32
    return %c0_i32, %c0_i32_0 : i32, i32
  }
  func.func @transform_4(%arg0: i32) -> (i32, i32) {
    %c0_i32 = arith.constant 0 : i32
    %c0_i32_0 = arith.constant 0 : i32
    return %c0_i32, %arg0 : i32, i32
  }
  func.func @transform_5(%arg0: i32) -> (i32, i32) {
    %c0_i32 = arith.constant 0 : i32
    %c0_i32_0 = arith.constant 0 : i32
    %c0_i32_1 = arith.constant 0 : i32
    return %c0_i32, %c0_i32_0 : i32, i32
  }
  func.func @transform_6(%arg0: i32) -> (i32, i32) {
    %c0_i32 = arith.constant 0 : i32
    %c0_i32_0 = arith.constant 0 : i32
    %c0_i32_1 = arith.constant 0 : i32
    return %c0_i32, %c0_i32_0 : i32, i32
  }
  func.func @transform_7(%arg0: i32) -> (i32, i32) {
    %c0_i32 = arith.constant 0 : i32
    %c0_i32_0 = arith.constant 0 : i32
    return %arg0, %c0_i32 : i32, i32
  }
  func.func @transform_8(%arg0: i32) -> (i32, i32) {
    %c0_i32 = arith.constant 0 : i32
    %c0_i32_0 = arith.constant 0 : i32
    return %arg0, %c0_i32 : i32, i32
  }
  func.func @transform_9(%arg0: i32) -> (i32, i32) {
    %c0_i32 = arith.constant 0 : i32
    %c0_i32_0 = arith.constant 0 : i32
    return %arg0, %c0_i32 : i32, i32
  }
  func.func @transform_10(%arg0: i32) -> (i32, i32) {
    %c0_i32 = arith.constant 0 : i32
    %c0_i32_0 = arith.constant 0 : i32
    return %arg0, %c0_i32 : i32, i32
  }
  func.func @transform_11(%arg0: i32) -> (i32, i32, i32) {
    %c0_i32 = arith.constant 0 : i32
    %c0_i32_0 = arith.constant 0 : i32
    %c0_i32_1 = arith.constant 0 : i32
    return %arg0, %c0_i32, %c0_i32_0 : i32, i32, i32
  }
  func.func @transform_12(%arg0: i32) -> (i32, i32, i32) {
    %c0_i32 = arith.constant 0 : i32
    %c0_i32_0 = arith.constant 0 : i32
    %c0_i32_1 = arith.constant 0 : i32
    return %arg0, %c0_i32, %c0_i32_0 : i32, i32, i32
  }
  func.func @transform_13(%arg0: i32) -> (i32, i32, i32) {
    %c0_i32 = arith.constant 0 : i32
    %c0_i32_0 = arith.constant 0 : i32
    %c0_i32_1 = arith.constant 0 : i32
    return %arg0, %c0_i32, %c0_i32_0 : i32, i32, i32
  }
}

module attributes {stable_mosaic.version = 14 : i64} {
  func.func @_final_body(%arg0: i32, %arg1: memref<4x1000x32xf32, #tpu.memory_space<vmem>>, %arg2: memref<1000x1xf32, #tpu.memory_space<vmem>>, %arg3: memref<1000x128xf32, #tpu.memory_space<vmem>>, %arg4: memref<1x128xf32, #tpu.memory_space<vmem>>, %arg5: memref<1000x128xf32, #tpu.memory_space<vmem>>) attributes {dimension_semantics = [#tpu.dimension_semantics<arbitrary>], iteration_bounds = array<i64: 10>, scalar_prefetch = 0 : i64, scratch_operands = 0 : i64, tpu.core_type = #tpu.core_type<tc>, window_params = [{transform_indices = @transform_0, window_bounds = array<i64: 4, 1000, 32>}, {transform_indices = @transform_1, window_bounds = array<i64: 1000, 1>}, {transform_indices = @transform_2, window_bounds = array<i64: 1000, 128>}, {pipeline_mode = #tpu.pipeline_mode<synchronous>, transform_indices = @transform_3, window_bounds = array<i64: 1, 128>}, {transform_indices = @transform_4, window_bounds = array<i64: 1000, 128>}]} {
    %get3A = arith.constant 0 : index
    %get3A_0 = arith.constant 0 : index
    %get3A_1 = arith.constant 0 : index
    %get3A_2 = vector.load %arg1[%get3A, %get3A_0, %get3A_1] : memref<4x1000x32xf32, #tpu.memory_space<vmem>>, vector<1x1000x32xf32>
    %get3A_3 = vector.shape_cast %get3A_2 : vector<1x1000x32xf32> to vector<1000x32xf32>
    %get3A_4 = arith.constant 1 : index
    %get3A_5 = arith.constant 0 : index
    %get3A_6 = arith.constant 0 : index
    %get3A_7 = vector.load %arg1[%get3A_4, %get3A_5, %get3A_6] : memref<4x1000x32xf32, #tpu.memory_space<vmem>>, vector<1x1000x32xf32>
    %get3A_8 = vector.shape_cast %get3A_7 : vector<1x1000x32xf32> to vector<1000x32xf32>
    %get3A_9 = arith.constant 2 : index
    %get3A_10 = arith.constant 0 : index
    %get3A_11 = arith.constant 0 : index
    %get3A_12 = vector.load %arg1[%get3A_9, %get3A_10, %get3A_11] : memref<4x1000x32xf32, #tpu.memory_space<vmem>>, vector<1x1000x32xf32>
    %get3A_13 = vector.shape_cast %get3A_12 : vector<1x1000x32xf32> to vector<1000x32xf32>
    %get3A_14 = arith.constant 3 : index
    %get3A_15 = arith.constant 0 : index
    %get3A_16 = arith.constant 0 : index
    %get3A_17 = vector.load %arg1[%get3A_14, %get3A_15, %get3A_16] : memref<4x1000x32xf32, #tpu.memory_space<vmem>>, vector<1x1000x32xf32>
    %get3A_18 = vector.shape_cast %get3A_17 : vector<1x1000x32xf32> to vector<1000x32xf32>
    %concatenate3A = tpu.concatenate %get3A_3, %get3A_8, %get3A_13, %get3A_18 in 1 : vector<1000x32xf32>, vector<1000x32xf32>, vector<1000x32xf32>, vector<1000x32xf32> -> vector<1000x128xf32>
    %get3A_19 = arith.constant 0 : index
    %get3A_20 = arith.constant 0 : index
    %get3A_21 = vector.load %arg2[%get3A_19, %get3A_20] : memref<1000x1xf32, #tpu.memory_space<vmem>>, vector<1000x1xf32>
    %get3A_22 = vector.shape_cast %get3A_21 : vector<1000x1xf32> to vector<1000xf32>
    %add3A = arith.constant 9.99999971E-10 : f32
    %add3A_23 = vector.broadcast %add3A : f32 to vector<1000xf32>
    %add3A_24 = arith.addf %get3A_22, %add3A_23 : vector<1000xf32>
    %div3A = arith.constant 1.000000e+00 : f32
    %div3A_25 = vector.broadcast %div3A : f32 to vector<1000xf32>
    %div3A_26 = arith.divf %div3A_25, %add3A_24 : vector<1000xf32>
    %broadcast_in_dim3A = vector.shape_cast %div3A_26 : vector<1000xf32> to vector<1000x1xf32>
    %mul3A = vector.broadcast %broadcast_in_dim3A : vector<1000x1xf32> to vector<1000x128xf32>
    %mul3A_27 = arith.mulf %concatenate3A, %mul3A : vector<1000x128xf32>
    %get3A_28 = arith.constant 0 : index
    %get3A_29 = arith.constant 0 : index
    %get3A_30 = vector.load %arg3[%get3A_28, %get3A_29] : memref<1000x128xf32, #tpu.memory_space<vmem>>, vector<1000x128xf32>
    %add3A_31 = arith.addf %mul3A_27, %get3A_30 : vector<1000x128xf32>
    %get3A_32 = arith.constant 0 : index
    %get3A_33 = arith.constant 0 : index
    %get3A_34 = vector.load %arg4[%get3A_32, %get3A_33] : memref<1x128xf32, #tpu.memory_space<vmem>>, vector<1x128xf32>
    %get3A_35 = vector.shape_cast %get3A_34 : vector<1x128xf32> to vector<128xf32>
    %broadcast_in_dim3A_36 = vector.shape_cast %get3A_35 : vector<128xf32> to vector<1x128xf32>
    %add3A_37 = vector.broadcast %broadcast_in_dim3A_36 : vector<1x128xf32> to vector<1000x128xf32>
    %add3A_38 = arith.addf %add3A_31, %add3A_37 : vector<1000x128xf32>
    %swap3A = arith.constant 0 : index
    %swap3A_39 = arith.constant 0 : index
    %swap3A_40 = vector.load %arg5[%swap3A, %swap3A_39] : memref<1000x128xf32, #tpu.memory_space<vmem>>, vector<1000x128xf32>
    tpu.vector_store %arg5[%swap3A, %swap3A_39], %add3A_38 {strides = array<i32>} : memref<1000x128xf32, #tpu.memory_space<vmem>>, vector<1000x128xf32>,
    return
  }
  func.func @transform_0(%arg0: i32) -> (i32, i32, i32) {
    %c0_i32 = arith.constant 0 : i32
    %c0_i32_0 = arith.constant 0 : i32
    %c0_i32_1 = arith.constant 0 : i32
    return %c0_i32, %arg0, %c0_i32_0 : i32, i32, i32
  }
  func.func @transform_1(%arg0: i32) -> (i32, i32) {
    %c0_i32 = arith.constant 0 : i32
    %c0_i32_0 = arith.constant 0 : i32
    return %arg0, %c0_i32 : i32, i32
  }
  func.func @transform_2(%arg0: i32) -> (i32, i32) {
    %c0_i32 = arith.constant 0 : i32
    %c0_i32_0 = arith.constant 0 : i32
    return %arg0, %c0_i32 : i32, i32
  }
  func.func @transform_3(%arg0: i32) -> (i32, i32) {
    %c0_i32 = arith.constant 0 : i32
    %c0_i32_0 = arith.constant 0 : i32
    %c0_i32_1 = arith.constant 0 : i32
    return %c0_i32, %c0_i32_0 : i32, i32
  }
  func.func @transform_4(%arg0: i32) -> (i32, i32) {
    %c0_i32 = arith.constant 0 : i32
    %c0_i32_0 = arith.constant 0 : i32
    return %arg0, %c0_i32 : i32, i32
  }
}

</mosaic_0001>

<sc_bundles>
// kernel: kernel.5.cloned.1.call-start
scs
__scs_entry_jumppad:
0x0: {  	(pc) =	sbr.rel $0x88, $3  }
0x1: {  	(tag) =	ssettag $0x0;
	lr =	simm.s32 $0x1  }
0x2: {  	[smem:$0x3F98] =	sst lr;
	_ =	strace $0xD0000000  }
0x3: {  	_ = 	snop  }
0x4: {  	_ = 	snop  }
0x5: {  	_ = 	snop  }
0x6: {  	_ = 	snop  }
0x7: {  	_ = 	snop  }
__scs_overlays_trampoline_lowered:
0x8: {  	[smem:$0x3FA7] =	sst s0  }
0x9: {  	[smem:$0x3FA8] =	sst s1  }
0xa: {  	[smem:$0x3FA9] =	sst s2  }
0xb: {  	[smem:$0x3FAA] =	sst s3  }
0xc: {  	[smem:$0x3FAB] =	sst s4  }
0xd: {  	[smem:$0x3FAC] =	sst s5  }
0xe: {  	[smem:$0x3FAD] =	sst s6  }
0xf: {  	[smem:$0x3FAE] =	sst s7  }
0x10: {  	[smem:$0x3FAF] =	sst s8  }
0x11: {  	[smem:$0x3FB0] =	sst s9;
	s0 =	simm.s32 @!p0 $0x0  }
0x12: {  	s1 =	sld [smem:$0x3F96];
	s0 =	simm.s32 @p0 $0x1  }
0x13: {  	[smem:$0x3FB1] =	sst s0;
	s0 =	simm.s32 @!p1 $0x0  }
0x14: {  	s2 =	sld [smem:$0x3F95];
	s0 =	simm.s32 @p1 $0x1  }
0x15: {  	[smem:$0x3FB2] =	sst s0;
	s0 =	simm.s32 @!p2 $0x0  }
0x16: {  	s3 =	sld [smem:$0x3FDB];
	s0 =	simm.s32 @p2 $0x1  }
0x17: {  	s4 =	simm.s32 $0x1BF5;
	[smem:$0x3FB4] =	sst s0  }
0x18: {  	s0 =	sld [smem:$0x3F97];
	_ =	swait.ge [sflag:s4], $0x0  }
0x19: {  	s7 =	sld [smem:$0x3F98]  }
0x1a: {  	s8 =	sadd.s32 $0xFFFFE003, lr  }
0x1b: {  	s9 =	sadd.s32 $0xFFFFFEF7, lr;
	s5 =	simm.s32 $0xFFFFFFFF;
	p2 =	slt.u32 s8, $0xFFFFF086  }
0x1c: {  	p1 =	slt.u32 s9, $0xF7A;
	s5 =	simm.s32 @!p2 $0x0  }
0x1d: {  	s5 =	simm.s32 @p1 $0x1;
	p0 =	seq.s32 s7, s2  }
0x1e: {  	s7 =	smul.u32 @!p0 $0xF7A, s2;
	p2 =	seq.s32 @!p0 s5, $0x0  }
0x1f: {  	s9 =	smul.u32 $0xF7A, s1;
	s8 =	simm.s32 @!p0 $0x1BF5;
	p2 =	por !p2, p0  }
0x20: {  	[sflag:s8] =	ssyncset.s32 @!p0 $0xFFFFF086;
	s6 =	sadd.s32 @!p0 s3, s7;
	s7 =	simm.s32 @!p0 $0x108  }
0x21: {  	s3 =	sadd.s32 s3, s9;
	s6 =	sadd.s32 @!p0 $0x88, s6;
	s7 =	simm.s32 @p2 $0x1082  }
0x22: {  	[simem:s7], [sflag:s8] =	dma.local @!p0 [hbm:s6], $0xF7A  }
0x23: {  	s9 =	sor.u32 $0xD0000000, s2;
	s6 =	simm.s32 $0x108;
	_ =	swait.ge @!p0 [sflag:s8], $0x0  }
0x24: {  	s3 =	sadd.s32 $0x88, s3;
	s6 =	simm.s32 @!p1 $0x1082;
	[sflag:s4] =	ssyncset.s32 $0xFFFFF086  }
0x25: {  	[simem:s6], [sflag:s4] =	dma.local [hbm:s3], $0xF7A  }
0x26: {  	[smem:$0x3F98] =	sst s1;
	(tag) =	ssettag s2;
	_ =	strace s9  }
0x27: {  	s1 =	sld [smem:$0x3FA8]  }
0x28: {  	s2 =	sld [smem:$0x3FA9]  }
0x29: {  	s4 =	sld [smem:$0x3FAB]  }
0x2a: {  	p0 =	seq.s32 s5, $0x0;
	s5 =	sld [smem:$0x3FAC]  }
0x2b: {  	s6 =	sld [smem:$0x3FAD]  }
0x2c: {  	s7 =	sld [smem:$0x3FAE]  }
0x2d: {  	s3 =	simm.s32 $0x108;
	s8 =	sld [smem:$0x3FAF]  }
0x2e: {  	s3 =	simm.s32 @!p0 $0x1082;
	s9 =	sld [smem:$0x3FB0]  }
0x2f: {  	lr =	sadd.s32 s0, s3;
	s0 =	sld [smem:$0x3FA7]  }
0x30: {  	s3 =	sld [smem:$0x3FAA]  }
0x31: {  	[smem:$0x3FB3] =	sst s10  }
0x32: {  	s10 =	sld [smem:$0x3FB1];
	_ =	sdelay $0x3  }
0x33: {  	p0 =	seq.s32 s10, $0x1;
	s10 =	sld [smem:$0x3FB3];
	_ =	sdelay $0x3  }
0x34: {  	[smem:$0x3FB3] =	sst s10  }
0x35: {  	s10 =	sld [smem:$0x3FB2];
	_ =	sdelay $0x3  }
0x36: {  	p1 =	seq.s32 s10, $0x1;
	s10 =	sld [smem:$0x3FB3];
	_ =	sdelay $0x3  }
0x37: {  	[smem:$0x3FB3] =	sst s10  }
0x38: {  	s10 =	sld [smem:$0x3FB4]  }
0x39: {  	_ = 	snop;
	(pc) =	sbr.ind lr, $3  }
0x3a: {  	_ = 	snop  }
0x3b: {  	_ = 	snop  }
0x3c: {  	p2 =	seq.s32 s10, $0x1;
	s10 =	sld [smem:$0x3FB3]  }
0x3d: {  	_ =	shalt  }
0x3e: {  	_ =	shalt  }
0x3f: {  	_ =	shalt  }
0x40: {  	_ =	shalt  }
0x41: {  	_ =	shalt  }
0x42: {  	_ =	shalt  }
0x43: {  	_ =	shalt  }
0x44: {  	_ =	shalt  }
0x45: {  	_ =	shalt  }
0x46: {  	_ =	shalt  }
0x47: {  	_ =	shalt  }
0x48: {  	_ =	shalt  }
0x49: {  	_ =	shalt  }
0x4a: {  	_ =	shalt  }
0x4b: {  	_ =	shalt  }
0x4c: {  	_ =	shalt  }
0x4d: {  	_ =	shalt  }
0x4e: {  	_ =	shalt  }
0x4f: {  	_ =	shalt  }
0x50: {  	_ =	shalt  }
0x51: {  	_ =	shalt  }
0x52: {  	_ =	shalt  }
0x53: {  	_ =	shalt  }
0x54: {  	_ =	shalt  }
0x55: {  	_ =	shalt  }
0x56: {  	_ =	shalt  }
0x57: {  	_ =	shalt  }
0x58: {  	_ =	shalt  }
0x59: {  	_ =	shalt  }
0x5a: {  	_ =	shalt  }
0x5b: {  	_ =	shalt  }
0x5c: {  	_ =	shalt  }
0x5d: {  	_ =	shalt  }
0x5e: {  	_ =	shalt  }
0x5f: {  	_ =	shalt  }
0x60: {  	_ =	shalt  }
0x61: {  	_ =	shalt  }
0x62: {  	_ =	shalt  }
0x63: {  	_ =	shalt  }
0x64: {  	_ =	shalt  }
0x65: {  	_ =	shalt  }
0x66: {  	_ =	shalt  }
0x67: {  	_ =	shalt  }
0x68: {  	_ =	shalt  }
0x69: {  	_ =	shalt  }
0x6a: {  	_ =	shalt  }
0x6b: {  	_ =	shalt  }
0x6c: {  	_ =	shalt  }
0x6d: {  	_ =	shalt  }
0x6e: {  	_ =	shalt  }
0x6f: {  	_ =	shalt  }
0x70: {  	_ =	shalt  }
0x71: {  	_ =	shalt  }
0x72: {  	_ =	shalt  }
0x73: {  	_ =	shalt  }
0x74: {  	_ =	shalt  }
0x75: {  	_ =	shalt  }
0x76: {  	_ =	shalt  }
0x77: {  	_ =	shalt  }
0x78: {  	_ =	shalt  }
0x79: {  	_ =	shalt  }
0x7a: {  	_ =	shalt  }
0x7b: {  	_ =	shalt  }
0x7c: {  	_ =	shalt  }
0x7d: {  	_ =	shalt  }
0x7e: {  	_ =	shalt  }
0x7f: {  	_ =	shalt  }
0x80: {  	_ =	shalt  }
0x81: {  	_ =	shalt  }
0x82: {  	_ =	shalt  }
0x83: {  	_ =	shalt  }
0x84: {  	_ =	shalt  }
0x85: {  	_ =	shalt  }
0x86: {  	_ =	shalt  }
0x87: {  	_ =	shalt  }
.Lfunc_end0:
.L_simem_size_0:
called_computation_lowered:
.L_overlay_start_0:
0x88: {  	s2 =	sld [smem:$0x3FD9]  }
0x89: {  	s3 =	sld [smem:$0x3FFE];
	_ =	sdelay $0x1  }
0x8a: {  	s1 =	srdreg.scid  }
0x8b: {  	s0 =	sand.u32 $0x1, s1  }
0x8c: {  	s17 =	sshll.u32 s0, $0xA;
	s2 =	sadd.s32 s3, s2  }
0x8d: {  	s2 =	sadd.s32 s2, s17  }
0x8e: {  	[smem:$0x3FBF] =	sst s2  }
0x8f: {  	_ = 	snop  }
0x90: {  	s2 =	sld [smem:$0x3FD0];
	(tm) =	ssettm $0x1  }
0x91: {  	s18 =	sld [smem:$0x3FFB];
	_ =	sdelay $0x3  }
0x92: {  	_ =	strace s18  }
0x93: {  	s3 =	sld [smem:$0x3FFC];
	_ =	sdelay $0x3  }
0x94: {  	_ =	strace s3  }
0x95: {  	s3 =	sld [smem:$0x3FFD];
	_ =	sdelay $0x3  }
0x96: {  	_ =	strace s3  }
0x97: {  	_ =	strace $0x8FFFFFFF  }
0x98: {  	s19 =	sld [smem:$0x3FDB];
	_ =	sdelay $0x1  }
0x99: {  	s4 =	simm.s32 $_scs_section_size  }
0x9a: {  	s5 =	simm.s32 $_size__tile_overlayer_lowered;
	s6 =	simm.s32 $_tile_overlayer_lowered  }
0x9b: {  	s22 =	simm.s32 $0x1BFF;
	s21 =	sshll.u32 s6, $0x1;
	s3 =	sadd.s32 s4, s19  }
0x9c: {  	s7 =	simm.s32 $0x0;
	s20 =	sshll.u32 s5, $0x1;
	s5 =	sadd.s32 s21, s3  }
0x9d: {  	[timem:s7], [sflag:s22] =	dma.local [hbm:s5], s20  }
0x9e: {  	_ =	swait.ge [sflag:s22], s20  }
0x9f: {  	s4 =	ssub.s32 $0x0, s20;
	[sflag:s22] =	ssyncset.done $0x0  }
0xa0: {  	[sflag:s22] =	ssyncadd.s32 s4;
	_ =	sdelay $0x1  }
0xa1: {  	s23 =	simm.s32 $0x1B8B  }
0xa2: {  	_ =	swait.ge [sflag:s23], $0x1  }
0xa3: {  	[sflag:s23] =	ssyncset.done $0x0  }
0xa4: {  	s25 =	simm.s32 $0x1B8E;
	s24 =	sld [smem:$0x3FFE];
	[sflag:s23] =	ssyncadd.s32 $0xFFFFFFFF  }
0xa5: {  	s26 =	simm.s32 $execute0_lowered;
	[smem:$0x3FD2] =	sst s25  }
0xa6: {  	s5 =	sshll.u32 s26, $0x1;
	_ =	strace $0x80000046;
	[dreg:$0x1] =	wrdreg $0xFFFFFFFF  }
0xa7: {  	s28 =	simm.s32 $_size_execute0_lowered;
	s3 =	sadd.s32 s3, s5;
	[dreg:$0x0] =	wrdreg $0x0  }
0xa8: {  	s5 =	sshll.u32 s28, $0x1;
	[dreg:$0x2] =	wrdreg s3  }
0xa9: {  	[dreg:$0x3] =	wrdreg s5  }
0xaa: {  	[dreg:$0x4] =	wrdreg $0xC0  }
0xab: {  	_ =	task [dreg:s7], $0x5FFFF  }
0xac: {  	[dreg:$0x1] =	wrdreg $0xFFFFFFFF  }
0xad: {  	[dreg:$0x0] =	wrdreg $0x60  }
0xae: {  	[dreg:$0x2] =	wrdreg s24  }
0xaf: {  	[dreg:$0x3] =	wrdreg s2  }
0xb0: {  	[dreg:$0x4] =	wrdreg $0x171000  }
0xb1: {  	[dreg:$0x5] =	wrdreg $0x1C1000  }
0xb2: {  	[dreg:$0x6] =	wrdreg $0x9  }
0xb3: {  	_ =	task.clear_ibuf [dreg:s7], $0x7FFFF;
	_ =	strace $0x90000046  }
0xb4: {  	s29 =	simm.s32 $0x9;
	_ =	strace $0x80000048  }
0xb5: {  	_ =	swait.ge [sflag:s29], $0x1  }
0xb6: {  	[sflag:s29] =	ssyncadd.s32 $0xFFFFFFFF  }
0xb7: {  	_ =	strace $0x90000048  }
0xb8: {  	_ =	sfence  }
0xb9: {  	s30 =	sld [smem:$0x0];
	_ =	sdelay $0x2  }
0xba: {  	s31 =	sshll.u32 s1, $0xD;
	s1 =	sshrl.u32 s1, $0x2  }
0xbb: {  	s3 =	sand.u32 $0x4000, s31;
	s1 =	sadd.s32 s1, s30  }
0xbc: {  	s0 =	sor.u32 s3, s0;
	s1 =	sshll.u32 s1, $0x11  }
0xbd: {  	s0 =	sor.u32 s1, s0  }
0xbe: {  	s0 =	sadd.s32 $0x8F2B, s0  }
0xbf: {  	[sflag:s0] =	ssyncadd.remote.s32 $0x1  }
0xc0: {  	_ =	sfence.sel $0xFFFF  }
0xc1: {  	[dreg:$0x0] =	wrdreg $0xFFFFFFFF;
	(pc) =	sbr.abs _section_cstart, $3  }
0xc2: {  	[dreg:$0x1] =	wrdreg $0xFFFFFFFF  }
0xc3: {  	_ =	task.clear_ibuf [dreg:s7], $0x2FFFF;
	_ =	strace $0x9FFFFFFF  }
0xc4: {  	(tm) =	ssettm $0x7FFFFFFF  }
0xc5: {  	_ =	shalt  }
tec
execute0_lowered:
.L_overlay_start_1:
0x0: {  	(tag) =	ssettag $0x1  }
0x1: {  	s0 =	rddreg [dreg:$0x0]  }
0x2: {  	s3 =	rddreg [dreg:$0x1]  }
0x3: {  	s1 =	rddreg [dreg:$0x2]  }
0x4: {  	s2 =	rddreg [dreg:$0x3]  }
0x5: {  	s4 =	simm.s32 $0x0;
	s15 =	stileid.u32;
	s12 =	srdreg.scid  }
0x6: {  	s28 =	simm.s32 $0x3;
	s29 =	simm.s32 $0xEE00;
	s30 =	simm.s32 $0x2800  }
0x7: {  	s31 =	simm.s32 $0x5000;
	[smem:$0x7FF] =	sst s4;
	s5 =	sadd.s32 $0xA00, s0  }
0x8: {  	s6 =	sadd.s32 $0x1E400, s0;
	s7 =	sadd.s32 $0x14600, s0;
	s9 =	smul.u32 $0x9E0, s15  }
0x9: {  	s8 =	sadd.s32 $0xA800, s0;
	s10 =	sadd.s32 $0x28800, s0;
	s22 =	sadd.s32 $0x28200, s0  }
0xa: {  	s11 =	smul.u32 $0x280, s15;
	s16 =	sadd.s32 $0x3CA00, s0;
	s17 =	sand.u32 $0x1, s12  }
0xb: {  	s24 =	smul.u32 $0x14000, s15;
	_ =	strace $0x80000047;
	[dreg:$0x5] =	wrdreg s10  }
0xc: {  	s18 =	smul.u32 $0x5000, s15;
	[dreg:$0x6] =	wrdreg s22;
	s14 =	ssub.s32 $0x2, s17  }
0xd: {  	p0 =	seq.s32 s17, $0x1;
	[dreg:$0x7] =	wrdreg s16;
	s23 =	sadd.s32 s9, s0  }
0xe: {  	s13 =	sshrl.u32 s11, $0x3;
	s25 =	sshrl.u32 s14, $0x1;
	s26 =	sshrl.u32 s24, $0x2  }
0xf: {  	s12 =	sadd.s32 s18, s1;
	s11 =	sadd.s32 s11, s2;
	s3 =	sadd.s32 s3, s9  }
0x10: {  	s22 =	sshrl.u32 s18, $0x3;
	s0 =	sadd.s32 s13, s0;
	[dreg:$0x8] =	wrdreg s11  }
0x11: {  	s19 =	ssub.s32 s14, s25;
	s20 =	sadd.s32 $0x32C00, s23;
	[dreg:$0xa] =	wrdreg s3  }
0x12: {  	s15 =	sadd.s32 s26, s1;
	s21 =	sadd.s32 $0x28E00, s23;
	[dreg:$0x9] =	wrdreg s20  }
0x13: {  	s3 =	sadd.s32 s16, s22;
	s23 =	sadd.s32 $0x50000, s18;
	[dreg:$0xb] =	wrdreg s21  }
0x14: {  	s25 =	sadd.s32 $0xF0000, s18;
	s22 =	simm.s32 $0x14D00;
	[dreg:$0xe] =	wrdreg s23  }
0x15: {  	s13 =	sadd.s32 $0x1400, s15;
	s14 =	sadd.s32 $0x2800, s15;
	[dreg:$0xc] =	wrdreg s3  }
.Ltmp0:
0x16: {  	s0 =	sadd.s32 $0x64A00, s0;
	[dreg:$0x10] =	wrdreg s25;
	(pc) =	sbr.rel .LBB2_1-.Ltmp0, $4  }
0x17: {  	s15 =	sadd.s32 $0x3C00, s15;
	s24 =	sadd.s32 $0x14000, s3;
	[dreg:$0xd] =	wrdreg s0  }
0x18: {  	s26 =	smax.u32 s19, $0x1;
	s21 =	simm.s32 $0x13D00;
	[dreg:$0xf] =	wrdreg s24  }
0x19: {  	s23 =	simm.s32 $0x1;
	s20 =	simm.s32 $0x0;
	[dreg:$0x11] =	wrdreg s26  }
0x1a: {  	v0 =	vimm.f32 $0.0e+00;
	s26 =	simm.s32 $0x15D00;
	s0 =	simm.s32 $0x80;
	s24 =	simm.s32 $0x2  }
.LBB2_32:
0x1b: {  	s9 =	sshrl.u32 s9, $0x3;
	s10 =	rddreg [dreg:$0x7]  }
0x1c: {  	[bflag:$0x0] =	sbarrier.arrive $0xFFFF;
	s19 =	sshrl.u32 s12, $0x3;
	s9 =	sadd.s32 s10, s9  }
0x1d: {  	[hbm:s9], [sflag:s3] =	dma.local [spmem:s19], $0xA00  }
0x1e: {  	_ =	swait.ge [sflag:s28], $0xA00  }
0x1f: {  	s20 =	sadd.s32 $0x1, s20;
	s25 =	rddreg [dreg:$0x11]  }
0x20: {  	p1 =	sne.s32 s20, s25  }
.Ltmp1:
0x21: {  	_ = 	snop;
	(pc) =	sbr.rel @!p1 .LBB2_33-.Ltmp1, $3  }
0x22: {  	_ =	sdelay $0x1  }
0x23: {  	[sflag:s28] =	ssyncset.done $0x0  }
0x24: {  	[sflag:s28] =	ssyncadd.s32 $0xFFFFF600  }
.LBB2_1:
0x25: {  	s3 =	simm.s32 $0x80;
	s9 =	simm.s32 $0x0  }
.LBB2_2:
0x26: {  	p1 =	sne.s32 s3, $0x4F80;
	[tilespmem:s9+$0x15D00] =	vst v0;
	s10 =	smov.u32 s3;
	s3 =	sadd.s32 $0x80, s3  }
.Ltmp2:
0x27: {  	[tilespmem:s9+$0x15D10] =	vst v0;
	(pc) =	sbr.rel @p1 .LBB2_2-.Ltmp2, $2  }
0x28: {  	_ =	sdelay $0x2  }
0x29: {  	s9 =	sshra.s32 s10, $0x2  }
0x2a: {  	[tilespmem:s9+$0x15D00] =	vst v0  }
0x2b: {  	[tilespmem:s9+$0x15D10] =	vst v0  }
0x2c: {  	[tilespmem:$0xEE00] =	vst v0  }
0x2d: {  	[tilespmem:$0xEE10] =	vst v0  }
0x2e: {  	[tilespmem:$0xEE20] =	vst v0  }
0x2f: {  	[tilespmem:$0xEE30] =	vst v0  }
0x30: {  	[tilespmem:$0xEE40] =	vst v0  }
0x31: {  	[tilespmem:$0xEE50] =	vst v0  }
0x32: {  	[tilespmem:$0xEE60] =	vst v0  }
0x33: {  	[tilespmem:$0xEE70] =	vst v0  }
0x34: {  	[tilespmem:$0xEE80] =	vst v0  }
0x35: {  	[tilespmem:$0xEE90] =	vst v0  }
0x36: {  	[tilespmem:$0xEEA0] =	vst v0  }
0x37: {  	[tilespmem:$0xEEB0] =	vst v0  }
0x38: {  	[tilespmem:$0xEEC0] =	vst v0  }
0x39: {  	[tilespmem:$0xEED0] =	vst v0  }
0x3a: {  	[tilespmem:$0xEEE0] =	vst v0  }
0x3b: {  	[tilespmem:$0xEEF0] =	vst v0  }
0x3c: {  	[tilespmem:$0xEF00] =	vst v0  }
0x3d: {  	[tilespmem:$0xEF10] =	vst v0  }
0x3e: {  	[tilespmem:$0xEF20] =	vst v0  }
0x3f: {  	[tilespmem:$0xEF30] =	vst v0  }
0x40: {  	[tilespmem:$0xEF40] =	vst v0  }
0x41: {  	[tilespmem:$0xEF50] =	vst v0  }
0x42: {  	[tilespmem:$0xEF60] =	vst v0  }
0x43: {  	[tilespmem:$0xEF70] =	vst v0  }
0x44: {  	[tilespmem:$0xEF80] =	vst v0  }
0x45: {  	[tilespmem:$0xEF90] =	vst v0  }
0x46: {  	[tilespmem:$0xEFA0] =	vst v0  }
0x47: {  	[tilespmem:$0xEFB0] =	vst v0  }
0x48: {  	[tilespmem:$0xEFC0] =	vst v0  }
0x49: {  	[tilespmem:$0xEFD0] =	vst v0  }
0x4a: {  	[tilespmem:$0xEFE0] =	vst v0  }
0x4b: {  	[tilespmem:$0xEFF0] =	vst v0  }
0x4c: {  	[tilespmem:$0xF000] =	vst v0  }
0x4d: {  	[tilespmem:$0xF010] =	vst v0  }
0x4e: {  	[tilespmem:$0xF020] =	vst v0  }
0x4f: {  	[tilespmem:$0xF030] =	vst v0  }
0x50: {  	[tilespmem:$0xF040] =	vst v0  }
0x51: {  	[tilespmem:$0xF050] =	vst v0  }
0x52: {  	[tilespmem:$0xF060] =	vst v0  }
0x53: {  	[tilespmem:$0xF070] =	vst v0  }
0x54: {  	[spmem:s12] =	stream.linear.scatter [tilespmem:s26], [sflag:$0x3], $0x1400, $0x38;
	[tilespmem:$0x1C380] =	vst v63  }
0x55: {  	_ =	swait.ge [sflag:s28], $0x1400  }
0x56: {  	[sflag:s28] =	ssyncset.done $0x0  }
0x57: {  	[sflag:s28] =	ssyncadd.s32 $0xFFFFEC00  }
0x58: {  	[spmem:s13] =	stream.linear.scatter [tilespmem:s26], [sflag:$0x3], $0x1400, $0x38;
	[tilespmem:$0x1C380] =	vst v63  }
0x59: {  	_ =	swait.ge [sflag:s28], $0x1400  }
0x5a: {  	[sflag:s28] =	ssyncset.done $0x0  }
0x5b: {  	[sflag:s28] =	ssyncadd.s32 $0xFFFFEC00  }
0x5c: {  	[spmem:s14] =	stream.linear.scatter [tilespmem:s26], [sflag:$0x3], $0x1400, $0x38;
	[tilespmem:$0x1C380] =	vst v63  }
0x5d: {  	_ =	swait.ge [sflag:s28], $0x1400  }
0x5e: {  	[sflag:s28] =	ssyncset.done $0x0  }
0x5f: {  	[sflag:s28] =	ssyncadd.s32 $0xFFFFEC00  }
0x60: {  	[spmem:s15] =	stream.linear.scatter [tilespmem:s26], [sflag:$0x3], $0x1400, $0x38;
	[tilespmem:$0x1C380] =	vst v63  }
0x61: {  	_ =	swait.ge [sflag:s28], $0x1400  }
0x62: {  	[sflag:s28] =	ssyncset.done $0x0  }
0x63: {  	s3 =	rddreg [dreg:$0x8];
	[sflag:s28] =	ssyncadd.s32 $0xFFFFEC00  }
0x64: {  	[spmem:s3] =	stream.linear.scatter [tilespmem:s29], [sflag:$0x3], $0x280, $0x38;
	[tilespmem:$0x1C380] =	vst v63  }
0x65: {  	_ =	swait.ge [sflag:s28], $0x280  }
0x66: {  	[sflag:s28] =	ssyncset.done $0x0  }
0x67: {  	s25 =	simm.s32 $0x0;
	s10 =	rddreg [dreg:$0x5];
	[sflag:s28] =	ssyncadd.s32 $0xFFFFFD80  }
0x68: {  	[tilespmem:s25], [sflag:$0x3] =	stream.linear.gather [hbm4b:s10+s25], $0x2710, $0x38;
	[tilespmem:$0x1C380] =	vst v63  }
0x69: {  	_ =	swait.ge [sflag:s28], $0x2710  }
0x6a: {  	[sflag:s28] =	ssyncset.done $0x0  }
0x6b: {  	s11 =	rddreg [dreg:$0x6];
	[sflag:s28] =	ssyncadd.s32 $0xFFFFD8F0  }
0x6c: {  	[tilespmem:s30], [sflag:$0x3] =	stream.linear.gather [hbm4b:s11+s25], $0x2710, $0x38;
	[tilespmem:$0x1C380] =	vst v63  }
0x6d: {  	_ =	swait.ge [sflag:s28], $0x2710  }
0x6e: {  	[sflag:s28] =	ssyncset.done $0x0  }
0x6f: {  	s16 =	rddreg [dreg:$0x9];
	[sflag:s28] =	ssyncadd.s32 $0xFFFFD8F0  }
0x70: {  	[tilespmem:s31], [sflag:$0x3] =	stream.linear.gather [hbm4b:s16+s25], $0x4F00, $0x38;
	[tilespmem:$0x1C380] =	vst v63  }
0x71: {  	_ =	swait.ge [sflag:s28], $0x4F00  }
0x72: {  	[sflag:s28] =	ssyncset.done $0x0  }
0x73: {  	s10 =	simm.s32 $0x9F00;
	s17 =	rddreg [dreg:$0xa];
	[sflag:s28] =	ssyncadd.s32 $0xFFFFB100  }
0x74: {  	[tilespmem:s10], [sflag:$0x3] =	stream.linear.gather [hbm4b:s17+s25], $0x4F00, $0x38;
	[tilespmem:$0x1C380] =	vst v63  }
0x75: {  	_ =	swait.ge [sflag:s28], $0x4F00  }
0x76: {  	[sflag:s28] =	ssyncset.done $0x0  }
0x77: {  	s18 =	rddreg [dreg:$0xb];
	[sflag:s28] =	ssyncadd.s32 $0xFFFFB100  }
0x78: {  	[tilespmem:s29], [sflag:$0x3] =	stream.linear.gather [hbm4b:s18+s25], $0x4F00, $0x38;
	[tilespmem:$0x1C380] =	vst v63  }
0x79: {  	s19 =	simm.s32 $0x0;
	s3 =	sand.u32 $0x1FE00, s25;
	_ =	swait.ge [sflag:s28], $0x4F00  }
0x7a: {  	s9 =	sand.u32 $0x60, s19;
	s25 =	sshrl.u32 s3, $0x2;
	[sflag:s28] =	ssyncset.done $0x0  }
0x7b: {  	s3 =	simm.s32 $0x0;
	s10 =	sadd.s32 $0x9F00, s25;
	[sflag:s28] =	ssyncadd.s32 $0xFFFFB100  }
0x7c: {  	s9 =	sor.u32 s9, s10;
	v1 =	vld [tilespmem:s3+$0x5000]  }
0x7d: {  	v2 =	vld [tilespmem:s9+$0x0];
	_ =	sdelay $0x6  }
0x7e: {  	v1 =	vld.idx.msk [tilespmem:v1+s4+$0x0], $0xffff  }
0x7f: {  	v2 =	vld.idx.msk [tilespmem:v2+s30+$0x0], $0xffff;
	_ =	sdelay $0x1  }
0x80: {  	v3 =	vld [tilespmem:s3+$0xEE00];
	_ =	sdelay $0x2  }
0x81: {  	v1 =	vadd.f32 v2, v1;
	_ =	sdelay $0x1  }
0x82: {  	v1 =	vadd.f32 v3, v1;
	_ =	sdelay $0x1  }
0x83: {  	v2 =	vmul.f32 $2.000000030e-01, v1  }
0x84: {  	vm0 =	vge.f32 v1, $0.0e+00  }
0x85: {  	v1 =	vsel vm0, v1, v2  }
0x86: {  	v1 =	vmul.f32 $1.442695020e+00, v1;
	_ =	sdelay $0x1  }
0x87: {  	(erf) = vpow2.f32 v1;
	_ =	sdelay $0x7  }
0x88: {  	s9 =	simm.s32 $0x10  }
0x89: {  	s11 =	sand.u32 $0x70, s9;
	v2 =	vpop (erf)  }
0x8a: {  	s10 =	sor.u32 s11, s10;
	v1 =	vld [tilespmem:s3+$0x5010];
	[tilespmem:s3+$0xEE00] =	vst v2  }
0x8b: {  	v2 =	vld [tilespmem:s10+$0x0];
	_ =	sdelay $0x6  }
0x8c: {  	v1 =	vld.idx.msk [tilespmem:v1+s4+$0x0], $0xffff  }
0x8d: {  	v2 =	vld.idx.msk [tilespmem:v2+s30+$0x0], $0xffff;
	_ =	sdelay $0x1  }
0x8e: {  	v3 =	vld [tilespmem:s3+$0xEE10];
	_ =	sdelay $0x2  }
0x8f: {  	v1 =	vadd.f32 v2, v1;
	_ =	sdelay $0x1  }
0x90: {  	v1 =	vadd.f32 v3, v1;
	_ =	sdelay $0x1  }
0x91: {  	v2 =	vmul.f32 $2.000000030e-01, v1  }
0x92: {  	vm15 =	vge.f32 v1, $0.0e+00  }
0x93: {  	v1 =	vsel vm15, v1, v2  }
0x94: {  	v1 =	vmul.f32 $1.442695020e+00, v1;
	_ =	sdelay $0x1  }
0x95: {  	(erf) = vpow2.f32 v1;
	_ =	sdelay $0x5  }
0x96: {  	s17 =	simm.s32 $0x80;
	s10 =	simm.s32 $0x0  }
.LBB2_4:
0x97: {  	s11 =	sand.u32 $0x1FE00, s17;
	s10 =	sadd.s32 $0x2, s10;
	s9 =	sadd.s32 $0x20, s9  }
0x98: {  	s18 =	sadd.s32 $0xFFFFFFF0, s9;
	s11 =	sshrl.u32 s11, $0x2;
	p1 =	slt.u32 s10, $0x4EE  }
0x99: {  	s19 =	sshra.s32 s17, $0x2;
	s18 =	sand.u32 $0x60, s18;
	s11 =	sadd.s32 $0x9F00, s11;
	v1 =	vpop (erf)  }
0x9a: {  	v2 =	vld [tilespmem:s19+$0x5000];
	s18 =	sor.u32 s18, s11;
	[tilespmem:s3+$0xEE10] =	vst v1;
	s3 =	smov.u32 s19  }
0x9b: {  	v1 =	vld [tilespmem:s18+$0x0];
	_ =	sdelay $0x6  }
0x9c: {  	v2 =	vld.idx.msk [tilespmem:v2+s4+$0x0], $0xffff  }
0x9d: {  	v1 =	vld.idx.msk [tilespmem:v1+s30+$0x0], $0xffff;
	_ =	sdelay $0x2  }
0x9e: {  	v3 =	vld [tilespmem:s3+$0xEE00];
	_ =	sdelay $0x2  }
0x9f: {  	v1 =	vadd.f32 v1, v2;
	_ =	sdelay $0x1  }
0xa0: {  	v1 =	vadd.f32 v3, v1;
	_ =	sdelay $0x1  }
0xa1: {  	v2 =	vmul.f32 $2.000000030e-01, v1  }
0xa2: {  	vm0 =	vge.f32 v1, $0.0e+00  }
0xa3: {  	v1 =	vsel vm0, v1, v2  }
0xa4: {  	v1 =	vmul.f32 $1.442695020e+00, v1;
	_ =	sdelay $0x1  }
0xa5: {  	(erf) = vpow2.f32 v1;
	_ =	sdelay $0x3  }
0xa6: {  	v1 =	vld [tilespmem:s3+$0x5010];
	_ =	sdelay $0x4  }
0xa7: {  	s18 =	sand.u32 $0x70, s9;
	v2 =	vpop (erf)  }
0xa8: {  	s11 =	sor.u32 s18, s11;
	[tilespmem:s3+$0xEE00] =	vst v2  }
0xa9: {  	v2 =	vld [tilespmem:s11+$0x0]  }
0xaa: {  	v1 =	vld.idx.msk [tilespmem:v1+s4+$0x0], $0xffff;
	_ =	sdelay $0x6  }
0xab: {  	v2 =	vld.idx.msk [tilespmem:v2+s30+$0x0], $0xffff;
	_ =	sdelay $0x2  }
0xac: {  	v3 =	vld [tilespmem:s3+$0xEE10];
	_ =	sdelay $0x2  }
0xad: {  	v1 =	vadd.f32 v2, v1;
	_ =	sdelay $0x1  }
0xae: {  	v1 =	vadd.f32 v3, v1;
	_ =	sdelay $0x1  }
0xaf: {  	v2 =	vmul.f32 $2.000000030e-01, v1  }
0xb0: {  	vm0 =	vge.f32 v1, $0.0e+00  }
0xb1: {  	v1 =	vsel vm0, v1, v2  }
0xb2: {  	v1 =	vmul.f32 $1.442695020e+00, v1;
	_ =	sdelay $0x1  }
0xb3: {  	(erf) = vpow2.f32 v1;
	_ =	sdelay $0x1  }
.Ltmp3:
0xb4: {  	(pc) =	sbr.rel @p1 .LBB2_4-.Ltmp3, $2  }
0xb5: {  	_ =	sdelay $0x2  }
0xb6: {  	s17 =	sadd.s32 $0x80, s17  }
0xb7: {  	_ = 	snop  }
.Ltmp4:
0xb8: {  	_ = 	snop;
	(pc) =	sbr.rel @!p0 .LBB2_6-.Ltmp4, $3  }
0xb9: {  	v1 =	vpop (erf)  }
0xba: {  	[tilespmem:s3+$0xEE10] =	vst v1  }
0xbb: {  	[bflag:$0x0] =	sbarrier.arrive $0xFFFF;
	_ =	sdelay $0x1  }
0xbc: {  	[tilespmem:s21], [sflag:$0x1] =	stream.indirect.gather [hbm4b:s7+s0], $0x20, s31, s0, $0xb8;
	[tilespmem:$0x1C380] =	vst v63  }
0xbd: {  	s3 =	simm.s32 $0x0;
	s9 =	simm.s32 $0x0  }
.LBB2_20:
0xbe: {  	s10 =	sadd.s32 $0xFFFFFFFE, s3  }
0xbf: {  	s11 =	sadd.s32 $0x2, s10  }
0xc0: {  	v1 =	vmov s11  }
0xc1: {  	v1 =	vand.u32 $0xFFFFFFFE, v1  }
0xc2: {  	v1 =	vbroadcast v1, $0x0  }
0xc3: {  	_ =	swait.ge [sflag:s23], $0x1000  }
0xc4: {  	s18 =	sshll.u32 s9, $0x8;
	[sflag:s23] =	ssyncset.done $0x0  }
0xc5: {  	s17 =	simm.s32 $0x13D20;
	s16 =	sadd.s32 $0x5080, s18;
	[sflag:s23] =	ssyncadd.s32 $0xFFFFF000  }
0xc6: {  	[tilespmem:s22], [sflag:$0x2] =	stream.indirect.gather [hbm4b:s7+s0], $0x20, s16, s0, $0xb8;
	[tilespmem:$0x1C380] =	vst v63  }
0xc7: {  	v2 =	vld [tilespmem:s17+$0xFFFFFFE0]  }
0xc8: {  	v1 =	vld.idx.msk [tilespmem:v1+s29+$0x0], $0xffff  }
0xc9: {  	v3 =	vld [tilespmem:s17+$0xFFFFFFF0];
	_ =	sdelay $0x1  }
0xca: {  	s10 =	sadd.s32 $0x3, s10  }
0xcb: {  	v4 =	vmov s10  }
0xcc: {  	v2 =	vmul.f32 v2, v1  }
0xcd: {  	v1 =	vmul.f32 v3, v1  }
0xce: {  	v5 =	vld [tilespmem:s17+$0x10];
	[tilespmem:s17+$0xFFFFFFE0] =	vst v2  }
0xcf: {  	s19 =	sadd.s32 $0x0, s3;
	[tilespmem:s17+$0xFFFFFFF0] =	vst v1;
	v2 =	vld [tilespmem:s17+$0x0]  }
0xd0: {  	s25 =	sadd.s32 $0x2, s19;
	v4 =	vld.idx.msk [tilespmem:v4+s29+$0x0], $0xffff  }
0xd1: {  	v1 =	vmov s25  }
0xd2: {  	v1 =	vand.u32 $0xFFFFFFFE, v1  }
0xd3: {  	v1 =	vbroadcast v1, $0x0  }
0xd4: {  	s10 =	sor.u32 $0x80, s18  }
0xd5: {  	s18 =	simm.s32 $0x2;
	s11 =	sadd.s32 $0x3, s19;
	s19 =	simm.s32 $0x13D20;
	v3 =	vmul.f32 v2, v4;
	v2 =	vmul.f32 v5, v4  }
.LBB2_21:
0xd6: {  	s17 =	sadd.s32 $0x40, s17;
	s16 =	smov.u32 s18;
	s18 =	sadd.s32 $0x2, s18  }
0xd7: {  	p1 =	slt.u32 s18, $0x7E;
	[tilespmem:s19+$0x0] =	vst v3  }
0xd8: {  	v3 =	vld [tilespmem:s17+$0xFFFFFFF0];
	[tilespmem:s19+$0x10] =	vst v2;
	s19 =	smov.u32 s17  }
0xd9: {  	v1 =	vld.idx.msk [tilespmem:v1+s29+$0x0], $0xffff  }
0xda: {  	v2 =	vld [tilespmem:s17+$0xFFFFFFE0];
	_ =	sdelay $0x2  }
0xdb: {  	v4 =	vmov s11;
	_ =	sdelay $0x1  }
0xdc: {  	v2 =	vmul.f32 v2, v1;
	v1 =	vmul.f32 v3, v1;
	_ =	sdelay $0x1  }
0xdd: {  	[tilespmem:s17+$0xFFFFFFE0] =	vst v2  }
0xde: {  	[tilespmem:s17+$0xFFFFFFF0] =	vst v1;
	v2 =	vld [tilespmem:s17+$0x0]  }
0xdf: {  	s11 =	sadd.s32 s16, s3;
	v4 =	vld.idx.msk [tilespmem:v4+s29+$0x0], $0xffff  }
0xe0: {  	s16 =	sadd.s32 $0x2, s11;
	s11 =	sadd.s32 $0x3, s11;
	v5 =	vld [tilespmem:s17+$0x10]  }
.Ltmp5:
0xe1: {  	v1 =	vmov s16;
	(pc) =	sbr.rel @p1 .LBB2_21-.Ltmp5, $3  }
0xe2: {  	v1 =	vand.u32 $0xFFFFFFFE, v1  }
0xe3: {  	v1 =	vbroadcast v1, $0x0;
	_ =	sdelay $0x1  }
0xe4: {  	v3 =	vmul.f32 v2, v4;
	v2 =	vmul.f32 v5, v4  }
0xe5: {  	_ =	sdelay $0x1  }
0xe6: {  	s16 =	sadd.s32 $0x40, s17;
	[tilespmem:s19+$0x0] =	vst v3  }
0xe7: {  	v3 =	vld [tilespmem:s16+$0xFFFFFFF0];
	[tilespmem:s19+$0x10] =	vst v2  }
0xe8: {  	v1 =	vld.idx.msk [tilespmem:v1+s29+$0x0], $0xffff  }
0xe9: {  	v2 =	vld [tilespmem:s16+$0xFFFFFFE0];
	_ =	sdelay $0x3  }
0xea: {  	v4 =	vmov s11  }
0xeb: {  	v2 =	vmul.f32 v2, v1  }
0xec: {  	v1 =	vmul.f32 v3, v1  }
0xed: {  	[tilespmem:s16+$0xFFFFFFE0] =	vst v2  }
0xee: {  	[tilespmem:s16+$0xFFFFFFF0] =	vst v1;
	v1 =	vld [tilespmem:s16+$0x0]  }
0xef: {  	v2 =	vld.idx.msk [tilespmem:v4+s29+$0x0], $0xffff  }
0xf0: {  	v3 =	vld [tilespmem:s16+$0x10];
	_ =	sdelay $0x3  }
0xf1: {  	v1 =	vmul.f32 v1, v2  }
0xf2: {  	s11 =	sshll.u32 s9, $0xA;
	v2 =	vmul.f32 v3, v2  }
0xf3: {  	s25 =	sshrl.u32 s11, $0x2;
	s19 =	sadd.s32 $0xFFFFFFFE, s3;
	[tilespmem:s16+$0x0] =	vst v1  }
0xf4: {  	s18 =	sadd.s32 $0x9F00, s25;
	s25 =	sadd.s32 $0x82, s19;
	[tilespmem:s16+$0x10] =	vst v2  }
0xf5: {  	v1 =	vmov s25;
	[spmem:s1] =	stream.indirect.scatter.add.f32 [tilespmem:s21], [sflag:$0x3], $0x20, s18, s0, $0xb8;
	[tilespmem:$0x1C380] =	vst v63  }
0xf6: {  	v1 =	vand.u32 $0xFFFFFFFE, v1;
	_ =	swait.ge [sflag:s28], $0x1000  }
0xf7: {  	v1 =	vbroadcast v1, $0x0;
	[sflag:s28] =	ssyncset.done $0x0  }
0xf8: {  	[sflag:s28] =	ssyncadd.s32 $0xFFFFF000  }
0xf9: {  	p1 =	seq.s32 s9, $0x4E;
	_ =	swait.ge [sflag:s24], $0x1000  }
0xfa: {  	s11 =	sshrl.u32 @!p1 s11, $0x2;
	s17 =	simm.s32 @!p1 $0x80;
	[sflag:s24] =	ssyncset.done $0x0  }
0xfb: {  	s11 =	sadd.s32 @!p1 $0x5100, s11;
	s18 =	simm.s32 @!p1 $0x13D00;
	[sflag:s24] =	ssyncadd.s32 $0xFFFFF000  }
0xfc: {  	[tilespmem:s18], [sflag:$0x1] =	stream.indirect.gather @!p1 [hbm4b:s7+s17], $0x20, s11, s17, $0xb8;
	[tilespmem:$0x1C380] =	vst v63  }
0xfd: {  	s17 =	simm.s32 $0x14D20;
	v1 =	vld.idx.msk [tilespmem:v1+s29+$0x0], $0xffff  }
0xfe: {  	v2 =	vld [tilespmem:s17+$0xFFFFFFE0]  }
0xff: {  	v3 =	vld [tilespmem:s17+$0xFFFFFFF0];
	_ =	sdelay $0x1  }
0x100: {  	s18 =	sadd.s32 $0x83, s19  }
0x101: {  	v4 =	vmov s18  }
0x102: {  	v2 =	vmul.f32 v2, v1  }
0x103: {  	v1 =	vmul.f32 v3, v1  }
0x104: {  	v5 =	vld [tilespmem:s17+$0x10];
	[tilespmem:s17+$0xFFFFFFE0] =	vst v2  }
0x105: {  	s19 =	sadd.s32 $0x0, s3;
	[tilespmem:s17+$0xFFFFFFF0] =	vst v1;
	v2 =	vld [tilespmem:s17+$0x0]  }
0x106: {  	s25 =	sadd.s32 $0x82, s19;
	v4 =	vld.idx.msk [tilespmem:v4+s29+$0x0], $0xffff  }
0x107: {  	v1 =	vmov s25  }
0x108: {  	v1 =	vand.u32 $0xFFFFFFFE, v1  }
0x109: {  	v1 =	vbroadcast v1, $0x0;
	_ =	sdelay $0x1  }
0x10a: {  	s18 =	simm.s32 $0x2;
	s11 =	sadd.s32 $0x83, s19;
	s19 =	simm.s32 $0x14D20;
	v3 =	vmul.f32 v2, v4;
	v2 =	vmul.f32 v5, v4  }
.LBB2_23:
0x10b: {  	s17 =	sadd.s32 $0x40, s17;
	s16 =	smov.u32 s18;
	s18 =	sadd.s32 $0x2, s18  }
0x10c: {  	p1 =	slt.u32 s18, $0x7E;
	[tilespmem:s19+$0x0] =	vst v3  }
0x10d: {  	v3 =	vld [tilespmem:s17+$0xFFFFFFF0];
	[tilespmem:s19+$0x10] =	vst v2;
	s19 =	smov.u32 s17  }
0x10e: {  	v1 =	vld.idx.msk [tilespmem:v1+s29+$0x0], $0xffff  }
0x10f: {  	v2 =	vld [tilespmem:s17+$0xFFFFFFE0];
	_ =	sdelay $0x2  }
0x110: {  	v4 =	vmov s11;
	_ =	sdelay $0x1  }
0x111: {  	v2 =	vmul.f32 v2, v1;
	v1 =	vmul.f32 v3, v1;
	_ =	sdelay $0x1  }
0x112: {  	[tilespmem:s17+$0xFFFFFFE0] =	vst v2  }
0x113: {  	[tilespmem:s17+$0xFFFFFFF0] =	vst v1;
	v2 =	vld [tilespmem:s17+$0x0]  }
0x114: {  	s11 =	sadd.s32 s16, s3;
	v4 =	vld.idx.msk [tilespmem:v4+s29+$0x0], $0xffff  }
0x115: {  	s16 =	sadd.s32 $0x82, s11;
	s11 =	sadd.s32 $0x83, s11;
	v5 =	vld [tilespmem:s17+$0x10]  }
.Ltmp6:
0x116: {  	v1 =	vmov s16;
	(pc) =	sbr.rel @p1 .LBB2_23-.Ltmp6, $3  }
0x117: {  	v1 =	vand.u32 $0xFFFFFFFE, v1  }
0x118: {  	v1 =	vbroadcast v1, $0x0;
	_ =	sdelay $0x1  }
0x119: {  	v3 =	vmul.f32 v2, v4;
	v2 =	vmul.f32 v5, v4  }
0x11a: {  	_ =	sdelay $0x1  }
0x11b: {  	s16 =	sadd.s32 $0x40, s17;
	[tilespmem:s19+$0x0] =	vst v3  }
0x11c: {  	v3 =	vld [tilespmem:s16+$0xFFFFFFF0];
	[tilespmem:s19+$0x10] =	vst v2  }
0x11d: {  	v1 =	vld.idx.msk [tilespmem:v1+s29+$0x0], $0xffff  }
0x11e: {  	v2 =	vld [tilespmem:s16+$0xFFFFFFE0];
	_ =	sdelay $0x3  }
0x11f: {  	v4 =	vmov s11  }
0x120: {  	v2 =	vmul.f32 v2, v1  }
0x121: {  	v1 =	vmul.f32 v3, v1  }
0x122: {  	[tilespmem:s16+$0xFFFFFFE0] =	vst v2  }
0x123: {  	[tilespmem:s16+$0xFFFFFFF0] =	vst v1;
	v1 =	vld [tilespmem:s16+$0x0]  }
0x124: {  	v2 =	vld.idx.msk [tilespmem:v4+s29+$0x0], $0xffff  }
0x125: {  	v3 =	vld [tilespmem:s16+$0x10];
	_ =	sdelay $0x3  }
0x126: {  	v1 =	vmul.f32 v1, v2  }
0x127: {  	s9 =	sadd.s32 $0x1, s9;
	v2 =	vmul.f32 v3, v2  }
0x128: {  	p1 =	sne.s32 s9, $0x4F;
	[tilespmem:s16+$0x0] =	vst v1  }
.Ltmp7:
0x129: {  	s10 =	sadd.s32 $0x9F00, s10;
	[tilespmem:s16+$0x10] =	vst v2;
	(pc) =	sbr.rel @p1 .LBB2_20-.Ltmp7, $4  }
0x12a: {  	[spmem:s1] =	stream.indirect.scatter.add.f32 [tilespmem:s22], [sflag:$0x3], $0x20, s10, s0, $0xb8;
	[tilespmem:$0x1C380] =	vst v63  }
0x12b: {  	_ =	swait.ge [sflag:s28], $0x1000  }
0x12c: {  	[sflag:s28] =	ssyncset.done $0x0  }
0x12d: {  	s3 =	sadd.s32 $0x100, s3;
	[sflag:s28] =	ssyncadd.s32 $0xFFFFF000  }
0x12e: {  	s3 =	stileid.u32  }
0x12f: {  	[bflag:$0x0] =	sbarrier.arrive $0xFFFF;
	s3 =	sshll.u32 s3, $0x6  }
0x130: {  	s9 =	sshrl.u32 s12, $0x3;
	s10 =	rddreg [dreg:$0xf];
	s3 =	sor.u32 $0x1C03, s3  }
0x131: {  	[hbm:s10], [sflag:s3] =	dma.local [spmem:s9], $0xA00  }
0x132: {  	_ =	swait.ge [sflag:s28], $0xA00  }
0x133: {  	[sflag:s28] =	ssyncset.done $0x0  }
0x134: {  	[sflag:s28] =	ssyncadd.s32 $0xFFFFF600  }
0x135: {  	[spmem:s12] =	stream.linear.scatter [tilespmem:s26], [sflag:$0x3], $0x1400, $0x38;
	[tilespmem:$0x1C380] =	vst v63  }
0x136: {  	_ =	swait.ge [sflag:s28], $0x1400  }
0x137: {  	[sflag:s28] =	ssyncset.done $0x0  }
0x138: {  	[sflag:s28] =	ssyncadd.s32 $0xFFFFEC00  }
0x139: {  	[spmem:s13] =	stream.linear.scatter [tilespmem:s26], [sflag:$0x3], $0x1400, $0x38;
	[tilespmem:$0x1C380] =	vst v63  }
0x13a: {  	_ =	swait.ge [sflag:s28], $0x1400  }
0x13b: {  	[sflag:s28] =	ssyncset.done $0x0  }
0x13c: {  	[sflag:s28] =	ssyncadd.s32 $0xFFFFEC00  }
0x13d: {  	[spmem:s14] =	stream.linear.scatter [tilespmem:s26], [sflag:$0x3], $0x1400, $0x38;
	[tilespmem:$0x1C380] =	vst v63  }
0x13e: {  	_ =	swait.ge [sflag:s28], $0x1400  }
0x13f: {  	[sflag:s28] =	ssyncset.done $0x0  }
0x140: {  	[sflag:s28] =	ssyncadd.s32 $0xFFFFEC00  }
0x141: {  	[spmem:s15] =	stream.linear.scatter [tilespmem:s26], [sflag:$0x3], $0x1400, $0x38;
	[tilespmem:$0x1C380] =	vst v63  }
0x142: {  	_ =	swait.ge [sflag:s28], $0x1400  }
0x143: {  	[sflag:s28] =	ssyncset.done $0x0  }
0x144: {  	[sflag:s28] =	ssyncadd.s32 $0xFFFFEC00  }
0x145: {  	s9 =	simm.s32 $0x0;
	s10 =	simm.s32 $0x0;
	[bflag:$0x0] =	sbarrier.arrive $0xFFFF  }
0x146: {  	[tilespmem:s21], [sflag:$0x1] =	stream.indirect.gather [hbm4b:s8+s0], $0x20, s31, s0, $0xb8;
	[tilespmem:$0x1C380] =	vst v63  }
.LBB2_26:
0x147: {  	s11 =	sadd.s32 $0xFFFFFFFE, s9  }
0x148: {  	s16 =	sadd.s32 $0x2, s11  }
0x149: {  	v1 =	vmov s16  }
0x14a: {  	v1 =	vand.u32 $0xFFFFFFFE, v1  }
0x14b: {  	v1 =	vbroadcast v1, $0x0  }
0x14c: {  	_ =	swait.ge [sflag:s23], $0x1000  }
0x14d: {  	s19 =	sshll.u32 s10, $0x8;
	[sflag:s23] =	ssyncset.done $0x0  }
0x14e: {  	s18 =	simm.s32 $0x13D20;
	s17 =	sadd.s32 $0x5080, s19;
	[sflag:s23] =	ssyncadd.s32 $0xFFFFF000  }
0x14f: {  	[tilespmem:s22], [sflag:$0x2] =	stream.indirect.gather [hbm4b:s8+s0], $0x20, s17, s0, $0xb8;
	[tilespmem:$0x1C380] =	vst v63  }
0x150: {  	v2 =	vld [tilespmem:s18+$0xFFFFFFE0]  }
0x151: {  	v1 =	vld.idx.msk [tilespmem:v1+s29+$0x0], $0xffff  }
0x152: {  	v3 =	vld [tilespmem:s18+$0xFFFFFFF0];
	_ =	sdelay $0x1  }
0x153: {  	s11 =	sadd.s32 $0x3, s11  }
0x154: {  	v4 =	vmov s11  }
0x155: {  	v2 =	vmul.f32 v2, v1  }
0x156: {  	v1 =	vmul.f32 v3, v1  }
0x157: {  	v5 =	vld [tilespmem:s18+$0x10];
	[tilespmem:s18+$0xFFFFFFE0] =	vst v2  }
0x158: {  	s11 =	sadd.s32 $0x0, s9;
	[tilespmem:s18+$0xFFFFFFF0] =	vst v1;
	v2 =	vld [tilespmem:s18+$0x0]  }
0x159: {  	s25 =	sadd.s32 $0x2, s11;
	v4 =	vld.idx.msk [tilespmem:v4+s29+$0x0], $0xffff  }
0x15a: {  	v1 =	vmov s25  }
0x15b: {  	v1 =	vand.u32 $0xFFFFFFFE, v1  }
0x15c: {  	v1 =	vbroadcast v1, $0x0  }
0x15d: {  	s17 =	sor.u32 $0x80, s19  }
0x15e: {  	s19 =	simm.s32 $0x2;
	s11 =	sadd.s32 $0x3, s11;
	s25 =	simm.s32 $0x13D20;
	v3 =	vmul.f32 v2, v4;
	v2 =	vmul.f32 v5, v4  }
.LBB2_27:
0x15f: {  	s18 =	sadd.s32 $0x40, s18;
	s16 =	smov.u32 s19;
	s19 =	sadd.s32 $0x2, s19  }
0x160: {  	p1 =	slt.u32 s19, $0x7E;
	[tilespmem:s25+$0x0] =	vst v3  }
0x161: {  	v3 =	vld [tilespmem:s18+$0xFFFFFFF0];
	[tilespmem:s25+$0x10] =	vst v2;
	s25 =	smov.u32 s18  }
0x162: {  	v1 =	vld.idx.msk [tilespmem:v1+s29+$0x0], $0xffff  }
0x163: {  	v2 =	vld [tilespmem:s18+$0xFFFFFFE0];
	_ =	sdelay $0x2  }
0x164: {  	v4 =	vmov s11;
	_ =	sdelay $0x1  }
0x165: {  	v2 =	vmul.f32 v2, v1;
	v1 =	vmul.f32 v3, v1;
	_ =	sdelay $0x1  }
0x166: {  	[tilespmem:s18+$0xFFFFFFE0] =	vst v2  }
0x167: {  	[tilespmem:s18+$0xFFFFFFF0] =	vst v1;
	v2 =	vld [tilespmem:s18+$0x0]  }
0x168: {  	s11 =	sadd.s32 s16, s9;
	v4 =	vld.idx.msk [tilespmem:v4+s29+$0x0], $0xffff  }
0x169: {  	s16 =	sadd.s32 $0x2, s11;
	s11 =	sadd.s32 $0x3, s11;
	v5 =	vld [tilespmem:s18+$0x10]  }
.Ltmp8:
0x16a: {  	v1 =	vmov s16;
	(pc) =	sbr.rel @p1 .LBB2_27-.Ltmp8, $3  }
0x16b: {  	v1 =	vand.u32 $0xFFFFFFFE, v1  }
0x16c: {  	v1 =	vbroadcast v1, $0x0;
	_ =	sdelay $0x1  }
0x16d: {  	v3 =	vmul.f32 v2, v4;
	v2 =	vmul.f32 v5, v4  }
0x16e: {  	_ =	sdelay $0x1  }
0x16f: {  	s16 =	sadd.s32 $0x40, s18;
	[tilespmem:s25+$0x0] =	vst v3  }
0x170: {  	v3 =	vld [tilespmem:s16+$0xFFFFFFF0];
	[tilespmem:s25+$0x10] =	vst v2  }
0x171: {  	v1 =	vld.idx.msk [tilespmem:v1+s29+$0x0], $0xffff  }
0x172: {  	v2 =	vld [tilespmem:s16+$0xFFFFFFE0];
	_ =	sdelay $0x3  }
0x173: {  	v4 =	vmov s11  }
0x174: {  	v2 =	vmul.f32 v2, v1  }
0x175: {  	v1 =	vmul.f32 v3, v1  }
0x176: {  	[tilespmem:s16+$0xFFFFFFE0] =	vst v2  }
0x177: {  	[tilespmem:s16+$0xFFFFFFF0] =	vst v1;
	v1 =	vld [tilespmem:s16+$0x0]  }
0x178: {  	v2 =	vld.idx.msk [tilespmem:v4+s29+$0x0], $0xffff  }
0x179: {  	v3 =	vld [tilespmem:s16+$0x10];
	_ =	sdelay $0x3  }
0x17a: {  	v1 =	vmul.f32 v1, v2  }
0x17b: {  	s11 =	sshll.u32 s10, $0xA;
	v2 =	vmul.f32 v3, v2  }
0x17c: {  	s25 =	sshrl.u32 s11, $0x2;
	[tilespmem:s16+$0x0] =	vst v1  }
0x17d: {  	s19 =	sadd.s32 $0x9F00, s25;
	[tilespmem:s16+$0x10] =	vst v2;
	s16 =	sadd.s32 $0xFFFFFFFE, s9  }
0x17e: {  	[spmem:s1] =	stream.indirect.scatter.add.f32 [tilespmem:s21], [sflag:$0x3], $0x20, s19, s0, $0xb8;
	[tilespmem:$0x1C380] =	vst v63  }
0x17f: {  	s25 =	sadd.s32 $0x82, s16;
	_ =	swait.ge [sflag:s28], $0x1000  }
0x180: {  	v1 =	vmov s25;
	[sflag:s28] =	ssyncset.done $0x0  }
0x181: {  	v1 =	vand.u32 $0xFFFFFFFE, v1;
	[sflag:s28] =	ssyncadd.s32 $0xFFFFF000  }
0x182: {  	p1 =	seq.s32 s10, $0x4E;
	v1 =	vbroadcast v1, $0x0;
	_ =	swait.ge [sflag:s24], $0x1000  }
0x183: {  	s18 =	simm.s32 @!p1 $0x80;
	s11 =	sshrl.u32 @!p1 s11, $0x2;
	[sflag:s24] =	ssyncset.done $0x0  }
0x184: {  	s11 =	sadd.s32 @!p1 $0x5100, s11;
	s19 =	simm.s32 @!p1 $0x13D00;
	[sflag:s24] =	ssyncadd.s32 $0xFFFFF000  }
0x185: {  	[tilespmem:s19], [sflag:$0x1] =	stream.indirect.gather @!p1 [hbm4b:s8+s18], $0x20, s11, s18, $0xb8;
	[tilespmem:$0x1C380] =	vst v63  }
0x186: {  	s18 =	simm.s32 $0x14D20  }
0x187: {  	v2 =	vld [tilespmem:s18+$0xFFFFFFE0]  }
0x188: {  	v1 =	vld.idx.msk [tilespmem:v1+s29+$0x0], $0xffff  }
0x189: {  	v3 =	vld [tilespmem:s18+$0xFFFFFFF0];
	_ =	sdelay $0x1  }
0x18a: {  	s19 =	sadd.s32 $0x83, s16  }
0x18b: {  	v4 =	vmov s19  }
0x18c: {  	v2 =	vmul.f32 v2, v1  }
0x18d: {  	v1 =	vmul.f32 v3, v1  }
0x18e: {  	v5 =	vld [tilespmem:s18+$0x10];
	[tilespmem:s18+$0xFFFFFFE0] =	vst v2  }
0x18f: {  	s11 =	sadd.s32 $0x0, s9;
	[tilespmem:s18+$0xFFFFFFF0] =	vst v1;
	v2 =	vld [tilespmem:s18+$0x0]  }
0x190: {  	s25 =	sadd.s32 $0x82, s11;
	v4 =	vld.idx.msk [tilespmem:v4+s29+$0x0], $0xffff  }
0x191: {  	v1 =	vmov s25  }
0x192: {  	v1 =	vand.u32 $0xFFFFFFFE, v1  }
0x193: {  	v1 =	vbroadcast v1, $0x0;
	_ =	sdelay $0x1  }
0x194: {  	s19 =	simm.s32 $0x2;
	s11 =	sadd.s32 $0x83, s11;
	s25 =	simm.s32 $0x14D20;
	v3 =	vmul.f32 v2, v4;
	v2 =	vmul.f32 v5, v4  }
.LBB2_29:
0x195: {  	s18 =	sadd.s32 $0x40, s18;
	s16 =	smov.u32 s19;
	s19 =	sadd.s32 $0x2, s19  }
0x196: {  	p1 =	slt.u32 s19, $0x7E;
	[tilespmem:s25+$0x0] =	vst v3  }
0x197: {  	v3 =	vld [tilespmem:s18+$0xFFFFFFF0];
	[tilespmem:s25+$0x10] =	vst v2;
	s25 =	smov.u32 s18  }
0x198: {  	v1 =	vld.idx.msk [tilespmem:v1+s29+$0x0], $0xffff  }
0x199: {  	v2 =	vld [tilespmem:s18+$0xFFFFFFE0];
	_ =	sdelay $0x2  }
0x19a: {  	v4 =	vmov s11;
	_ =	sdelay $0x1  }
0x19b: {  	v2 =	vmul.f32 v2, v1;
	v1 =	vmul.f32 v3, v1;
	_ =	sdelay $0x1  }
0x19c: {  	[tilespmem:s18+$0xFFFFFFE0] =	vst v2  }
0x19d: {  	[tilespmem:s18+$0xFFFFFFF0] =	vst v1;
	v2 =	vld [tilespmem:s18+$0x0]  }
0x19e: {  	s11 =	sadd.s32 s16, s9;
	v4 =	vld.idx.msk [tilespmem:v4+s29+$0x0], $0xffff  }
0x19f: {  	s16 =	sadd.s32 $0x82, s11;
	s11 =	sadd.s32 $0x83, s11;
	v5 =	vld [tilespmem:s18+$0x10]  }
.Ltmp9:
0x1a0: {  	v1 =	vmov s16;
	(pc) =	sbr.rel @p1 .LBB2_29-.Ltmp9, $3  }
0x1a1: {  	v1 =	vand.u32 $0xFFFFFFFE, v1  }
0x1a2: {  	v1 =	vbroadcast v1, $0x0;
	_ =	sdelay $0x1  }
0x1a3: {  	v3 =	vmul.f32 v2, v4;
	v2 =	vmul.f32 v5, v4  }
0x1a4: {  	_ =	sdelay $0x1  }
0x1a5: {  	s16 =	sadd.s32 $0x40, s18;
	[tilespmem:s25+$0x0] =	vst v3  }
0x1a6: {  	v3 =	vld [tilespmem:s16+$0xFFFFFFF0];
	[tilespmem:s25+$0x10] =	vst v2  }
0x1a7: {  	v1 =	vld.idx.msk [tilespmem:v1+s29+$0x0], $0xffff  }
0x1a8: {  	v2 =	vld [tilespmem:s16+$0xFFFFFFE0];
	_ =	sdelay $0x3  }
0x1a9: {  	v4 =	vmov s11  }
0x1aa: {  	v2 =	vmul.f32 v2, v1  }
0x1ab: {  	v1 =	vmul.f32 v3, v1  }
0x1ac: {  	[tilespmem:s16+$0xFFFFFFE0] =	vst v2  }
0x1ad: {  	[tilespmem:s16+$0xFFFFFFF0] =	vst v1;
	v1 =	vld [tilespmem:s16+$0x0]  }
0x1ae: {  	v2 =	vld.idx.msk [tilespmem:v4+s29+$0x0], $0xffff  }
0x1af: {  	v3 =	vld [tilespmem:s16+$0x10];
	_ =	sdelay $0x3  }
0x1b0: {  	v1 =	vmul.f32 v1, v2  }
0x1b1: {  	s10 =	sadd.s32 $0x1, s10;
	v2 =	vmul.f32 v3, v2  }
0x1b2: {  	p1 =	sne.s32 s10, $0x4F;
	[tilespmem:s16+$0x0] =	vst v1  }
.Ltmp10:
0x1b3: {  	s25 =	sadd.s32 $0x9F00, s17;
	[tilespmem:s16+$0x10] =	vst v2;
	(pc) =	sbr.rel @p1 .LBB2_26-.Ltmp10, $4  }
0x1b4: {  	[spmem:s1] =	stream.indirect.scatter.add.f32 [tilespmem:s22], [sflag:$0x3], $0x20, s25, s0, $0xb8;
	[tilespmem:$0x1C380] =	vst v63  }
0x1b5: {  	_ =	swait.ge [sflag:s28], $0x1000  }
0x1b6: {  	[sflag:s28] =	ssyncset.done $0x0  }
0x1b7: {  	s9 =	sadd.s32 $0x100, s9;
	[sflag:s28] =	ssyncadd.s32 $0xFFFFF000  }
.Ltmp11:
0x1b8: {  	(pc) =	sbr.rel .LBB2_32-.Ltmp11, $2  }
0x1b9: {  	_ =	sdelay $0x2  }
0x1ba: {  	s9 =	rddreg [dreg:$0x10]  }
.LBB2_6:
0x1bb: {  	[tilespmem:s21], [sflag:$0x1] =	stream.indirect.gather [hbm4b:s5+s0], $0x20, s31, s0, $0xb8;
	[tilespmem:$0x1C380] =	vst v63  }
0x1bc: {  	s3 =	simm.s32 $0x0;
	s9 =	simm.s32 $0x0  }
.LBB2_7:
0x1bd: {  	s10 =	sadd.s32 $0xFFFFFFFE, s3  }
0x1be: {  	s11 =	sadd.s32 $0x2, s10  }
0x1bf: {  	v1 =	vmov s11  }
0x1c0: {  	v1 =	vand.u32 $0xFFFFFFFE, v1  }
0x1c1: {  	v1 =	vbroadcast v1, $0x0  }
0x1c2: {  	_ =	swait.ge [sflag:s23], $0x1000  }
0x1c3: {  	s17 =	sshll.u32 s9, $0x8;
	[sflag:s23] =	ssyncset.done $0x0  }
0x1c4: {  	s18 =	simm.s32 $0x13D20;
	s25 =	sadd.s32 $0x5080, s17;
	[sflag:s23] =	ssyncadd.s32 $0xFFFFF000  }
0x1c5: {  	[tilespmem:s22], [sflag:$0x2] =	stream.indirect.gather [hbm4b:s5+s0], $0x20, s25, s0, $0xb8;
	[tilespmem:$0x1C380] =	vst v63  }
0x1c6: {  	v2 =	vld [tilespmem:s18+$0xFFFFFFE0]  }
0x1c7: {  	v1 =	vld.idx.msk [tilespmem:v1+s29+$0x0], $0xffff  }
0x1c8: {  	v3 =	vld [tilespmem:s18+$0xFFFFFFF0];
	_ =	sdelay $0x1  }
0x1c9: {  	s10 =	sadd.s32 $0x3, s10  }
0x1ca: {  	v4 =	vmov s10  }
0x1cb: {  	v2 =	vmul.f32 v2, v1  }
0x1cc: {  	v1 =	vmul.f32 v3, v1  }
0x1cd: {  	v5 =	vld [tilespmem:s18+$0x10];
	[tilespmem:s18+$0xFFFFFFE0] =	vst v2  }
0x1ce: {  	s16 =	sadd.s32 $0x0, s3;
	[tilespmem:s18+$0xFFFFFFF0] =	vst v1;
	v2 =	vld [tilespmem:s18+$0x0]  }
0x1cf: {  	s25 =	sadd.s32 $0x2, s16;
	v4 =	vld.idx.msk [tilespmem:v4+s29+$0x0], $0xffff  }
0x1d0: {  	v1 =	vmov s25  }
0x1d1: {  	v1 =	vand.u32 $0xFFFFFFFE, v1  }
0x1d2: {  	v1 =	vbroadcast v1, $0x0  }
0x1d3: {  	s19 =	simm.s32 $0x2  }
0x1d4: {  	s10 =	sor.u32 $0x80, s17;
	s11 =	sadd.s32 $0x3, s16;
	s25 =	simm.s32 $0x13D20;
	v3 =	vmul.f32 v2, v4;
	v2 =	vmul.f32 v5, v4  }
.LBB2_8:
0x1d5: {  	s18 =	sadd.s32 $0x40, s18;
	s16 =	smov.u32 s19;
	s19 =	sadd.s32 $0x2, s19  }
0x1d6: {  	p1 =	slt.u32 s19, $0x7E;
	[tilespmem:s25+$0x0] =	vst v3  }
0x1d7: {  	v3 =	vld [tilespmem:s18+$0xFFFFFFF0];
	[tilespmem:s25+$0x10] =	vst v2;
	s25 =	smov.u32 s18  }
0x1d8: {  	v1 =	vld.idx.msk [tilespmem:v1+s29+$0x0], $0xffff  }
0x1d9: {  	v2 =	vld [tilespmem:s18+$0xFFFFFFE0];
	_ =	sdelay $0x2  }
0x1da: {  	v4 =	vmov s11;
	_ =	sdelay $0x1  }
0x1db: {  	v2 =	vmul.f32 v2, v1;
	v1 =	vmul.f32 v3, v1;
	_ =	sdelay $0x1  }
0x1dc: {  	[tilespmem:s18+$0xFFFFFFE0] =	vst v2  }
0x1dd: {  	[tilespmem:s18+$0xFFFFFFF0] =	vst v1;
	v2 =	vld [tilespmem:s18+$0x0]  }
0x1de: {  	s11 =	sadd.s32 s16, s3;
	v4 =	vld.idx.msk [tilespmem:v4+s29+$0x0], $0xffff  }
0x1df: {  	s16 =	sadd.s32 $0x2, s11;
	s11 =	sadd.s32 $0x3, s11;
	v5 =	vld [tilespmem:s18+$0x10]  }
.Ltmp12:
0x1e0: {  	v1 =	vmov s16;
	(pc) =	sbr.rel @p1 .LBB2_8-.Ltmp12, $3  }
0x1e1: {  	v1 =	vand.u32 $0xFFFFFFFE, v1  }
0x1e2: {  	v1 =	vbroadcast v1, $0x0;
	_ =	sdelay $0x1  }
0x1e3: {  	v3 =	vmul.f32 v2, v4;
	v2 =	vmul.f32 v5, v4  }
0x1e4: {  	_ =	sdelay $0x1  }
0x1e5: {  	s16 =	sadd.s32 $0x40, s18;
	[tilespmem:s25+$0x0] =	vst v3  }
0x1e6: {  	v3 =	vld [tilespmem:s16+$0xFFFFFFF0];
	[tilespmem:s25+$0x10] =	vst v2  }
0x1e7: {  	v1 =	vld.idx.msk [tilespmem:v1+s29+$0x0], $0xffff  }
0x1e8: {  	v2 =	vld [tilespmem:s16+$0xFFFFFFE0];
	_ =	sdelay $0x3  }
0x1e9: {  	v4 =	vmov s11  }
0x1ea: {  	v2 =	vmul.f32 v2, v1  }
0x1eb: {  	v1 =	vmul.f32 v3, v1  }
0x1ec: {  	[tilespmem:s16+$0xFFFFFFE0] =	vst v2  }
0x1ed: {  	[tilespmem:s16+$0xFFFFFFF0] =	vst v1;
	v1 =	vld [tilespmem:s16+$0x0]  }
0x1ee: {  	v2 =	vld.idx.msk [tilespmem:v4+s29+$0x0], $0xffff  }
0x1ef: {  	v3 =	vld [tilespmem:s16+$0x10];
	_ =	sdelay $0x3  }
0x1f0: {  	v1 =	vmul.f32 v1, v2  }
0x1f1: {  	s11 =	sshll.u32 s9, $0xA;
	v2 =	vmul.f32 v3, v2  }
0x1f2: {  	s25 =	sshrl.u32 s11, $0x2;
	[tilespmem:s16+$0x0] =	vst v1  }
0x1f3: {  	s18 =	sadd.s32 $0x9F00, s25;
	[tilespmem:s16+$0x10] =	vst v2  }
0x1f4: {  	[spmem:s1] =	stream.indirect.scatter.add.f32 [tilespmem:s21], [sflag:$0x3], $0x20, s18, s0, $0xb8;
	[tilespmem:$0x1C380] =	vst v63  }
0x1f5: {  	_ =	swait.ge [sflag:s28], $0x1000  }
0x1f6: {  	s19 =	sadd.s32 $0xFFFFFFFE, s3;
	[sflag:s28] =	ssyncset.done $0x0  }
0x1f7: {  	s17 =	sadd.s32 $0xEE00, s17;
	s25 =	sadd.s32 $0x82, s19;
	[sflag:s28] =	ssyncadd.s32 $0xFFFFF000  }
0x1f8: {  	v1 =	vmov s25;
	[spmem:s2] =	stream.indirect.scatter.add.f32 [tilespmem:s17], [sflag:$0x3], $0x1, s18, s0, $0xb8;
	[tilespmem:$0x1C380] =	vst v63  }
0x1f9: {  	v1 =	vand.u32 $0xFFFFFFFE, v1;
	_ =	swait.ge [sflag:s28], $0x80  }
0x1fa: {  	v1 =	vbroadcast v1, $0x0;
	[sflag:s28] =	ssyncset.done $0x0  }
0x1fb: {  	p1 =	seq.s32 s9, $0x4E;
	[sflag:s28] =	ssyncadd.s32 $0xFFFFFF80  }
0x1fc: {  	s11 =	sshrl.u32 @!p1 s11, $0x2;
	_ =	swait.ge [sflag:s24], $0x1000  }
0x1fd: {  	s11 =	sadd.s32 @!p1 $0x5100, s11;
	[sflag:s24] =	ssyncset.done $0x0  }
0x1fe: {  	s17 =	simm.s32 @!p1 $0x80;
	s18 =	simm.s32 @!p1 $0x13D00;
	[sflag:s24] =	ssyncadd.s32 $0xFFFFF000  }
0x1ff: {  	[tilespmem:s18], [sflag:$0x1] =	stream.indirect.gather @!p1 [hbm4b:s5+s17], $0x20, s11, s17, $0xb8;
	[tilespmem:$0x1C380] =	vst v63  }
0x200: {  	s17 =	simm.s32 $0x14D20;
	v1 =	vld.idx.msk [tilespmem:v1+s29+$0x0], $0xffff  }
0x201: {  	v2 =	vld [tilespmem:s17+$0xFFFFFFE0]  }
0x202: {  	v3 =	vld [tilespmem:s17+$0xFFFFFFF0];
	_ =	sdelay $0x1  }
0x203: {  	s18 =	sadd.s32 $0x83, s19  }
0x204: {  	v4 =	vmov s18  }
0x205: {  	v2 =	vmul.f32 v2, v1  }
0x206: {  	v1 =	vmul.f32 v3, v1  }
0x207: {  	v5 =	vld [tilespmem:s17+$0x10];
	[tilespmem:s17+$0xFFFFFFE0] =	vst v2  }
0x208: {  	s19 =	sadd.s32 $0x0, s3;
	[tilespmem:s17+$0xFFFFFFF0] =	vst v1;
	v2 =	vld [tilespmem:s17+$0x0]  }
0x209: {  	s25 =	sadd.s32 $0x82, s19;
	v4 =	vld.idx.msk [tilespmem:v4+s29+$0x0], $0xffff  }
0x20a: {  	v1 =	vmov s25  }
0x20b: {  	v1 =	vand.u32 $0xFFFFFFFE, v1  }
0x20c: {  	v1 =	vbroadcast v1, $0x0;
	_ =	sdelay $0x1  }
0x20d: {  	s18 =	simm.s32 $0x2;
	s11 =	sadd.s32 $0x83, s19;
	s19 =	simm.s32 $0x14D20;
	v3 =	vmul.f32 v2, v4;
	v2 =	vmul.f32 v5, v4  }
.LBB2_10:
0x20e: {  	s17 =	sadd.s32 $0x40, s17;
	s16 =	smov.u32 s18;
	s18 =	sadd.s32 $0x2, s18  }
0x20f: {  	p1 =	slt.u32 s18, $0x7E;
	[tilespmem:s19+$0x0] =	vst v3  }
0x210: {  	v3 =	vld [tilespmem:s17+$0xFFFFFFF0];
	[tilespmem:s19+$0x10] =	vst v2;
	s19 =	smov.u32 s17  }
0x211: {  	v1 =	vld.idx.msk [tilespmem:v1+s29+$0x0], $0xffff  }
0x212: {  	v2 =	vld [tilespmem:s17+$0xFFFFFFE0];
	_ =	sdelay $0x2  }
0x213: {  	v4 =	vmov s11;
	_ =	sdelay $0x1  }
0x214: {  	v2 =	vmul.f32 v2, v1;
	v1 =	vmul.f32 v3, v1;
	_ =	sdelay $0x1  }
0x215: {  	[tilespmem:s17+$0xFFFFFFE0] =	vst v2  }
0x216: {  	[tilespmem:s17+$0xFFFFFFF0] =	vst v1;
	v2 =	vld [tilespmem:s17+$0x0]  }
0x217: {  	s11 =	sadd.s32 s16, s3;
	v4 =	vld.idx.msk [tilespmem:v4+s29+$0x0], $0xffff  }
0x218: {  	s16 =	sadd.s32 $0x82, s11;
	s11 =	sadd.s32 $0x83, s11;
	v5 =	vld [tilespmem:s17+$0x10]  }
.Ltmp13:
0x219: {  	v1 =	vmov s16;
	(pc) =	sbr.rel @p1 .LBB2_10-.Ltmp13, $3  }
0x21a: {  	v1 =	vand.u32 $0xFFFFFFFE, v1  }
0x21b: {  	v1 =	vbroadcast v1, $0x0;
	_ =	sdelay $0x1  }
0x21c: {  	v3 =	vmul.f32 v2, v4;
	v2 =	vmul.f32 v5, v4  }
0x21d: {  	_ =	sdelay $0x1  }
0x21e: {  	s16 =	sadd.s32 $0x40, s17;
	[tilespmem:s19+$0x0] =	vst v3  }
0x21f: {  	v3 =	vld [tilespmem:s16+$0xFFFFFFF0];
	[tilespmem:s19+$0x10] =	vst v2  }
0x220: {  	v1 =	vld.idx.msk [tilespmem:v1+s29+$0x0], $0xffff  }
0x221: {  	v2 =	vld [tilespmem:s16+$0xFFFFFFE0];
	_ =	sdelay $0x3  }
0x222: {  	v4 =	vmov s11  }
0x223: {  	v2 =	vmul.f32 v2, v1  }
0x224: {  	v1 =	vmul.f32 v3, v1  }
0x225: {  	[tilespmem:s16+$0xFFFFFFE0] =	vst v2  }
0x226: {  	[tilespmem:s16+$0xFFFFFFF0] =	vst v1;
	v1 =	vld [tilespmem:s16+$0x0]  }
0x227: {  	v2 =	vld.idx.msk [tilespmem:v4+s29+$0x0], $0xffff  }
0x228: {  	v3 =	vld [tilespmem:s16+$0x10];
	_ =	sdelay $0x3  }
0x229: {  	v1 =	vmul.f32 v1, v2  }
0x22a: {  	v2 =	vmul.f32 v3, v2  }
0x22b: {  	[tilespmem:s16+$0x0] =	vst v1  }
0x22c: {  	s19 =	sadd.s32 $0x9F00, s10;
	[tilespmem:s16+$0x10] =	vst v2  }
0x22d: {  	[spmem:s1] =	stream.indirect.scatter.add.f32 [tilespmem:s22], [sflag:$0x3], $0x20, s19, s0, $0xb8;
	[tilespmem:$0x1C380] =	vst v63  }
0x22e: {  	s9 =	sadd.s32 $0x1, s9;
	_ =	swait.ge [sflag:s28], $0x1000  }
0x22f: {  	p1 =	sne.s32 s9, $0x4F;
	[sflag:s28] =	ssyncset.done $0x0  }
.Ltmp14:
0x230: {  	s25 =	sadd.s32 $0xEE00, s10;
	[sflag:s28] =	ssyncadd.s32 $0xFFFFF000;
	(pc) =	sbr.rel @p1 .LBB2_7-.Ltmp14, $4  }
0x231: {  	[spmem:s2] =	stream.indirect.scatter.add.f32 [tilespmem:s25], [sflag:$0x3], $0x1, s19, s0, $0xb8;
	[tilespmem:$0x1C380] =	vst v63  }
0x232: {  	_ =	swait.ge [sflag:s28], $0x80  }
0x233: {  	[sflag:s28] =	ssyncset.done $0x0  }
0x234: {  	s3 =	sadd.s32 $0x100, s3;
	[sflag:s28] =	ssyncadd.s32 $0xFFFFFF80  }
0x235: {  	s3 =	stileid.u32  }
0x236: {  	[bflag:$0x0] =	sbarrier.arrive $0xFFFF;
	s3 =	sshll.u32 s3, $0x6  }
0x237: {  	s9 =	sshrl.u32 s12, $0x3;
	s10 =	rddreg [dreg:$0xc];
	s3 =	sor.u32 $0x1C03, s3  }
0x238: {  	[hbm:s10], [sflag:s3] =	dma.local [spmem:s9], $0xA00  }
0x239: {  	_ =	swait.ge [sflag:s28], $0xA00  }
0x23a: {  	[sflag:s28] =	ssyncset.done $0x0;
	s19 =	rddreg [dreg:$0x8]  }
0x23b: {  	s25 =	rddreg [dreg:$0xd];
	[sflag:s28] =	ssyncadd.s32 $0xFFFFF600;
	s9 =	sshrl.u32 s19, $0x3  }
0x23c: {  	[hbm:s25], [sflag:s3] =	dma.local [spmem:s9], $0x50  }
0x23d: {  	_ =	swait.ge [sflag:s28], $0x50  }
0x23e: {  	[sflag:s28] =	ssyncset.done $0x0  }
0x23f: {  	[sflag:s28] =	ssyncadd.s32 $0xFFFFFFB0  }
0x240: {  	[spmem:s12] =	stream.linear.scatter [tilespmem:s26], [sflag:$0x3], $0x1400, $0x38;
	[tilespmem:$0x1C380] =	vst v63  }
0x241: {  	_ =	swait.ge [sflag:s28], $0x1400  }
0x242: {  	[sflag:s28] =	ssyncset.done $0x0  }
0x243: {  	[sflag:s28] =	ssyncadd.s32 $0xFFFFEC00  }
0x244: {  	[spmem:s13] =	stream.linear.scatter [tilespmem:s26], [sflag:$0x3], $0x1400, $0x38;
	[tilespmem:$0x1C380] =	vst v63  }
0x245: {  	_ =	swait.ge [sflag:s28], $0x1400  }
0x246: {  	[sflag:s28] =	ssyncset.done $0x0  }
0x247: {  	[sflag:s28] =	ssyncadd.s32 $0xFFFFEC00  }
0x248: {  	[spmem:s14] =	stream.linear.scatter [tilespmem:s26], [sflag:$0x3], $0x1400, $0x38;
	[tilespmem:$0x1C380] =	vst v63  }
0x249: {  	_ =	swait.ge [sflag:s28], $0x1400  }
0x24a: {  	[sflag:s28] =	ssyncset.done $0x0  }
0x24b: {  	[sflag:s28] =	ssyncadd.s32 $0xFFFFEC00  }
0x24c: {  	[spmem:s15] =	stream.linear.scatter [tilespmem:s26], [sflag:$0x3], $0x1400, $0x38;
	[tilespmem:$0x1C380] =	vst v63  }
0x24d: {  	_ =	swait.ge [sflag:s28], $0x1400  }
0x24e: {  	[sflag:s28] =	ssyncset.done $0x0  }
0x24f: {  	[sflag:s28] =	ssyncadd.s32 $0xFFFFEC00  }
0x250: {  	s10 =	simm.s32 $0x0;
	s9 =	simm.s32 $0x0;
	[bflag:$0x0] =	sbarrier.arrive $0xFFFF  }
0x251: {  	[tilespmem:s21], [sflag:$0x1] =	stream.indirect.gather [hbm4b:s6+s0], $0x20, s31, s0, $0xb8;
	[tilespmem:$0x1C380] =	vst v63  }
.LBB2_13:
0x252: {  	s11 =	sadd.s32 $0xFFFFFFFE, s9  }
0x253: {  	s16 =	sadd.s32 $0x2, s11  }
0x254: {  	v1 =	vmov s16  }
0x255: {  	v1 =	vand.u32 $0xFFFFFFFE, v1  }
0x256: {  	v1 =	vbroadcast v1, $0x0  }
0x257: {  	_ =	swait.ge [sflag:s23], $0x1000  }
0x258: {  	s19 =	sshll.u32 s10, $0x8;
	[sflag:s23] =	ssyncset.done $0x0  }
0x259: {  	s18 =	simm.s32 $0x13D20;
	s17 =	sadd.s32 $0x5080, s19;
	[sflag:s23] =	ssyncadd.s32 $0xFFFFF000  }
0x25a: {  	[tilespmem:s22], [sflag:$0x2] =	stream.indirect.gather [hbm4b:s6+s0], $0x20, s17, s0, $0xb8;
	[tilespmem:$0x1C380] =	vst v63  }
0x25b: {  	v2 =	vld [tilespmem:s18+$0xFFFFFFE0]  }
0x25c: {  	v1 =	vld.idx.msk [tilespmem:v1+s29+$0x0], $0xffff  }
0x25d: {  	v3 =	vld [tilespmem:s18+$0xFFFFFFF0];
	_ =	sdelay $0x1  }
0x25e: {  	s11 =	sadd.s32 $0x3, s11  }
0x25f: {  	v4 =	vmov s11  }
0x260: {  	v2 =	vmul.f32 v2, v1  }
0x261: {  	v1 =	vmul.f32 v3, v1  }
0x262: {  	v5 =	vld [tilespmem:s18+$0x10];
	[tilespmem:s18+$0xFFFFFFE0] =	vst v2  }
0x263: {  	s11 =	sadd.s32 $0x0, s9;
	[tilespmem:s18+$0xFFFFFFF0] =	vst v1;
	v2 =	vld [tilespmem:s18+$0x0]  }
0x264: {  	s25 =	sadd.s32 $0x2, s11;
	v4 =	vld.idx.msk [tilespmem:v4+s29+$0x0], $0xffff  }
0x265: {  	v1 =	vmov s25  }
0x266: {  	v1 =	vand.u32 $0xFFFFFFFE, v1  }
0x267: {  	v1 =	vbroadcast v1, $0x0  }
0x268: {  	s17 =	sor.u32 $0x80, s19  }
0x269: {  	s19 =	simm.s32 $0x2;
	s11 =	sadd.s32 $0x3, s11;
	s25 =	simm.s32 $0x13D20;
	v3 =	vmul.f32 v2, v4;
	v2 =	vmul.f32 v5, v4  }
.LBB2_14:
0x26a: {  	s18 =	sadd.s32 $0x40, s18;
	s16 =	smov.u32 s19;
	s19 =	sadd.s32 $0x2, s19  }
0x26b: {  	p1 =	slt.u32 s19, $0x7E;
	[tilespmem:s25+$0x0] =	vst v3  }
0x26c: {  	v3 =	vld [tilespmem:s18+$0xFFFFFFF0];
	[tilespmem:s25+$0x10] =	vst v2;
	s25 =	smov.u32 s18  }
0x26d: {  	v1 =	vld.idx.msk [tilespmem:v1+s29+$0x0], $0xffff  }
0x26e: {  	v2 =	vld [tilespmem:s18+$0xFFFFFFE0];
	_ =	sdelay $0x2  }
0x26f: {  	v4 =	vmov s11;
	_ =	sdelay $0x1  }
0x270: {  	v2 =	vmul.f32 v2, v1;
	v1 =	vmul.f32 v3, v1;
	_ =	sdelay $0x1  }
0x271: {  	[tilespmem:s18+$0xFFFFFFE0] =	vst v2  }
0x272: {  	[tilespmem:s18+$0xFFFFFFF0] =	vst v1;
	v2 =	vld [tilespmem:s18+$0x0]  }
0x273: {  	s11 =	sadd.s32 s16, s9;
	v4 =	vld.idx.msk [tilespmem:v4+s29+$0x0], $0xffff  }
0x274: {  	s16 =	sadd.s32 $0x2, s11;
	s11 =	sadd.s32 $0x3, s11;
	v5 =	vld [tilespmem:s18+$0x10]  }
.Ltmp15:
0x275: {  	v1 =	vmov s16;
	(pc) =	sbr.rel @p1 .LBB2_14-.Ltmp15, $3  }
0x276: {  	v1 =	vand.u32 $0xFFFFFFFE, v1  }
0x277: {  	v1 =	vbroadcast v1, $0x0;
	_ =	sdelay $0x1  }
0x278: {  	v3 =	vmul.f32 v2, v4;
	v2 =	vmul.f32 v5, v4  }
0x279: {  	_ =	sdelay $0x1  }
0x27a: {  	s16 =	sadd.s32 $0x40, s18;
	[tilespmem:s25+$0x0] =	vst v3  }
0x27b: {  	v3 =	vld [tilespmem:s16+$0xFFFFFFF0];
	[tilespmem:s25+$0x10] =	vst v2  }
0x27c: {  	v1 =	vld.idx.msk [tilespmem:v1+s29+$0x0], $0xffff  }
0x27d: {  	v2 =	vld [tilespmem:s16+$0xFFFFFFE0];
	_ =	sdelay $0x3  }
0x27e: {  	v4 =	vmov s11  }
0x27f: {  	v2 =	vmul.f32 v2, v1  }
0x280: {  	v1 =	vmul.f32 v3, v1  }
0x281: {  	[tilespmem:s16+$0xFFFFFFE0] =	vst v2  }
0x282: {  	[tilespmem:s16+$0xFFFFFFF0] =	vst v1;
	v1 =	vld [tilespmem:s16+$0x0]  }
0x283: {  	v2 =	vld.idx.msk [tilespmem:v4+s29+$0x0], $0xffff  }
0x284: {  	v3 =	vld [tilespmem:s16+$0x10];
	_ =	sdelay $0x3  }
0x285: {  	v1 =	vmul.f32 v1, v2  }
0x286: {  	s11 =	sshll.u32 s10, $0xA;
	v2 =	vmul.f32 v3, v2  }
0x287: {  	s25 =	sshrl.u32 s11, $0x2;
	[tilespmem:s16+$0x0] =	vst v1  }
0x288: {  	s19 =	sadd.s32 $0x9F00, s25;
	[tilespmem:s16+$0x10] =	vst v2;
	s16 =	sadd.s32 $0xFFFFFFFE, s9  }
0x289: {  	[spmem:s1] =	stream.indirect.scatter.add.f32 [tilespmem:s21], [sflag:$0x3], $0x20, s19, s0, $0xb8;
	[tilespmem:$0x1C380] =	vst v63  }
0x28a: {  	s25 =	sadd.s32 $0x82, s16;
	_ =	swait.ge [sflag:s28], $0x1000  }
0x28b: {  	v1 =	vmov s25;
	[sflag:s28] =	ssyncset.done $0x0  }
0x28c: {  	v1 =	vand.u32 $0xFFFFFFFE, v1;
	[sflag:s28] =	ssyncadd.s32 $0xFFFFF000  }
0x28d: {  	p1 =	seq.s32 s10, $0x4E;
	v1 =	vbroadcast v1, $0x0;
	_ =	swait.ge [sflag:s24], $0x1000  }
0x28e: {  	s18 =	simm.s32 @!p1 $0x80;
	s11 =	sshrl.u32 @!p1 s11, $0x2;
	[sflag:s24] =	ssyncset.done $0x0  }
0x28f: {  	s11 =	sadd.s32 @!p1 $0x5100, s11;
	s19 =	simm.s32 @!p1 $0x13D00;
	[sflag:s24] =	ssyncadd.s32 $0xFFFFF000  }
0x290: {  	[tilespmem:s19], [sflag:$0x1] =	stream.indirect.gather @!p1 [hbm4b:s6+s18], $0x20, s11, s18, $0xb8;
	[tilespmem:$0x1C380] =	vst v63  }
0x291: {  	s18 =	simm.s32 $0x14D20  }
0x292: {  	v2 =	vld [tilespmem:s18+$0xFFFFFFE0]  }
0x293: {  	v1 =	vld.idx.msk [tilespmem:v1+s29+$0x0], $0xffff  }
0x294: {  	v3 =	vld [tilespmem:s18+$0xFFFFFFF0];
	_ =	sdelay $0x1  }
0x295: {  	s19 =	sadd.s32 $0x83, s16  }
0x296: {  	v4 =	vmov s19  }
0x297: {  	v2 =	vmul.f32 v2, v1  }
0x298: {  	v1 =	vmul.f32 v3, v1  }
0x299: {  	v5 =	vld [tilespmem:s18+$0x10];
	[tilespmem:s18+$0xFFFFFFE0] =	vst v2  }
0x29a: {  	s11 =	sadd.s32 $0x0, s9;
	[tilespmem:s18+$0xFFFFFFF0] =	vst v1;
	v2 =	vld [tilespmem:s18+$0x0]  }
0x29b: {  	s25 =	sadd.s32 $0x82, s11;
	v4 =	vld.idx.msk [tilespmem:v4+s29+$0x0], $0xffff  }
0x29c: {  	v1 =	vmov s25  }
0x29d: {  	v1 =	vand.u32 $0xFFFFFFFE, v1  }
0x29e: {  	v1 =	vbroadcast v1, $0x0;
	_ =	sdelay $0x1  }
0x29f: {  	s19 =	simm.s32 $0x2;
	s11 =	sadd.s32 $0x83, s11;
	s25 =	simm.s32 $0x14D20;
	v3 =	vmul.f32 v2, v4;
	v2 =	vmul.f32 v5, v4  }
.LBB2_16:
0x2a0: {  	s18 =	sadd.s32 $0x40, s18;
	s16 =	smov.u32 s19;
	s19 =	sadd.s32 $0x2, s19  }
0x2a1: {  	p1 =	slt.u32 s19, $0x7E;
	[tilespmem:s25+$0x0] =	vst v3  }
0x2a2: {  	v3 =	vld [tilespmem:s18+$0xFFFFFFF0];
	[tilespmem:s25+$0x10] =	vst v2;
	s25 =	smov.u32 s18  }
0x2a3: {  	v1 =	vld.idx.msk [tilespmem:v1+s29+$0x0], $0xffff  }
0x2a4: {  	v2 =	vld [tilespmem:s18+$0xFFFFFFE0];
	_ =	sdelay $0x2  }
0x2a5: {  	v4 =	vmov s11;
	_ =	sdelay $0x1  }
0x2a6: {  	v2 =	vmul.f32 v2, v1;
	v1 =	vmul.f32 v3, v1;
	_ =	sdelay $0x1  }
0x2a7: {  	[tilespmem:s18+$0xFFFFFFE0] =	vst v2  }
0x2a8: {  	[tilespmem:s18+$0xFFFFFFF0] =	vst v1;
	v2 =	vld [tilespmem:s18+$0x0]  }
0x2a9: {  	s11 =	sadd.s32 s16, s9;
	v4 =	vld.idx.msk [tilespmem:v4+s29+$0x0], $0xffff  }
0x2aa: {  	s16 =	sadd.s32 $0x82, s11;
	s11 =	sadd.s32 $0x83, s11;
	v5 =	vld [tilespmem:s18+$0x10]  }
.Ltmp16:
0x2ab: {  	v1 =	vmov s16;
	(pc) =	sbr.rel @p1 .LBB2_16-.Ltmp16, $3  }
0x2ac: {  	v1 =	vand.u32 $0xFFFFFFFE, v1  }
0x2ad: {  	v1 =	vbroadcast v1, $0x0;
	_ =	sdelay $0x1  }
0x2ae: {  	v3 =	vmul.f32 v2, v4;
	v2 =	vmul.f32 v5, v4  }
0x2af: {  	_ =	sdelay $0x1  }
0x2b0: {  	s16 =	sadd.s32 $0x40, s18;
	[tilespmem:s25+$0x0] =	vst v3  }
0x2b1: {  	v3 =	vld [tilespmem:s16+$0xFFFFFFF0];
	[tilespmem:s25+$0x10] =	vst v2  }
0x2b2: {  	v1 =	vld.idx.msk [tilespmem:v1+s29+$0x0], $0xffff  }
0x2b3: {  	v2 =	vld [tilespmem:s16+$0xFFFFFFE0];
	_ =	sdelay $0x3  }
0x2b4: {  	v4 =	vmov s11  }
0x2b5: {  	v2 =	vmul.f32 v2, v1  }
0x2b6: {  	v1 =	vmul.f32 v3, v1  }
0x2b7: {  	[tilespmem:s16+$0xFFFFFFE0] =	vst v2  }
0x2b8: {  	[tilespmem:s16+$0xFFFFFFF0] =	vst v1;
	v1 =	vld [tilespmem:s16+$0x0]  }
0x2b9: {  	v2 =	vld.idx.msk [tilespmem:v4+s29+$0x0], $0xffff  }
0x2ba: {  	v3 =	vld [tilespmem:s16+$0x10];
	_ =	sdelay $0x3  }
0x2bb: {  	v1 =	vmul.f32 v1, v2  }
0x2bc: {  	s10 =	sadd.s32 $0x1, s10;
	v2 =	vmul.f32 v3, v2  }
0x2bd: {  	p1 =	seq.s32 s10, $0x4F;
	[tilespmem:s16+$0x0] =	vst v1  }
.Ltmp17:
0x2be: {  	s25 =	sadd.s32 $0x9F00, s17;
	[tilespmem:s16+$0x10] =	vst v2;
	(pc) =	sbr.rel @!p1 .LBB2_13-.Ltmp17, $4  }
0x2bf: {  	[spmem:s1] =	stream.indirect.scatter.add.f32 [tilespmem:s22], [sflag:$0x3], $0x20, s25, s0, $0xb8;
	[tilespmem:$0x1C380] =	vst v63  }
0x2c0: {  	_ =	swait.ge [sflag:s28], $0x1000  }
0x2c1: {  	[sflag:s28] =	ssyncset.done $0x0  }
0x2c2: {  	s9 =	sadd.s32 $0x100, s9;
	[sflag:s28] =	ssyncadd.s32 $0xFFFFF000  }
.Ltmp18:
0x2c3: {  	(pc) =	sbr.rel .LBB2_32-.Ltmp18, $2  }
0x2c4: {  	_ =	sdelay $0x2  }
0x2c5: {  	s9 =	rddreg [dreg:$0xe]  }
.LBB2_33:
0x2c6: {  	_ =	sfence.sel $0x180000  }
0x2c7: {  	[bflag:$0x0] =	sbarrier.arrive $0xFFFF  }
0x2c8: {  	_ =	strace $0x90000047  }
0x2c9: {  	s0 =	stileid.u32;
	[bflag:$0x2] =	sbarrier.arrive $0xFFFF  }
0x2ca: {  	p0 =	sne.s32 s0, $0x0;
	s0 =	rddreg [dreg:$0x4]  }
0x2cb: {  	s0 =	sadd.s32 @!p0 $0x100000, s0  }
0x2cc: {  	[sflag:s0] =	ssyncadd.tile.s32 @!p0 $0x1;
	_ =	shalt  }
.Lfunc_end2:
_tile_overlayer_lowered:
.L_overlay_start_2:
0x2cd: {  	(tag) =	ssettag $0x2  }
0x2ce: {  	s0 =	rddreg [dreg:$0x0];
	s2 =	stileid.u32  }
0x2cf: {  	s1 =	rddreg [dreg:$0x1];
	p0 =	sne.s32 s2, $0x0  }
0x2d0: {  	s3 =	rddreg [dreg:$0x2];
	[bflag:$0x3] =	sbarrier.arrive $0xFFFF;
	s2 =	simm.s32 @!p0 $0x1C03  }
0x2d1: {  	[timem:s3], [sflag:s2] =	dma.local @!p0 [hbm:s0], s1  }
0x2d2: {  	s0 =	simm.s32 @!p0 $0x3  }
0x2d3: {  	_ =	swait.ge @!p0 [sflag:s0], s1  }
0x2d4: {  	s1 =	ssub.s32 @!p0 $0x0, s1;
	[sflag:s0] =	ssyncset.done @!p0 $0x0  }
0x2d5: {  	[sflag:s0] =	ssyncadd.s32 @!p0 s1  }
0x2d6: {  	[bflag:$0x3] =	sbarrier.arrive $0xFFFF  }
0x2d7: {  	_ =	shalt  }

</sc_bundles>
